<compile_context>
chip_gen: v7x
topology: tpu7x:2x2x1
jax: 0.10.2.dev20260603
libtpu: 0.0.44.dev20260713+nightly
codegen_flags: <defaults>
</compile_context>

<pallas_src>
import functools

import jax
import jax.numpy as jnp
from jax import lax
from jax.experimental import pallas as pl
from jax.experimental.pallas import tpu as pltpu
from jax.experimental.pallas import tpu_sc as plsc

_EPS = 1e-12

_NUM_CORES = 2
_NUM_SUBCORES = 16
_NUM_WORKERS = _NUM_CORES * _NUM_SUBCORES
_CHUNK = 64


def _sc_gather(word_table, flat_ids):
    n = flat_ids.shape[0]
    d = word_table.shape[1]
    b_per_w = n // _NUM_WORKERS
    n_chunks = b_per_w // _CHUNK
    assert n_chunks % 2 == 0 and n_chunks >= 4
    mesh = plsc.VectorSubcoreMesh(core_axis_name="c", subcore_axis_name="s")

    @functools.partial(
        pl.kernel,
        mesh=mesh,
        out_type=jax.ShapeDtypeStruct((n, d), jnp.float32),
        scratch_types=[
            pltpu.VMEM((b_per_w,), jnp.int32),
            pltpu.VMEM((_CHUNK, d), jnp.float32),
            pltpu.VMEM((_CHUNK, d), jnp.float32),
            pltpu.SemaphoreType.DMA,
            pltpu.SemaphoreType.DMA,
        ],
    )
    def gather_kernel(table_hbm, idx_hbm, out_hbm, idx_v, rows0, rows1, sem0, sem1):
        wid = lax.axis_index("s") * _NUM_CORES + lax.axis_index("c")
        base = wid * b_per_w
        pltpu.sync_copy(idx_hbm.at[pl.ds(base, b_per_w)], idx_v)

        def gather_start(c, buf, sem):
            off = pl.multiple_of(c * _CHUNK, _CHUNK)
            return pltpu.make_async_copy(
                table_hbm.at[idx_v.at[pl.ds(off, _CHUNK)]], buf, sem
            )

        def write_out(c, buf):
            off = pl.multiple_of(c * _CHUNK, _CHUNK)
            pltpu.sync_copy(buf, out_hbm.at[pl.ds(base + off, _CHUNK)])

        gather_start(0, rows0, sem0).start()
        gather_start(1, rows1, sem1).start()

        @pl.loop(0, n_chunks - 2, step=2)
        def _(c):
            gather_start(c, rows0, sem0).wait()
            write_out(c, rows0)
            gather_start(c + 2, rows0, sem0).start()
            gather_start(c + 1, rows1, sem1).wait()
            write_out(c + 1, rows1)
            gather_start(c + 3, rows1, sem1).start()

        gather_start(n_chunks - 2, rows0, sem0).wait()
        write_out(n_chunks - 2, rows0)
        gather_start(n_chunks - 1, rows1, sem1).wait()
        write_out(n_chunks - 1, rows1)

    return gather_kernel(word_table, flat_ids)


_BB = 4


def _ln_body(x_ref, pos_ref, g_ref, beta_ref, o_ref):
    x = x_ref[...] + pos_ref[...][None, :, :]
    mean = jnp.mean(x, axis=-1, keepdims=True)
    xc = x - mean
    var = jnp.mean(xc * xc, axis=-1, keepdims=True)
    inv = lax.rsqrt(var + _EPS)
    o_ref[...] = xc * inv * g_ref[...] + beta_ref[...]


def _tc_add_ln_slice(full_b, block_base, prev_out, gathered, pos_table, ln_gamma, ln_beta):
    bs, l, d = gathered.shape

    data_specs = [
        pl.BlockSpec((_BB, l, d), lambda i: (i, 0, 0)),
        pl.BlockSpec((l, d), lambda i: (0, 0)),
        pl.BlockSpec((d,), lambda i: (0,)),
        pl.BlockSpec((d,), lambda i: (0,)),
    ]
    out_spec = pl.BlockSpec((_BB, l, d), lambda i: (block_base + i, 0, 0))
    out_shape = jax.ShapeDtypeStruct((full_b, l, d), jnp.float32)
    args = (gathered, pos_table, ln_gamma, ln_beta)

    if prev_out is None:
        body = _ln_body
        in_specs = data_specs
        aliases = {}
    else:
        def body(big_ref, *refs):
            del big_ref
            _ln_body(*refs)

        in_specs = [pl.BlockSpec(memory_space=pl.ANY)] + data_specs
        aliases = {0: 0}
        args = (prev_out,) + args

    return pl.pallas_call(
        body,
        grid=(bs // _BB,),
        in_specs=in_specs,
        out_specs=out_spec,
        out_shape=out_shape,
        input_output_aliases=aliases,
    )(*args)


def kernel(input_ids, word_table, pos_table, ln_gamma, ln_beta):
    b, l = input_ids.shape
    d = word_table.shape[1]
    n_slices = 4
    bs = b // n_slices
    flat_ids = input_ids.reshape(-1).astype(jnp.int32)

    gathered = [
        _sc_gather(word_table, flat_ids[i * bs * l:(i + 1) * bs * l])
        for i in range(n_slices)
    ]
    out = None
    for i in range(n_slices):
        out = _tc_add_ln_slice(
            b, i * (bs // _BB), out, gathered[i].reshape(bs, l, d),
            pos_table, ln_gamma, ln_beta,
        )
    return out

# --- scband reference (transcript-rebuilt; emitter-appended) ---
"""Pipeline reference for scband-embeddings-76063870812456 (READ-ONLY COPY).

The authoritative reference and input builder live on the scoring server;
editing this copy changes nothing except your own understanding.
"""

import jax, jax.numpy as jnp
import numpy as np

VOCAB = 119547
MAX_POS = 512
DIM = 768
B = 256
L = 512
EPS = 1e-12


def setup_inputs(seed: int = 0) -> dict:
    key = jax.random.key(seed)
    k1, k2, k3 = jax.random.split(key, 3)
    input_ids = jax.random.randint(k1, (B, L), 0, VOCAB, dtype=jnp.int64 if jax.config.jax_enable_x64 else jnp.int32)
    word_table = jax.random.normal(k2, (VOCAB, DIM), dtype=jnp.float32) * 0.02
    # padding_idx=0 row zeroed like nn.Embedding(padding_idx=0)
    word_table = word_table.at[0].set(0.0)
    pos_table = jax.random.normal(k3, (MAX_POS, DIM), dtype=jnp.float32) * 0.02
    ln_gamma = jnp.ones((DIM,), dtype=jnp.float32)
    ln_beta = jnp.zeros((DIM,), dtype=jnp.float32)
    return {
        "input_ids": input_ids,
        "word_table": word_table,
        "pos_table": pos_table,
        "ln_gamma": ln_gamma,
        "ln_beta": ln_beta,
    }


def reference(input_ids, word_table, pos_table, ln_gamma, ln_beta):
    seq_length = input_ids.shape[1]
    position_ids = jnp.arange(seq_length)[None, :]  # [1, L]
    word_embeds = jnp.take(word_table, input_ids, axis=0)        # [B, L, D] gather
    position_embeds = jnp.take(pos_table, position_ids, axis=0)  # [1, L, D] gather
    embeddings = word_embeds + position_embeds
    # LayerNorm over last dim, eps=1e-12
    mean = jnp.mean(embeddings, axis=-1, keepdims=True)
    var = jnp.mean((embeddings - mean) ** 2, axis=-1, keepdims=True)
    normed = (embeddings - mean) / jnp.sqrt(var + EPS)
    out = normed * ln_gamma + ln_beta
    # dropout is identity in eval mode
    return out

if __name__ == "__main__":
    import jax
    _d = setup_inputs()
    print(jax.jit(kernel)(*tuple(_d.values())))

</pallas_src>

<mosaic_0001>
#map = affine_map<(d0, d1) -> (0, 0)>
#map1 = affine_map<(d0, d1) -> (0)>
module attributes {stable_mosaic.version = 14 : i64} {
  func.func @gather_kernel(%arg0: i32, %arg1: i32, %arg2: memref<119547x768xf32, #tpu.memory_space<hbm>>, %arg3: memref<32768xi32, #tpu.memory_space<hbm>>, %arg4: memref<32768x768xf32, #tpu.memory_space<hbm>>, %arg5: memref<1024xi32, #tpu.memory_space<vmem>>, %arg6: memref<64x768xf32, #tpu.memory_space<vmem>>, %arg7: memref<64x768xf32, #tpu.memory_space<vmem>>, %arg8: memref<!tpu.dma_semaphore, #tpu.memory_space<semaphore_mem>>, %arg9: memref<!tpu.dma_semaphore, #tpu.memory_space<semaphore_mem>>) attributes {dimension_semantics = [#tpu.dimension_semantics<core_parallel>, #tpu.dimension_semantics<subcore_parallel>], iteration_bounds = array<i64: 2, 16>, scalar_prefetch = 0 : i64, scratch_operands = 5 : i64, tpu.core_type = #tpu.core_type<sc_vector_subcore>, window_params = [{transform_indices = #map}, {transform_indices = #map1}, {transform_indices = #map}]} {
    %mul3A = arith.constant 2 : i32
    %mul3A_0 = arith.muli %arg1, %mul3A : i32
    %add3A = arith.addi %mul3A_0, %arg0 : i32
    %mul3A_1 = arith.constant 1024 : i32
    %mul3A_2 = arith.muli %add3A, %mul3A_1 : i32
    "tpu.region"() ({
      %run_scoped3A = tpu.sem_alloc : memref<!tpu.dma_semaphore, #tpu.memory_space<semaphore_mem>>
      %dma_start3A_34 = tpu.memref_slice %arg3[%mul3A_2] : memref<32768xi32, #tpu.memory_space<hbm>> -> memref<1024xi32, #tpu.memory_space<hbm>>
      %dma_start3A_35 = tpu.memref_slice %arg3[%mul3A_2] : memref<32768xi32, #tpu.memory_space<hbm>> -> memref<1024xi32, #tpu.memory_space<hbm>>
      tpu.enqueue_dma source(%dma_start3A_35 : memref<1024xi32, #tpu.memory_space<hbm>>) target(%arg5 : memref<1024xi32, #tpu.memory_space<vmem>>) target_semaphore(%run_scoped3A : memref<!tpu.dma_semaphore, #tpu.memory_space<semaphore_mem>>)
      %dma_wait3A_36 = tpu.memref_slice %arg3[%mul3A_2] : memref<32768xi32, #tpu.memory_space<hbm>> -> memref<1024xi32, #tpu.memory_space<hbm>>
      %dma_wait3A_37 = tpu.memref_slice %arg3[%mul3A_2] : memref<32768xi32, #tpu.memory_space<hbm>> -> memref<1024xi32, #tpu.memory_space<hbm>>
      tpu.wait_dma2 semaphore(%run_scoped3A : memref<!tpu.dma_semaphore, #tpu.memory_space<semaphore_mem>>) src(%dma_wait3A_37 : memref<1024xi32, #tpu.memory_space<hbm>>) dst(%arg5 : memref<1024xi32, #tpu.memory_space<vmem>>)
      tpu.yield
    }) : () -> ()
    %multiple_of3A = arith.constant 0 : i32
    %multiple_of3A_3 = tpu.assume_multiple %multiple_of3A, 64 : i32
    %dma_start3A = tpu.memref_slice %arg5[%multiple_of3A_3] : memref<1024xi32, #tpu.memory_space<vmem>> -> memref<64xi32, #tpu.memory_space<vmem>>
    %dma_start3A_4 = arith.constant 0 : i32
    %dma_start3A_5 = arith.constant 0 : i32
    %dma_start3A_6 = tpu.memref_slice %arg2[%dma_start3A_4, %dma_start3A_5] : memref<119547x768xf32, #tpu.memory_space<hbm>> -> memref<119547x768xf32, #tpu.memory_space<hbm>>
    tpu.enqueue_indirect_dma source(%dma_start3A_6 : memref<119547x768xf32, #tpu.memory_space<hbm>>) target(%arg6 : memref<64x768xf32, #tpu.memory_space<vmem>>) offsets(%dma_start3A : memref<64xi32, #tpu.memory_space<vmem>>) semaphore(%arg8 : memref<!tpu.dma_semaphore, #tpu.memory_space<semaphore_mem>>)
    %multiple_of3A_7 = arith.constant 64 : i32
    %multiple_of3A_8 = tpu.assume_multiple %multiple_of3A_7, 64 : i32
    %dma_start3A_9 = tpu.memref_slice %arg5[%multiple_of3A_8] : memref<1024xi32, #tpu.memory_space<vmem>> -> memref<64xi32, #tpu.memory_space<vmem>>
    %dma_start3A_10 = arith.constant 0 : i32
    %dma_start3A_11 = arith.constant 0 : i32
    %dma_start3A_12 = tpu.memref_slice %arg2[%dma_start3A_10, %dma_start3A_11] : memref<119547x768xf32, #tpu.memory_space<hbm>> -> memref<119547x768xf32, #tpu.memory_space<hbm>>
    tpu.enqueue_indirect_dma source(%dma_start3A_12 : memref<119547x768xf32, #tpu.memory_space<hbm>>) target(%arg7 : memref<64x768xf32, #tpu.memory_space<vmem>>) offsets(%dma_start3A_9 : memref<64xi32, #tpu.memory_space<vmem>>) semaphore(%arg9 : memref<!tpu.dma_semaphore, #tpu.memory_space<semaphore_mem>>)
    %scan3A = arith.constant 0 : i32
    %scan3A_13 = arith.constant 7 : i32
    %scan3A_14 = arith.addi %scan3A, %scan3A_13 : i32
    %scan3A_15 = arith.constant 1 : i32
    scf.for %scan3A_34 = %scan3A to %scan3A_14 step %scan3A_15  : i32 {
      %mul3A_35 = arith.constant 2 : i32
      %mul3A_36 = arith.muli %scan3A_34, %mul3A_35 : i32
      %add3A_37 = arith.constant 0 : i32
      %add3A_38 = arith.addi %add3A_37, %mul3A_36 : i32
      %mul3A_39 = arith.constant 64 : i32
      %mul3A_40 = arith.muli %add3A_38, %mul3A_39 : i32
      %multiple_of3A_41 = tpu.assume_multiple %mul3A_40, 64 : i32
      %dma_wait3A_42 = tpu.memref_slice %arg5[%multiple_of3A_41] : memref<1024xi32, #tpu.memory_space<vmem>> -> memref<64xi32, #tpu.memory_space<vmem>>
      %dma_wait3A_43 = arith.constant 0 : i32
      %dma_wait3A_44 = arith.constant 0 : i32
      %dma_wait3A_45 = tpu.memref_slice %arg2[%dma_wait3A_43, %dma_wait3A_44] : memref<119547x768xf32, #tpu.memory_space<hbm>> -> memref<119547x768xf32, #tpu.memory_space<hbm>>
      tpu.wait_indirect_dma semaphore(%arg8 : memref<!tpu.dma_semaphore, #tpu.memory_space<semaphore_mem>>) src(%dma_wait3A_45 : memref<119547x768xf32, #tpu.memory_space<hbm>>) dst(%arg6 : memref<64x768xf32, #tpu.memory_space<vmem>>)
      %mul3A_46 = arith.constant 64 : i32
      %mul3A_47 = arith.muli %add3A_38, %mul3A_46 : i32
      %multiple_of3A_48 = tpu.assume_multiple %mul3A_47, 64 : i32
      %add3A_49 = arith.addi %mul3A_2, %multiple_of3A_48 : i32
      "tpu.region"() ({
        %run_scoped3A = tpu.sem_alloc : memref<!tpu.dma_semaphore, #tpu.memory_space<semaphore_mem>>
        %dma_start3A_83 = arith.constant 0 : i32
        %dma_start3A_84 = tpu.memref_slice %arg4[%add3A_49, %dma_start3A_83] : memref<32768x768xf32, #tpu.memory_space<hbm>> -> memref<64x768xf32, #tpu.memory_space<hbm>>
        %dma_start3A_85 = arith.constant 0 : i32
        %dma_start3A_86 = tpu.memref_slice %arg4[%add3A_49, %dma_start3A_85] : memref<32768x768xf32, #tpu.memory_space<hbm>> -> memref<64x768xf32, #tpu.memory_space<hbm>>
        tpu.enqueue_dma source(%arg6 : memref<64x768xf32, #tpu.memory_space<vmem>>) target(%dma_start3A_86 : memref<64x768xf32, #tpu.memory_space<hbm>>) target_semaphore(%run_scoped3A : memref<!tpu.dma_semaphore, #tpu.memory_space<semaphore_mem>>)
        %dma_wait3A_87 = arith.constant 0 : i32
        %dma_wait3A_88 = tpu.memref_slice %arg4[%add3A_49, %dma_wait3A_87] : memref<32768x768xf32, #tpu.memory_space<hbm>> -> memref<64x768xf32, #tpu.memory_space<hbm>>
        %dma_wait3A_89 = arith.constant 0 : i32
        %dma_wait3A_90 = tpu.memref_slice %arg4[%add3A_49, %dma_wait3A_89] : memref<32768x768xf32, #tpu.memory_space<hbm>> -> memref<64x768xf32, #tpu.memory_space<hbm>>
        tpu.wait_dma2 semaphore(%run_scoped3A : memref<!tpu.dma_semaphore, #tpu.memory_space<semaphore_mem>>) src(%arg6 : memref<64x768xf32, #tpu.memory_space<vmem>>) dst(%dma_wait3A_90 : memref<64x768xf32, #tpu.memory_space<hbm>>)
        tpu.yield
      }) : () -> ()
      %add3A_50 = arith.constant 2 : i32
      %add3A_51 = arith.addi %add3A_38, %add3A_50 : i32
      %mul3A_52 = arith.constant 64 : i32
      %mul3A_53 = arith.muli %add3A_51, %mul3A_52 : i32
      %multiple_of3A_54 = tpu.assume_multiple %mul3A_53, 64 : i32
      %dma_start3A_55 = tpu.memref_slice %arg5[%multiple_of3A_54] : memref<1024xi32, #tpu.memory_space<vmem>> -> memref<64xi32, #tpu.memory_space<vmem>>
      %dma_start3A_56 = arith.constant 0 : i32
      %dma_start3A_57 = arith.constant 0 : i32
      %dma_start3A_58 = tpu.memref_slice %arg2[%dma_start3A_56, %dma_start3A_57] : memref<119547x768xf32, #tpu.memory_space<hbm>> -> memref<119547x768xf32, #tpu.memory_space<hbm>>
      tpu.enqueue_indirect_dma source(%dma_start3A_58 : memref<119547x768xf32, #tpu.memory_space<hbm>>) target(%arg6 : memref<64x768xf32, #tpu.memory_space<vmem>>) offsets(%dma_start3A_55 : memref<64xi32, #tpu.memory_space<vmem>>) semaphore(%arg8 : memref<!tpu.dma_semaphore, #tpu.memory_space<semaphore_mem>>)
      %add3A_59 = arith.constant 1 : i32
      %add3A_60 = arith.addi %add3A_38, %add3A_59 : i32
      %mul3A_61 = arith.constant 64 : i32
      %mul3A_62 = arith.muli %add3A_60, %mul3A_61 : i32
      %multiple_of3A_63 = tpu.assume_multiple %mul3A_62, 64 : i32
      %dma_wait3A_64 = tpu.memref_slice %arg5[%multiple_of3A_63] : memref<1024xi32, #tpu.memory_space<vmem>> -> memref<64xi32, #tpu.memory_space<vmem>>
      %dma_wait3A_65 = arith.constant 0 : i32
      %dma_wait3A_66 = arith.constant 0 : i32
      %dma_wait3A_67 = tpu.memref_slice %arg2[%dma_wait3A_65, %dma_wait3A_66] : memref<119547x768xf32, #tpu.memory_space<hbm>> -> memref<119547x768xf32, #tpu.memory_space<hbm>>
      tpu.wait_indirect_dma semaphore(%arg9 : memref<!tpu.dma_semaphore, #tpu.memory_space<semaphore_mem>>) src(%dma_wait3A_67 : memref<119547x768xf32, #tpu.memory_space<hbm>>) dst(%arg7 : memref<64x768xf32, #tpu.memory_space<vmem>>)
      %add3A_68 = arith.constant 1 : i32
      %add3A_69 = arith.addi %add3A_38, %add3A_68 : i32
      %mul3A_70 = arith.constant 64 : i32
      %mul3A_71 = arith.muli %add3A_69, %mul3A_70 : i32
      %multiple_of3A_72 = tpu.assume_multiple %mul3A_71, 64 : i32
      %add3A_73 = arith.addi %mul3A_2, %multiple_of3A_72 : i32
      "tpu.region"() ({
        %run_scoped3A = tpu.sem_alloc : memref<!tpu.dma_semaphore, #tpu.memory_space<semaphore_mem>>
        %dma_start3A_83 = arith.constant 0 : i32
        %dma_start3A_84 = tpu.memref_slice %arg4[%add3A_73, %dma_start3A_83] : memref<32768x768xf32, #tpu.memory_space<hbm>> -> memref<64x768xf32, #tpu.memory_space<hbm>>
        %dma_start3A_85 = arith.constant 0 : i32
        %dma_start3A_86 = tpu.memref_slice %arg4[%add3A_73, %dma_start3A_85] : memref<32768x768xf32, #tpu.memory_space<hbm>> -> memref<64x768xf32, #tpu.memory_space<hbm>>
        tpu.enqueue_dma source(%arg7 : memref<64x768xf32, #tpu.memory_space<vmem>>) target(%dma_start3A_86 : memref<64x768xf32, #tpu.memory_space<hbm>>) target_semaphore(%run_scoped3A : memref<!tpu.dma_semaphore, #tpu.memory_space<semaphore_mem>>)
        %dma_wait3A_87 = arith.constant 0 : i32
        %dma_wait3A_88 = tpu.memref_slice %arg4[%add3A_73, %dma_wait3A_87] : memref<32768x768xf32, #tpu.memory_space<hbm>> -> memref<64x768xf32, #tpu.memory_space<hbm>>
        %dma_wait3A_89 = arith.constant 0 : i32
        %dma_wait3A_90 = tpu.memref_slice %arg4[%add3A_73, %dma_wait3A_89] : memref<32768x768xf32, #tpu.memory_space<hbm>> -> memref<64x768xf32, #tpu.memory_space<hbm>>
        tpu.wait_dma2 semaphore(%run_scoped3A : memref<!tpu.dma_semaphore, #tpu.memory_space<semaphore_mem>>) src(%arg7 : memref<64x768xf32, #tpu.memory_space<vmem>>) dst(%dma_wait3A_90 : memref<64x768xf32, #tpu.memory_space<hbm>>)
        tpu.yield
      }) : () -> ()
      %add3A_74 = arith.constant 3 : i32
      %add3A_75 = arith.addi %add3A_38, %add3A_74 : i32
      %mul3A_76 = arith.constant 64 : i32
      %mul3A_77 = arith.muli %add3A_75, %mul3A_76 : i32
      %multiple_of3A_78 = tpu.assume_multiple %mul3A_77, 64 : i32
      %dma_start3A_79 = tpu.memref_slice %arg5[%multiple_of3A_78] : memref<1024xi32, #tpu.memory_space<vmem>> -> memref<64xi32, #tpu.memory_space<vmem>>
      %dma_start3A_80 = arith.constant 0 : i32
      %dma_start3A_81 = arith.constant 0 : i32
      %dma_start3A_82 = tpu.memref_slice %arg2[%dma_start3A_80, %dma_start3A_81] : memref<119547x768xf32, #tpu.memory_space<hbm>> -> memref<119547x768xf32, #tpu.memory_space<hbm>>
      tpu.enqueue_indirect_dma source(%dma_start3A_82 : memref<119547x768xf32, #tpu.memory_space<hbm>>) target(%arg7 : memref<64x768xf32, #tpu.memory_space<vmem>>) offsets(%dma_start3A_79 : memref<64xi32, #tpu.memory_space<vmem>>) semaphore(%arg9 : memref<!tpu.dma_semaphore, #tpu.memory_space<semaphore_mem>>)
    }
    %scan3A_16 = arith.constant 7 : i32
    %multiple_of3A_17 = arith.constant 896 : i32
    %multiple_of3A_18 = tpu.assume_multiple %multiple_of3A_17, 64 : i32
    %dma_wait3A = tpu.memref_slice %arg5[%multiple_of3A_18] : memref<1024xi32, #tpu.memory_space<vmem>> -> memref<64xi32, #tpu.memory_space<vmem>>
    %dma_wait3A_19 = arith.constant 0 : i32
    %dma_wait3A_20 = arith.constant 0 : i32
    %dma_wait3A_21 = tpu.memref_slice %arg2[%dma_wait3A_19, %dma_wait3A_20] : memref<119547x768xf32, #tpu.memory_space<hbm>> -> memref<119547x768xf32, #tpu.memory_space<hbm>>
    tpu.wait_indirect_dma semaphore(%arg8 : memref<!tpu.dma_semaphore, #tpu.memory_space<semaphore_mem>>) src(%dma_wait3A_21 : memref<119547x768xf32, #tpu.memory_space<hbm>>) dst(%arg6 : memref<64x768xf32, #tpu.memory_space<vmem>>)
    %multiple_of3A_22 = arith.constant 896 : i32
    %multiple_of3A_23 = tpu.assume_multiple %multiple_of3A_22, 64 : i32
    %add3A_24 = arith.addi %mul3A_2, %multiple_of3A_23 : i32
    "tpu.region"() ({
      %run_scoped3A = tpu.sem_alloc : memref<!tpu.dma_semaphore, #tpu.memory_space<semaphore_mem>>
      %dma_start3A_34 = arith.constant 0 : i32
      %dma_start3A_35 = tpu.memref_slice %arg4[%add3A_24, %dma_start3A_34] : memref<32768x768xf32, #tpu.memory_space<hbm>> -> memref<64x768xf32, #tpu.memory_space<hbm>>
      %dma_start3A_36 = arith.constant 0 : i32
      %dma_start3A_37 = tpu.memref_slice %arg4[%add3A_24, %dma_start3A_36] : memref<32768x768xf32, #tpu.memory_space<hbm>> -> memref<64x768xf32, #tpu.memory_space<hbm>>
      tpu.enqueue_dma source(%arg6 : memref<64x768xf32, #tpu.memory_space<vmem>>) target(%dma_start3A_37 : memref<64x768xf32, #tpu.memory_space<hbm>>) target_semaphore(%run_scoped3A : memref<!tpu.dma_semaphore, #tpu.memory_space<semaphore_mem>>)
      %dma_wait3A_38 = arith.constant 0 : i32
      %dma_wait3A_39 = tpu.memref_slice %arg4[%add3A_24, %dma_wait3A_38] : memref<32768x768xf32, #tpu.memory_space<hbm>> -> memref<64x768xf32, #tpu.memory_space<hbm>>
      %dma_wait3A_40 = arith.constant 0 : i32
      %dma_wait3A_41 = tpu.memref_slice %arg4[%add3A_24, %dma_wait3A_40] : memref<32768x768xf32, #tpu.memory_space<hbm>> -> memref<64x768xf32, #tpu.memory_space<hbm>>
      tpu.wait_dma2 semaphore(%run_scoped3A : memref<!tpu.dma_semaphore, #tpu.memory_space<semaphore_mem>>) src(%arg6 : memref<64x768xf32, #tpu.memory_space<vmem>>) dst(%dma_wait3A_41 : memref<64x768xf32, #tpu.memory_space<hbm>>)
      tpu.yield
    }) : () -> ()
    %multiple_of3A_25 = arith.constant 960 : i32
    %multiple_of3A_26 = tpu.assume_multiple %multiple_of3A_25, 64 : i32
    %dma_wait3A_27 = tpu.memref_slice %arg5[%multiple_of3A_26] : memref<1024xi32, #tpu.memory_space<vmem>> -> memref<64xi32, #tpu.memory_space<vmem>>
    %dma_wait3A_28 = arith.constant 0 : i32
    %dma_wait3A_29 = arith.constant 0 : i32
    %dma_wait3A_30 = tpu.memref_slice %arg2[%dma_wait3A_28, %dma_wait3A_29] : memref<119547x768xf32, #tpu.memory_space<hbm>> -> memref<119547x768xf32, #tpu.memory_space<hbm>>
    tpu.wait_indirect_dma semaphore(%arg9 : memref<!tpu.dma_semaphore, #tpu.memory_space<semaphore_mem>>) src(%dma_wait3A_30 : memref<119547x768xf32, #tpu.memory_space<hbm>>) dst(%arg7 : memref<64x768xf32, #tpu.memory_space<vmem>>)
    %multiple_of3A_31 = arith.constant 960 : i32
    %multiple_of3A_32 = tpu.assume_multiple %multiple_of3A_31, 64 : i32
    %add3A_33 = arith.addi %mul3A_2, %multiple_of3A_32 : i32
    "tpu.region"() ({
      %run_scoped3A = tpu.sem_alloc : memref<!tpu.dma_semaphore, #tpu.memory_space<semaphore_mem>>
      %dma_start3A_34 = arith.constant 0 : i32
      %dma_start3A_35 = tpu.memref_slice %arg4[%add3A_33, %dma_start3A_34] : memref<32768x768xf32, #tpu.memory_space<hbm>> -> memref<64x768xf32, #tpu.memory_space<hbm>>
      %dma_start3A_36 = arith.constant 0 : i32
      %dma_start3A_37 = tpu.memref_slice %arg4[%add3A_33, %dma_start3A_36] : memref<32768x768xf32, #tpu.memory_space<hbm>> -> memref<64x768xf32, #tpu.memory_space<hbm>>
      tpu.enqueue_dma source(%arg7 : memref<64x768xf32, #tpu.memory_space<vmem>>) target(%dma_start3A_37 : memref<64x768xf32, #tpu.memory_space<hbm>>) target_semaphore(%run_scoped3A : memref<!tpu.dma_semaphore, #tpu.memory_space<semaphore_mem>>)
      %dma_wait3A_38 = arith.constant 0 : i32
      %dma_wait3A_39 = tpu.memref_slice %arg4[%add3A_33, %dma_wait3A_38] : memref<32768x768xf32, #tpu.memory_space<hbm>> -> memref<64x768xf32, #tpu.memory_space<hbm>>
      %dma_wait3A_40 = arith.constant 0 : i32
      %dma_wait3A_41 = tpu.memref_slice %arg4[%add3A_33, %dma_wait3A_40] : memref<32768x768xf32, #tpu.memory_space<hbm>> -> memref<64x768xf32, #tpu.memory_space<hbm>>
      tpu.wait_dma2 semaphore(%run_scoped3A : memref<!tpu.dma_semaphore, #tpu.memory_space<semaphore_mem>>) src(%arg7 : memref<64x768xf32, #tpu.memory_space<vmem>>) dst(%dma_wait3A_41 : memref<64x768xf32, #tpu.memory_space<hbm>>)
      tpu.yield
    }) : () -> ()
    return
  }
}

#map = affine_map<(d0, d1) -> (0, 0)>
#map1 = affine_map<(d0, d1) -> (0)>
module attributes {stable_mosaic.version = 14 : i64} {
  func.func @gather_kernel(%arg0: i32, %arg1: i32, %arg2: memref<119547x768xf32, #tpu.memory_space<hbm>>, %arg3: memref<32768xi32, #tpu.memory_space<hbm>>, %arg4: memref<32768x768xf32, #tpu.memory_space<hbm>>, %arg5: memref<1024xi32, #tpu.memory_space<vmem>>, %arg6: memref<64x768xf32, #tpu.memory_space<vmem>>, %arg7: memref<64x768xf32, #tpu.memory_space<vmem>>, %arg8: memref<!tpu.dma_semaphore, #tpu.memory_space<semaphore_mem>>, %arg9: memref<!tpu.dma_semaphore, #tpu.memory_space<semaphore_mem>>) attributes {dimension_semantics = [#tpu.dimension_semantics<core_parallel>, #tpu.dimension_semantics<subcore_parallel>], iteration_bounds = array<i64: 2, 16>, scalar_prefetch = 0 : i64, scratch_operands = 5 : i64, tpu.core_type = #tpu.core_type<sc_vector_subcore>, window_params = [{transform_indices = #map}, {transform_indices = #map1}, {transform_indices = #map}]} {
    %mul3A = arith.constant 2 : i32
    %mul3A_0 = arith.muli %arg1, %mul3A : i32
    %add3A = arith.addi %mul3A_0, %arg0 : i32
    %mul3A_1 = arith.constant 1024 : i32
    %mul3A_2 = arith.muli %add3A, %mul3A_1 : i32
    "tpu.region"() ({
      %run_scoped3A = tpu.sem_alloc : memref<!tpu.dma_semaphore, #tpu.memory_space<semaphore_mem>>
      %dma_start3A_34 = tpu.memref_slice %arg3[%mul3A_2] : memref<32768xi32, #tpu.memory_space<hbm>> -> memref<1024xi32, #tpu.memory_space<hbm>>
      %dma_start3A_35 = tpu.memref_slice %arg3[%mul3A_2] : memref<32768xi32, #tpu.memory_space<hbm>> -> memref<1024xi32, #tpu.memory_space<hbm>>
      tpu.enqueue_dma source(%dma_start3A_35 : memref<1024xi32, #tpu.memory_space<hbm>>) target(%arg5 : memref<1024xi32, #tpu.memory_space<vmem>>) target_semaphore(%run_scoped3A : memref<!tpu.dma_semaphore, #tpu.memory_space<semaphore_mem>>)
      %dma_wait3A_36 = tpu.memref_slice %arg3[%mul3A_2] : memref<32768xi32, #tpu.memory_space<hbm>> -> memref<1024xi32, #tpu.memory_space<hbm>>
      %dma_wait3A_37 = tpu.memref_slice %arg3[%mul3A_2] : memref<32768xi32, #tpu.memory_space<hbm>> -> memref<1024xi32, #tpu.memory_space<hbm>>
      tpu.wait_dma2 semaphore(%run_scoped3A : memref<!tpu.dma_semaphore, #tpu.memory_space<semaphore_mem>>) src(%dma_wait3A_37 : memref<1024xi32, #tpu.memory_space<hbm>>) dst(%arg5 : memref<1024xi32, #tpu.memory_space<vmem>>)
      tpu.yield
    }) : () -> ()
    %multiple_of3A = arith.constant 0 : i32
    %multiple_of3A_3 = tpu.assume_multiple %multiple_of3A, 64 : i32
    %dma_start3A = tpu.memref_slice %arg5[%multiple_of3A_3] : memref<1024xi32, #tpu.memory_space<vmem>> -> memref<64xi32, #tpu.memory_space<vmem>>
    %dma_start3A_4 = arith.constant 0 : i32
    %dma_start3A_5 = arith.constant 0 : i32
    %dma_start3A_6 = tpu.memref_slice %arg2[%dma_start3A_4, %dma_start3A_5] : memref<119547x768xf32, #tpu.memory_space<hbm>> -> memref<119547x768xf32, #tpu.memory_space<hbm>>
    tpu.enqueue_indirect_dma source(%dma_start3A_6 : memref<119547x768xf32, #tpu.memory_space<hbm>>) target(%arg6 : memref<64x768xf32, #tpu.memory_space<vmem>>) offsets(%dma_start3A : memref<64xi32, #tpu.memory_space<vmem>>) semaphore(%arg8 : memref<!tpu.dma_semaphore, #tpu.memory_space<semaphore_mem>>)
    %multiple_of3A_7 = arith.constant 64 : i32
    %multiple_of3A_8 = tpu.assume_multiple %multiple_of3A_7, 64 : i32
    %dma_start3A_9 = tpu.memref_slice %arg5[%multiple_of3A_8] : memref<1024xi32, #tpu.memory_space<vmem>> -> memref<64xi32, #tpu.memory_space<vmem>>
    %dma_start3A_10 = arith.constant 0 : i32
    %dma_start3A_11 = arith.constant 0 : i32
    %dma_start3A_12 = tpu.memref_slice %arg2[%dma_start3A_10, %dma_start3A_11] : memref<119547x768xf32, #tpu.memory_space<hbm>> -> memref<119547x768xf32, #tpu.memory_space<hbm>>
    tpu.enqueue_indirect_dma source(%dma_start3A_12 : memref<119547x768xf32, #tpu.memory_space<hbm>>) target(%arg7 : memref<64x768xf32, #tpu.memory_space<vmem>>) offsets(%dma_start3A_9 : memref<64xi32, #tpu.memory_space<vmem>>) semaphore(%arg9 : memref<!tpu.dma_semaphore, #tpu.memory_space<semaphore_mem>>)
    %scan3A = arith.constant 0 : i32
    %scan3A_13 = arith.constant 7 : i32
    %scan3A_14 = arith.addi %scan3A, %scan3A_13 : i32
    %scan3A_15 = arith.constant 1 : i32
    scf.for %scan3A_34 = %scan3A to %scan3A_14 step %scan3A_15  : i32 {
      %mul3A_35 = arith.constant 2 : i32
      %mul3A_36 = arith.muli %scan3A_34, %mul3A_35 : i32
      %add3A_37 = arith.constant 0 : i32
      %add3A_38 = arith.addi %add3A_37, %mul3A_36 : i32
      %mul3A_39 = arith.constant 64 : i32
      %mul3A_40 = arith.muli %add3A_38, %mul3A_39 : i32
      %multiple_of3A_41 = tpu.assume_multiple %mul3A_40, 64 : i32
      %dma_wait3A_42 = tpu.memref_slice %arg5[%multiple_of3A_41] : memref<1024xi32, #tpu.memory_space<vmem>> -> memref<64xi32, #tpu.memory_space<vmem>>
      %dma_wait3A_43 = arith.constant 0 : i32
      %dma_wait3A_44 = arith.constant 0 : i32
      %dma_wait3A_45 = tpu.memref_slice %arg2[%dma_wait3A_43, %dma_wait3A_44] : memref<119547x768xf32, #tpu.memory_space<hbm>> -> memref<119547x768xf32, #tpu.memory_space<hbm>>
      tpu.wait_indirect_dma semaphore(%arg8 : memref<!tpu.dma_semaphore, #tpu.memory_space<semaphore_mem>>) src(%dma_wait3A_45 : memref<119547x768xf32, #tpu.memory_space<hbm>>) dst(%arg6 : memref<64x768xf32, #tpu.memory_space<vmem>>)
      %mul3A_46 = arith.constant 64 : i32
      %mul3A_47 = arith.muli %add3A_38, %mul3A_46 : i32
      %multiple_of3A_48 = tpu.assume_multiple %mul3A_47, 64 : i32
      %add3A_49 = arith.addi %mul3A_2, %multiple_of3A_48 : i32
      "tpu.region"() ({
        %run_scoped3A = tpu.sem_alloc : memref<!tpu.dma_semaphore, #tpu.memory_space<semaphore_mem>>
        %dma_start3A_83 = arith.constant 0 : i32
        %dma_start3A_84 = tpu.memref_slice %arg4[%add3A_49, %dma_start3A_83] : memref<32768x768xf32, #tpu.memory_space<hbm>> -> memref<64x768xf32, #tpu.memory_space<hbm>>
        %dma_start3A_85 = arith.constant 0 : i32
        %dma_start3A_86 = tpu.memref_slice %arg4[%add3A_49, %dma_start3A_85] : memref<32768x768xf32, #tpu.memory_space<hbm>> -> memref<64x768xf32, #tpu.memory_space<hbm>>
        tpu.enqueue_dma source(%arg6 : memref<64x768xf32, #tpu.memory_space<vmem>>) target(%dma_start3A_86 : memref<64x768xf32, #tpu.memory_space<hbm>>) target_semaphore(%run_scoped3A : memref<!tpu.dma_semaphore, #tpu.memory_space<semaphore_mem>>)
        %dma_wait3A_87 = arith.constant 0 : i32
        %dma_wait3A_88 = tpu.memref_slice %arg4[%add3A_49, %dma_wait3A_87] : memref<32768x768xf32, #tpu.memory_space<hbm>> -> memref<64x768xf32, #tpu.memory_space<hbm>>
        %dma_wait3A_89 = arith.constant 0 : i32
        %dma_wait3A_90 = tpu.memref_slice %arg4[%add3A_49, %dma_wait3A_89] : memref<32768x768xf32, #tpu.memory_space<hbm>> -> memref<64x768xf32, #tpu.memory_space<hbm>>
        tpu.wait_dma2 semaphore(%run_scoped3A : memref<!tpu.dma_semaphore, #tpu.memory_space<semaphore_mem>>) src(%arg6 : memref<64x768xf32, #tpu.memory_space<vmem>>) dst(%dma_wait3A_90 : memref<64x768xf32, #tpu.memory_space<hbm>>)
        tpu.yield
      }) : () -> ()
      %add3A_50 = arith.constant 2 : i32
      %add3A_51 = arith.addi %add3A_38, %add3A_50 : i32
      %mul3A_52 = arith.constant 64 : i32
      %mul3A_53 = arith.muli %add3A_51, %mul3A_52 : i32
      %multiple_of3A_54 = tpu.assume_multiple %mul3A_53, 64 : i32
      %dma_start3A_55 = tpu.memref_slice %arg5[%multiple_of3A_54] : memref<1024xi32, #tpu.memory_space<vmem>> -> memref<64xi32, #tpu.memory_space<vmem>>
      %dma_start3A_56 = arith.constant 0 : i32
      %dma_start3A_57 = arith.constant 0 : i32
      %dma_start3A_58 = tpu.memref_slice %arg2[%dma_start3A_56, %dma_start3A_57] : memref<119547x768xf32, #tpu.memory_space<hbm>> -> memref<119547x768xf32, #tpu.memory_space<hbm>>
      tpu.enqueue_indirect_dma source(%dma_start3A_58 : memref<119547x768xf32, #tpu.memory_space<hbm>>) target(%arg6 : memref<64x768xf32, #tpu.memory_space<vmem>>) offsets(%dma_start3A_55 : memref<64xi32, #tpu.memory_space<vmem>>) semaphore(%arg8 : memref<!tpu.dma_semaphore, #tpu.memory_space<semaphore_mem>>)
      %add3A_59 = arith.constant 1 : i32
      %add3A_60 = arith.addi %add3A_38, %add3A_59 : i32
      %mul3A_61 = arith.constant 64 : i32
      %mul3A_62 = arith.muli %add3A_60, %mul3A_61 : i32
      %multiple_of3A_63 = tpu.assume_multiple %mul3A_62, 64 : i32
      %dma_wait3A_64 = tpu.memref_slice %arg5[%multiple_of3A_63] : memref<1024xi32, #tpu.memory_space<vmem>> -> memref<64xi32, #tpu.memory_space<vmem>>
      %dma_wait3A_65 = arith.constant 0 : i32
      %dma_wait3A_66 = arith.constant 0 : i32
      %dma_wait3A_67 = tpu.memref_slice %arg2[%dma_wait3A_65, %dma_wait3A_66] : memref<119547x768xf32, #tpu.memory_space<hbm>> -> memref<119547x768xf32, #tpu.memory_space<hbm>>
      tpu.wait_indirect_dma semaphore(%arg9 : memref<!tpu.dma_semaphore, #tpu.memory_space<semaphore_mem>>) src(%dma_wait3A_67 : memref<119547x768xf32, #tpu.memory_space<hbm>>) dst(%arg7 : memref<64x768xf32, #tpu.memory_space<vmem>>)
      %add3A_68 = arith.constant 1 : i32
      %add3A_69 = arith.addi %add3A_38, %add3A_68 : i32
      %mul3A_70 = arith.constant 64 : i32
      %mul3A_71 = arith.muli %add3A_69, %mul3A_70 : i32
      %multiple_of3A_72 = tpu.assume_multiple %mul3A_71, 64 : i32
      %add3A_73 = arith.addi %mul3A_2, %multiple_of3A_72 : i32
      "tpu.region"() ({
        %run_scoped3A = tpu.sem_alloc : memref<!tpu.dma_semaphore, #tpu.memory_space<semaphore_mem>>
        %dma_start3A_83 = arith.constant 0 : i32
        %dma_start3A_84 = tpu.memref_slice %arg4[%add3A_73, %dma_start3A_83] : memref<32768x768xf32, #tpu.memory_space<hbm>> -> memref<64x768xf32, #tpu.memory_space<hbm>>
        %dma_start3A_85 = arith.constant 0 : i32
        %dma_start3A_86 = tpu.memref_slice %arg4[%add3A_73, %dma_start3A_85] : memref<32768x768xf32, #tpu.memory_space<hbm>> -> memref<64x768xf32, #tpu.memory_space<hbm>>
        tpu.enqueue_dma source(%arg7 : memref<64x768xf32, #tpu.memory_space<vmem>>) target(%dma_start3A_86 : memref<64x768xf32, #tpu.memory_space<hbm>>) target_semaphore(%run_scoped3A : memref<!tpu.dma_semaphore, #tpu.memory_space<semaphore_mem>>)
        %dma_wait3A_87 = arith.constant 0 : i32
        %dma_wait3A_88 = tpu.memref_slice %arg4[%add3A_73, %dma_wait3A_87] : memref<32768x768xf32, #tpu.memory_space<hbm>> -> memref<64x768xf32, #tpu.memory_space<hbm>>
        %dma_wait3A_89 = arith.constant 0 : i32
        %dma_wait3A_90 = tpu.memref_slice %arg4[%add3A_73, %dma_wait3A_89] : memref<32768x768xf32, #tpu.memory_space<hbm>> -> memref<64x768xf32, #tpu.memory_space<hbm>>
        tpu.wait_dma2 semaphore(%run_scoped3A : memref<!tpu.dma_semaphore, #tpu.memory_space<semaphore_mem>>) src(%arg7 : memref<64x768xf32, #tpu.memory_space<vmem>>) dst(%dma_wait3A_90 : memref<64x768xf32, #tpu.memory_space<hbm>>)
        tpu.yield
      }) : () -> ()
      %add3A_74 = arith.constant 3 : i32
      %add3A_75 = arith.addi %add3A_38, %add3A_74 : i32
      %mul3A_76 = arith.constant 64 : i32
      %mul3A_77 = arith.muli %add3A_75, %mul3A_76 : i32
      %multiple_of3A_78 = tpu.assume_multiple %mul3A_77, 64 : i32
      %dma_start3A_79 = tpu.memref_slice %arg5[%multiple_of3A_78] : memref<1024xi32, #tpu.memory_space<vmem>> -> memref<64xi32, #tpu.memory_space<vmem>>
      %dma_start3A_80 = arith.constant 0 : i32
      %dma_start3A_81 = arith.constant 0 : i32
      %dma_start3A_82 = tpu.memref_slice %arg2[%dma_start3A_80, %dma_start3A_81] : memref<119547x768xf32, #tpu.memory_space<hbm>> -> memref<119547x768xf32, #tpu.memory_space<hbm>>
      tpu.enqueue_indirect_dma source(%dma_start3A_82 : memref<119547x768xf32, #tpu.memory_space<hbm>>) target(%arg7 : memref<64x768xf32, #tpu.memory_space<vmem>>) offsets(%dma_start3A_79 : memref<64xi32, #tpu.memory_space<vmem>>) semaphore(%arg9 : memref<!tpu.dma_semaphore, #tpu.memory_space<semaphore_mem>>)
    }
    %scan3A_16 = arith.constant 7 : i32
    %multiple_of3A_17 = arith.constant 896 : i32
    %multiple_of3A_18 = tpu.assume_multiple %multiple_of3A_17, 64 : i32
    %dma_wait3A = tpu.memref_slice %arg5[%multiple_of3A_18] : memref<1024xi32, #tpu.memory_space<vmem>> -> memref<64xi32, #tpu.memory_space<vmem>>
    %dma_wait3A_19 = arith.constant 0 : i32
    %dma_wait3A_20 = arith.constant 0 : i32
    %dma_wait3A_21 = tpu.memref_slice %arg2[%dma_wait3A_19, %dma_wait3A_20] : memref<119547x768xf32, #tpu.memory_space<hbm>> -> memref<119547x768xf32, #tpu.memory_space<hbm>>
    tpu.wait_indirect_dma semaphore(%arg8 : memref<!tpu.dma_semaphore, #tpu.memory_space<semaphore_mem>>) src(%dma_wait3A_21 : memref<119547x768xf32, #tpu.memory_space<hbm>>) dst(%arg6 : memref<64x768xf32, #tpu.memory_space<vmem>>)
    %multiple_of3A_22 = arith.constant 896 : i32
    %multiple_of3A_23 = tpu.assume_multiple %multiple_of3A_22, 64 : i32
    %add3A_24 = arith.addi %mul3A_2, %multiple_of3A_23 : i32
    "tpu.region"() ({
      %run_scoped3A = tpu.sem_alloc : memref<!tpu.dma_semaphore, #tpu.memory_space<semaphore_mem>>
      %dma_start3A_34 = arith.constant 0 : i32
      %dma_start3A_35 = tpu.memref_slice %arg4[%add3A_24, %dma_start3A_34] : memref<32768x768xf32, #tpu.memory_space<hbm>> -> memref<64x768xf32, #tpu.memory_space<hbm>>
      %dma_start3A_36 = arith.constant 0 : i32
      %dma_start3A_37 = tpu.memref_slice %arg4[%add3A_24, %dma_start3A_36] : memref<32768x768xf32, #tpu.memory_space<hbm>> -> memref<64x768xf32, #tpu.memory_space<hbm>>
      tpu.enqueue_dma source(%arg6 : memref<64x768xf32, #tpu.memory_space<vmem>>) target(%dma_start3A_37 : memref<64x768xf32, #tpu.memory_space<hbm>>) target_semaphore(%run_scoped3A : memref<!tpu.dma_semaphore, #tpu.memory_space<semaphore_mem>>)
      %dma_wait3A_38 = arith.constant 0 : i32
      %dma_wait3A_39 = tpu.memref_slice %arg4[%add3A_24, %dma_wait3A_38] : memref<32768x768xf32, #tpu.memory_space<hbm>> -> memref<64x768xf32, #tpu.memory_space<hbm>>
      %dma_wait3A_40 = arith.constant 0 : i32
      %dma_wait3A_41 = tpu.memref_slice %arg4[%add3A_24, %dma_wait3A_40] : memref<32768x768xf32, #tpu.memory_space<hbm>> -> memref<64x768xf32, #tpu.memory_space<hbm>>
      tpu.wait_dma2 semaphore(%run_scoped3A : memref<!tpu.dma_semaphore, #tpu.memory_space<semaphore_mem>>) src(%arg6 : memref<64x768xf32, #tpu.memory_space<vmem>>) dst(%dma_wait3A_41 : memref<64x768xf32, #tpu.memory_space<hbm>>)
      tpu.yield
    }) : () -> ()
    %multiple_of3A_25 = arith.constant 960 : i32
    %multiple_of3A_26 = tpu.assume_multiple %multiple_of3A_25, 64 : i32
    %dma_wait3A_27 = tpu.memref_slice %arg5[%multiple_of3A_26] : memref<1024xi32, #tpu.memory_space<vmem>> -> memref<64xi32, #tpu.memory_space<vmem>>
    %dma_wait3A_28 = arith.constant 0 : i32
    %dma_wait3A_29 = arith.constant 0 : i32
    %dma_wait3A_30 = tpu.memref_slice %arg2[%dma_wait3A_28, %dma_wait3A_29] : memref<119547x768xf32, #tpu.memory_space<hbm>> -> memref<119547x768xf32, #tpu.memory_space<hbm>>
    tpu.wait_indirect_dma semaphore(%arg9 : memref<!tpu.dma_semaphore, #tpu.memory_space<semaphore_mem>>) src(%dma_wait3A_30 : memref<119547x768xf32, #tpu.memory_space<hbm>>) dst(%arg7 : memref<64x768xf32, #tpu.memory_space<vmem>>)
    %multiple_of3A_31 = arith.constant 960 : i32
    %multiple_of3A_32 = tpu.assume_multiple %multiple_of3A_31, 64 : i32
    %add3A_33 = arith.addi %mul3A_2, %multiple_of3A_32 : i32
    "tpu.region"() ({
      %run_scoped3A = tpu.sem_alloc : memref<!tpu.dma_semaphore, #tpu.memory_space<semaphore_mem>>
      %dma_start3A_34 = arith.constant 0 : i32
      %dma_start3A_35 = tpu.memref_slice %arg4[%add3A_33, %dma_start3A_34] : memref<32768x768xf32, #tpu.memory_space<hbm>> -> memref<64x768xf32, #tpu.memory_space<hbm>>
      %dma_start3A_36 = arith.constant 0 : i32
      %dma_start3A_37 = tpu.memref_slice %arg4[%add3A_33, %dma_start3A_36] : memref<32768x768xf32, #tpu.memory_space<hbm>> -> memref<64x768xf32, #tpu.memory_space<hbm>>
      tpu.enqueue_dma source(%arg7 : memref<64x768xf32, #tpu.memory_space<vmem>>) target(%dma_start3A_37 : memref<64x768xf32, #tpu.memory_space<hbm>>) target_semaphore(%run_scoped3A : memref<!tpu.dma_semaphore, #tpu.memory_space<semaphore_mem>>)
      %dma_wait3A_38 = arith.constant 0 : i32
      %dma_wait3A_39 = tpu.memref_slice %arg4[%add3A_33, %dma_wait3A_38] : memref<32768x768xf32, #tpu.memory_space<hbm>> -> memref<64x768xf32, #tpu.memory_space<hbm>>
      %dma_wait3A_40 = arith.constant 0 : i32
      %dma_wait3A_41 = tpu.memref_slice %arg4[%add3A_33, %dma_wait3A_40] : memref<32768x768xf32, #tpu.memory_space<hbm>> -> memref<64x768xf32, #tpu.memory_space<hbm>>
      tpu.wait_dma2 semaphore(%run_scoped3A : memref<!tpu.dma_semaphore, #tpu.memory_space<semaphore_mem>>) src(%arg7 : memref<64x768xf32, #tpu.memory_space<vmem>>) dst(%dma_wait3A_41 : memref<64x768xf32, #tpu.memory_space<hbm>>)
      tpu.yield
    }) : () -> ()
    return
  }
}

#map = affine_map<(d0, d1) -> (0, 0)>
#map1 = affine_map<(d0, d1) -> (0)>
module attributes {stable_mosaic.version = 14 : i64} {
  func.func @gather_kernel(%arg0: i32, %arg1: i32, %arg2: memref<119547x768xf32, #tpu.memory_space<hbm>>, %arg3: memref<32768xi32, #tpu.memory_space<hbm>>, %arg4: memref<32768x768xf32, #tpu.memory_space<hbm>>, %arg5: memref<1024xi32, #tpu.memory_space<vmem>>, %arg6: memref<64x768xf32, #tpu.memory_space<vmem>>, %arg7: memref<64x768xf32, #tpu.memory_space<vmem>>, %arg8: memref<!tpu.dma_semaphore, #tpu.memory_space<semaphore_mem>>, %arg9: memref<!tpu.dma_semaphore, #tpu.memory_space<semaphore_mem>>) attributes {dimension_semantics = [#tpu.dimension_semantics<core_parallel>, #tpu.dimension_semantics<subcore_parallel>], iteration_bounds = array<i64: 2, 16>, scalar_prefetch = 0 : i64, scratch_operands = 5 : i64, tpu.core_type = #tpu.core_type<sc_vector_subcore>, window_params = [{transform_indices = #map}, {transform_indices = #map1}, {transform_indices = #map}]} {
    %mul3A = arith.constant 2 : i32
    %mul3A_0 = arith.muli %arg1, %mul3A : i32
    %add3A = arith.addi %mul3A_0, %arg0 : i32
    %mul3A_1 = arith.constant 1024 : i32
    %mul3A_2 = arith.muli %add3A, %mul3A_1 : i32
    "tpu.region"() ({
      %run_scoped3A = tpu.sem_alloc : memref<!tpu.dma_semaphore, #tpu.memory_space<semaphore_mem>>
      %dma_start3A_34 = tpu.memref_slice %arg3[%mul3A_2] : memref<32768xi32, #tpu.memory_space<hbm>> -> memref<1024xi32, #tpu.memory_space<hbm>>
      %dma_start3A_35 = tpu.memref_slice %arg3[%mul3A_2] : memref<32768xi32, #tpu.memory_space<hbm>> -> memref<1024xi32, #tpu.memory_space<hbm>>
      tpu.enqueue_dma source(%dma_start3A_35 : memref<1024xi32, #tpu.memory_space<hbm>>) target(%arg5 : memref<1024xi32, #tpu.memory_space<vmem>>) target_semaphore(%run_scoped3A : memref<!tpu.dma_semaphore, #tpu.memory_space<semaphore_mem>>)
      %dma_wait3A_36 = tpu.memref_slice %arg3[%mul3A_2] : memref<32768xi32, #tpu.memory_space<hbm>> -> memref<1024xi32, #tpu.memory_space<hbm>>
      %dma_wait3A_37 = tpu.memref_slice %arg3[%mul3A_2] : memref<32768xi32, #tpu.memory_space<hbm>> -> memref<1024xi32, #tpu.memory_space<hbm>>
      tpu.wait_dma2 semaphore(%run_scoped3A : memref<!tpu.dma_semaphore, #tpu.memory_space<semaphore_mem>>) src(%dma_wait3A_37 : memref<1024xi32, #tpu.memory_space<hbm>>) dst(%arg5 : memref<1024xi32, #tpu.memory_space<vmem>>)
      tpu.yield
    }) : () -> ()
    %multiple_of3A = arith.constant 0 : i32
    %multiple_of3A_3 = tpu.assume_multiple %multiple_of3A, 64 : i32
    %dma_start3A = tpu.memref_slice %arg5[%multiple_of3A_3] : memref<1024xi32, #tpu.memory_space<vmem>> -> memref<64xi32, #tpu.memory_space<vmem>>
    %dma_start3A_4 = arith.constant 0 : i32
    %dma_start3A_5 = arith.constant 0 : i32
    %dma_start3A_6 = tpu.memref_slice %arg2[%dma_start3A_4, %dma_start3A_5] : memref<119547x768xf32, #tpu.memory_space<hbm>> -> memref<119547x768xf32, #tpu.memory_space<hbm>>
    tpu.enqueue_indirect_dma source(%dma_start3A_6 : memref<119547x768xf32, #tpu.memory_space<hbm>>) target(%arg6 : memref<64x768xf32, #tpu.memory_space<vmem>>) offsets(%dma_start3A : memref<64xi32, #tpu.memory_space<vmem>>) semaphore(%arg8 : memref<!tpu.dma_semaphore, #tpu.memory_space<semaphore_mem>>)
    %multiple_of3A_7 = arith.constant 64 : i32
    %multiple_of3A_8 = tpu.assume_multiple %multiple_of3A_7, 64 : i32
    %dma_start3A_9 = tpu.memref_slice %arg5[%multiple_of3A_8] : memref<1024xi32, #tpu.memory_space<vmem>> -> memref<64xi32, #tpu.memory_space<vmem>>
    %dma_start3A_10 = arith.constant 0 : i32
    %dma_start3A_11 = arith.constant 0 : i32
    %dma_start3A_12 = tpu.memref_slice %arg2[%dma_start3A_10, %dma_start3A_11] : memref<119547x768xf32, #tpu.memory_space<hbm>> -> memref<119547x768xf32, #tpu.memory_space<hbm>>
    tpu.enqueue_indirect_dma source(%dma_start3A_12 : memref<119547x768xf32, #tpu.memory_space<hbm>>) target(%arg7 : memref<64x768xf32, #tpu.memory_space<vmem>>) offsets(%dma_start3A_9 : memref<64xi32, #tpu.memory_space<vmem>>) semaphore(%arg9 : memref<!tpu.dma_semaphore, #tpu.memory_space<semaphore_mem>>)
    %scan3A = arith.constant 0 : i32
    %scan3A_13 = arith.constant 7 : i32
    %scan3A_14 = arith.addi %scan3A, %scan3A_13 : i32
    %scan3A_15 = arith.constant 1 : i32
    scf.for %scan3A_34 = %scan3A to %scan3A_14 step %scan3A_15  : i32 {
      %mul3A_35 = arith.constant 2 : i32
      %mul3A_36 = arith.muli %scan3A_34, %mul3A_35 : i32
      %add3A_37 = arith.constant 0 : i32
      %add3A_38 = arith.addi %add3A_37, %mul3A_36 : i32
      %mul3A_39 = arith.constant 64 : i32
      %mul3A_40 = arith.muli %add3A_38, %mul3A_39 : i32
      %multiple_of3A_41 = tpu.assume_multiple %mul3A_40, 64 : i32
      %dma_wait3A_42 = tpu.memref_slice %arg5[%multiple_of3A_41] : memref<1024xi32, #tpu.memory_space<vmem>> -> memref<64xi32, #tpu.memory_space<vmem>>
      %dma_wait3A_43 = arith.constant 0 : i32
      %dma_wait3A_44 = arith.constant 0 : i32
      %dma_wait3A_45 = tpu.memref_slice %arg2[%dma_wait3A_43, %dma_wait3A_44] : memref<119547x768xf32, #tpu.memory_space<hbm>> -> memref<119547x768xf32, #tpu.memory_space<hbm>>
      tpu.wait_indirect_dma semaphore(%arg8 : memref<!tpu.dma_semaphore, #tpu.memory_space<semaphore_mem>>) src(%dma_wait3A_45 : memref<119547x768xf32, #tpu.memory_space<hbm>>) dst(%arg6 : memref<64x768xf32, #tpu.memory_space<vmem>>)
      %mul3A_46 = arith.constant 64 : i32
      %mul3A_47 = arith.muli %add3A_38, %mul3A_46 : i32
      %multiple_of3A_48 = tpu.assume_multiple %mul3A_47, 64 : i32
      %add3A_49 = arith.addi %mul3A_2, %multiple_of3A_48 : i32
      "tpu.region"() ({
        %run_scoped3A = tpu.sem_alloc : memref<!tpu.dma_semaphore, #tpu.memory_space<semaphore_mem>>
        %dma_start3A_83 = arith.constant 0 : i32
        %dma_start3A_84 = tpu.memref_slice %arg4[%add3A_49, %dma_start3A_83] : memref<32768x768xf32, #tpu.memory_space<hbm>> -> memref<64x768xf32, #tpu.memory_space<hbm>>
        %dma_start3A_85 = arith.constant 0 : i32
        %dma_start3A_86 = tpu.memref_slice %arg4[%add3A_49, %dma_start3A_85] : memref<32768x768xf32, #tpu.memory_space<hbm>> -> memref<64x768xf32, #tpu.memory_space<hbm>>
        tpu.enqueue_dma source(%arg6 : memref<64x768xf32, #tpu.memory_space<vmem>>) target(%dma_start3A_86 : memref<64x768xf32, #tpu.memory_space<hbm>>) target_semaphore(%run_scoped3A : memref<!tpu.dma_semaphore, #tpu.memory_space<semaphore_mem>>)
        %dma_wait3A_87 = arith.constant 0 : i32
        %dma_wait3A_88 = tpu.memref_slice %arg4[%add3A_49, %dma_wait3A_87] : memref<32768x768xf32, #tpu.memory_space<hbm>> -> memref<64x768xf32, #tpu.memory_space<hbm>>
        %dma_wait3A_89 = arith.constant 0 : i32
        %dma_wait3A_90 = tpu.memref_slice %arg4[%add3A_49, %dma_wait3A_89] : memref<32768x768xf32, #tpu.memory_space<hbm>> -> memref<64x768xf32, #tpu.memory_space<hbm>>
        tpu.wait_dma2 semaphore(%run_scoped3A : memref<!tpu.dma_semaphore, #tpu.memory_space<semaphore_mem>>) src(%arg6 : memref<64x768xf32, #tpu.memory_space<vmem>>) dst(%dma_wait3A_90 : memref<64x768xf32, #tpu.memory_space<hbm>>)
        tpu.yield
      }) : () -> ()
      %add3A_50 = arith.constant 2 : i32
      %add3A_51 = arith.addi %add3A_38, %add3A_50 : i32
      %mul3A_52 = arith.constant 64 : i32
      %mul3A_53 = arith.muli %add3A_51, %mul3A_52 : i32
      %multiple_of3A_54 = tpu.assume_multiple %mul3A_53, 64 : i32
      %dma_start3A_55 = tpu.memref_slice %arg5[%multiple_of3A_54] : memref<1024xi32, #tpu.memory_space<vmem>> -> memref<64xi32, #tpu.memory_space<vmem>>
      %dma_start3A_56 = arith.constant 0 : i32
      %dma_start3A_57 = arith.constant 0 : i32
      %dma_start3A_58 = tpu.memref_slice %arg2[%dma_start3A_56, %dma_start3A_57] : memref<119547x768xf32, #tpu.memory_space<hbm>> -> memref<119547x768xf32, #tpu.memory_space<hbm>>
      tpu.enqueue_indirect_dma source(%dma_start3A_58 : memref<119547x768xf32, #tpu.memory_space<hbm>>) target(%arg6 : memref<64x768xf32, #tpu.memory_space<vmem>>) offsets(%dma_start3A_55 : memref<64xi32, #tpu.memory_space<vmem>>) semaphore(%arg8 : memref<!tpu.dma_semaphore, #tpu.memory_space<semaphore_mem>>)
      %add3A_59 = arith.constant 1 : i32
      %add3A_60 = arith.addi %add3A_38, %add3A_59 : i32
      %mul3A_61 = arith.constant 64 : i32
      %mul3A_62 = arith.muli %add3A_60, %mul3A_61 : i32
      %multiple_of3A_63 = tpu.assume_multiple %mul3A_62, 64 : i32
      %dma_wait3A_64 = tpu.memref_slice %arg5[%multiple_of3A_63] : memref<1024xi32, #tpu.memory_space<vmem>> -> memref<64xi32, #tpu.memory_space<vmem>>
      %dma_wait3A_65 = arith.constant 0 : i32
      %dma_wait3A_66 = arith.constant 0 : i32
      %dma_wait3A_67 = tpu.memref_slice %arg2[%dma_wait3A_65, %dma_wait3A_66] : memref<119547x768xf32, #tpu.memory_space<hbm>> -> memref<119547x768xf32, #tpu.memory_space<hbm>>
      tpu.wait_indirect_dma semaphore(%arg9 : memref<!tpu.dma_semaphore, #tpu.memory_space<semaphore_mem>>) src(%dma_wait3A_67 : memref<119547x768xf32, #tpu.memory_space<hbm>>) dst(%arg7 : memref<64x768xf32, #tpu.memory_space<vmem>>)
      %add3A_68 = arith.constant 1 : i32
      %add3A_69 = arith.addi %add3A_38, %add3A_68 : i32
      %mul3A_70 = arith.constant 64 : i32
      %mul3A_71 = arith.muli %add3A_69, %mul3A_70 : i32
      %multiple_of3A_72 = tpu.assume_multiple %mul3A_71, 64 : i32
      %add3A_73 = arith.addi %mul3A_2, %multiple_of3A_72 : i32
      "tpu.region"() ({
        %run_scoped3A = tpu.sem_alloc : memref<!tpu.dma_semaphore, #tpu.memory_space<semaphore_mem>>
        %dma_start3A_83 = arith.constant 0 : i32
        %dma_start3A_84 = tpu.memref_slice %arg4[%add3A_73, %dma_start3A_83] : memref<32768x768xf32, #tpu.memory_space<hbm>> -> memref<64x768xf32, #tpu.memory_space<hbm>>
        %dma_start3A_85 = arith.constant 0 : i32
        %dma_start3A_86 = tpu.memref_slice %arg4[%add3A_73, %dma_start3A_85] : memref<32768x768xf32, #tpu.memory_space<hbm>> -> memref<64x768xf32, #tpu.memory_space<hbm>>
        tpu.enqueue_dma source(%arg7 : memref<64x768xf32, #tpu.memory_space<vmem>>) target(%dma_start3A_86 : memref<64x768xf32, #tpu.memory_space<hbm>>) target_semaphore(%run_scoped3A : memref<!tpu.dma_semaphore, #tpu.memory_space<semaphore_mem>>)
        %dma_wait3A_87 = arith.constant 0 : i32
        %dma_wait3A_88 = tpu.memref_slice %arg4[%add3A_73, %dma_wait3A_87] : memref<32768x768xf32, #tpu.memory_space<hbm>> -> memref<64x768xf32, #tpu.memory_space<hbm>>
        %dma_wait3A_89 = arith.constant 0 : i32
        %dma_wait3A_90 = tpu.memref_slice %arg4[%add3A_73, %dma_wait3A_89] : memref<32768x768xf32, #tpu.memory_space<hbm>> -> memref<64x768xf32, #tpu.memory_space<hbm>>
        tpu.wait_dma2 semaphore(%run_scoped3A : memref<!tpu.dma_semaphore, #tpu.memory_space<semaphore_mem>>) src(%arg7 : memref<64x768xf32, #tpu.memory_space<vmem>>) dst(%dma_wait3A_90 : memref<64x768xf32, #tpu.memory_space<hbm>>)
        tpu.yield
      }) : () -> ()
      %add3A_74 = arith.constant 3 : i32
      %add3A_75 = arith.addi %add3A_38, %add3A_74 : i32
      %mul3A_76 = arith.constant 64 : i32
      %mul3A_77 = arith.muli %add3A_75, %mul3A_76 : i32
      %multiple_of3A_78 = tpu.assume_multiple %mul3A_77, 64 : i32
      %dma_start3A_79 = tpu.memref_slice %arg5[%multiple_of3A_78] : memref<1024xi32, #tpu.memory_space<vmem>> -> memref<64xi32, #tpu.memory_space<vmem>>
      %dma_start3A_80 = arith.constant 0 : i32
      %dma_start3A_81 = arith.constant 0 : i32
      %dma_start3A_82 = tpu.memref_slice %arg2[%dma_start3A_80, %dma_start3A_81] : memref<119547x768xf32, #tpu.memory_space<hbm>> -> memref<119547x768xf32, #tpu.memory_space<hbm>>
      tpu.enqueue_indirect_dma source(%dma_start3A_82 : memref<119547x768xf32, #tpu.memory_space<hbm>>) target(%arg7 : memref<64x768xf32, #tpu.memory_space<vmem>>) offsets(%dma_start3A_79 : memref<64xi32, #tpu.memory_space<vmem>>) semaphore(%arg9 : memref<!tpu.dma_semaphore, #tpu.memory_space<semaphore_mem>>)
    }
    %scan3A_16 = arith.constant 7 : i32
    %multiple_of3A_17 = arith.constant 896 : i32
    %multiple_of3A_18 = tpu.assume_multiple %multiple_of3A_17, 64 : i32
    %dma_wait3A = tpu.memref_slice %arg5[%multiple_of3A_18] : memref<1024xi32, #tpu.memory_space<vmem>> -> memref<64xi32, #tpu.memory_space<vmem>>
    %dma_wait3A_19 = arith.constant 0 : i32
    %dma_wait3A_20 = arith.constant 0 : i32
    %dma_wait3A_21 = tpu.memref_slice %arg2[%dma_wait3A_19, %dma_wait3A_20] : memref<119547x768xf32, #tpu.memory_space<hbm>> -> memref<119547x768xf32, #tpu.memory_space<hbm>>
    tpu.wait_indirect_dma semaphore(%arg8 : memref<!tpu.dma_semaphore, #tpu.memory_space<semaphore_mem>>) src(%dma_wait3A_21 : memref<119547x768xf32, #tpu.memory_space<hbm>>) dst(%arg6 : memref<64x768xf32, #tpu.memory_space<vmem>>)
    %multiple_of3A_22 = arith.constant 896 : i32
    %multiple_of3A_23 = tpu.assume_multiple %multiple_of3A_22, 64 : i32
    %add3A_24 = arith.addi %mul3A_2, %multiple_of3A_23 : i32
    "tpu.region"() ({
      %run_scoped3A = tpu.sem_alloc : memref<!tpu.dma_semaphore, #tpu.memory_space<semaphore_mem>>
      %dma_start3A_34 = arith.constant 0 : i32
      %dma_start3A_35 = tpu.memref_slice %arg4[%add3A_24, %dma_start3A_34] : memref<32768x768xf32, #tpu.memory_space<hbm>> -> memref<64x768xf32, #tpu.memory_space<hbm>>
      %dma_start3A_36 = arith.constant 0 : i32
      %dma_start3A_37 = tpu.memref_slice %arg4[%add3A_24, %dma_start3A_36] : memref<32768x768xf32, #tpu.memory_space<hbm>> -> memref<64x768xf32, #tpu.memory_space<hbm>>
      tpu.enqueue_dma source(%arg6 : memref<64x768xf32, #tpu.memory_space<vmem>>) target(%dma_start3A_37 : memref<64x768xf32, #tpu.memory_space<hbm>>) target_semaphore(%run_scoped3A : memref<!tpu.dma_semaphore, #tpu.memory_space<semaphore_mem>>)
      %dma_wait3A_38 = arith.constant 0 : i32
      %dma_wait3A_39 = tpu.memref_slice %arg4[%add3A_24, %dma_wait3A_38] : memref<32768x768xf32, #tpu.memory_space<hbm>> -> memref<64x768xf32, #tpu.memory_space<hbm>>
      %dma_wait3A_40 = arith.constant 0 : i32
      %dma_wait3A_41 = tpu.memref_slice %arg4[%add3A_24, %dma_wait3A_40] : memref<32768x768xf32, #tpu.memory_space<hbm>> -> memref<64x768xf32, #tpu.memory_space<hbm>>
      tpu.wait_dma2 semaphore(%run_scoped3A : memref<!tpu.dma_semaphore, #tpu.memory_space<semaphore_mem>>) src(%arg6 : memref<64x768xf32, #tpu.memory_space<vmem>>) dst(%dma_wait3A_41 : memref<64x768xf32, #tpu.memory_space<hbm>>)
      tpu.yield
    }) : () -> ()
    %multiple_of3A_25 = arith.constant 960 : i32
    %multiple_of3A_26 = tpu.assume_multiple %multiple_of3A_25, 64 : i32
    %dma_wait3A_27 = tpu.memref_slice %arg5[%multiple_of3A_26] : memref<1024xi32, #tpu.memory_space<vmem>> -> memref<64xi32, #tpu.memory_space<vmem>>
    %dma_wait3A_28 = arith.constant 0 : i32
    %dma_wait3A_29 = arith.constant 0 : i32
    %dma_wait3A_30 = tpu.memref_slice %arg2[%dma_wait3A_28, %dma_wait3A_29] : memref<119547x768xf32, #tpu.memory_space<hbm>> -> memref<119547x768xf32, #tpu.memory_space<hbm>>
    tpu.wait_indirect_dma semaphore(%arg9 : memref<!tpu.dma_semaphore, #tpu.memory_space<semaphore_mem>>) src(%dma_wait3A_30 : memref<119547x768xf32, #tpu.memory_space<hbm>>) dst(%arg7 : memref<64x768xf32, #tpu.memory_space<vmem>>)
    %multiple_of3A_31 = arith.constant 960 : i32
    %multiple_of3A_32 = tpu.assume_multiple %multiple_of3A_31, 64 : i32
    %add3A_33 = arith.addi %mul3A_2, %multiple_of3A_32 : i32
    "tpu.region"() ({
      %run_scoped3A = tpu.sem_alloc : memref<!tpu.dma_semaphore, #tpu.memory_space<semaphore_mem>>
      %dma_start3A_34 = arith.constant 0 : i32
      %dma_start3A_35 = tpu.memref_slice %arg4[%add3A_33, %dma_start3A_34] : memref<32768x768xf32, #tpu.memory_space<hbm>> -> memref<64x768xf32, #tpu.memory_space<hbm>>
      %dma_start3A_36 = arith.constant 0 : i32
      %dma_start3A_37 = tpu.memref_slice %arg4[%add3A_33, %dma_start3A_36] : memref<32768x768xf32, #tpu.memory_space<hbm>> -> memref<64x768xf32, #tpu.memory_space<hbm>>
      tpu.enqueue_dma source(%arg7 : memref<64x768xf32, #tpu.memory_space<vmem>>) target(%dma_start3A_37 : memref<64x768xf32, #tpu.memory_space<hbm>>) target_semaphore(%run_scoped3A : memref<!tpu.dma_semaphore, #tpu.memory_space<semaphore_mem>>)
      %dma_wait3A_38 = arith.constant 0 : i32
      %dma_wait3A_39 = tpu.memref_slice %arg4[%add3A_33, %dma_wait3A_38] : memref<32768x768xf32, #tpu.memory_space<hbm>> -> memref<64x768xf32, #tpu.memory_space<hbm>>
      %dma_wait3A_40 = arith.constant 0 : i32
      %dma_wait3A_41 = tpu.memref_slice %arg4[%add3A_33, %dma_wait3A_40] : memref<32768x768xf32, #tpu.memory_space<hbm>> -> memref<64x768xf32, #tpu.memory_space<hbm>>
      tpu.wait_dma2 semaphore(%run_scoped3A : memref<!tpu.dma_semaphore, #tpu.memory_space<semaphore_mem>>) src(%arg7 : memref<64x768xf32, #tpu.memory_space<vmem>>) dst(%dma_wait3A_41 : memref<64x768xf32, #tpu.memory_space<hbm>>)
      tpu.yield
    }) : () -> ()
    return
  }
}

#map = affine_map<(d0, d1) -> (0, 0)>
#map1 = affine_map<(d0, d1) -> (0)>
module attributes {stable_mosaic.version = 14 : i64} {
  func.func @gather_kernel(%arg0: i32, %arg1: i32, %arg2: memref<119547x768xf32, #tpu.memory_space<hbm>>, %arg3: memref<32768xi32, #tpu.memory_space<hbm>>, %arg4: memref<32768x768xf32, #tpu.memory_space<hbm>>, %arg5: memref<1024xi32, #tpu.memory_space<vmem>>, %arg6: memref<64x768xf32, #tpu.memory_space<vmem>>, %arg7: memref<64x768xf32, #tpu.memory_space<vmem>>, %arg8: memref<!tpu.dma_semaphore, #tpu.memory_space<semaphore_mem>>, %arg9: memref<!tpu.dma_semaphore, #tpu.memory_space<semaphore_mem>>) attributes {dimension_semantics = [#tpu.dimension_semantics<core_parallel>, #tpu.dimension_semantics<subcore_parallel>], iteration_bounds = array<i64: 2, 16>, scalar_prefetch = 0 : i64, scratch_operands = 5 : i64, tpu.core_type = #tpu.core_type<sc_vector_subcore>, window_params = [{transform_indices = #map}, {transform_indices = #map1}, {transform_indices = #map}]} {
    %mul3A = arith.constant 2 : i32
    %mul3A_0 = arith.muli %arg1, %mul3A : i32
    %add3A = arith.addi %mul3A_0, %arg0 : i32
    %mul3A_1 = arith.constant 1024 : i32
    %mul3A_2 = arith.muli %add3A, %mul3A_1 : i32
    "tpu.region"() ({
      %run_scoped3A = tpu.sem_alloc : memref<!tpu.dma_semaphore, #tpu.memory_space<semaphore_mem>>
      %dma_start3A_34 = tpu.memref_slice %arg3[%mul3A_2] : memref<32768xi32, #tpu.memory_space<hbm>> -> memref<1024xi32, #tpu.memory_space<hbm>>
      %dma_start3A_35 = tpu.memref_slice %arg3[%mul3A_2] : memref<32768xi32, #tpu.memory_space<hbm>> -> memref<1024xi32, #tpu.memory_space<hbm>>
      tpu.enqueue_dma source(%dma_start3A_35 : memref<1024xi32, #tpu.memory_space<hbm>>) target(%arg5 : memref<1024xi32, #tpu.memory_space<vmem>>) target_semaphore(%run_scoped3A : memref<!tpu.dma_semaphore, #tpu.memory_space<semaphore_mem>>)
      %dma_wait3A_36 = tpu.memref_slice %arg3[%mul3A_2] : memref<32768xi32, #tpu.memory_space<hbm>> -> memref<1024xi32, #tpu.memory_space<hbm>>
      %dma_wait3A_37 = tpu.memref_slice %arg3[%mul3A_2] : memref<32768xi32, #tpu.memory_space<hbm>> -> memref<1024xi32, #tpu.memory_space<hbm>>
      tpu.wait_dma2 semaphore(%run_scoped3A : memref<!tpu.dma_semaphore, #tpu.memory_space<semaphore_mem>>) src(%dma_wait3A_37 : memref<1024xi32, #tpu.memory_space<hbm>>) dst(%arg5 : memref<1024xi32, #tpu.memory_space<vmem>>)
      tpu.yield
    }) : () -> ()
    %multiple_of3A = arith.constant 0 : i32
    %multiple_of3A_3 = tpu.assume_multiple %multiple_of3A, 64 : i32
    %dma_start3A = tpu.memref_slice %arg5[%multiple_of3A_3] : memref<1024xi32, #tpu.memory_space<vmem>> -> memref<64xi32, #tpu.memory_space<vmem>>
    %dma_start3A_4 = arith.constant 0 : i32
    %dma_start3A_5 = arith.constant 0 : i32
    %dma_start3A_6 = tpu.memref_slice %arg2[%dma_start3A_4, %dma_start3A_5] : memref<119547x768xf32, #tpu.memory_space<hbm>> -> memref<119547x768xf32, #tpu.memory_space<hbm>>
    tpu.enqueue_indirect_dma source(%dma_start3A_6 : memref<119547x768xf32, #tpu.memory_space<hbm>>) target(%arg6 : memref<64x768xf32, #tpu.memory_space<vmem>>) offsets(%dma_start3A : memref<64xi32, #tpu.memory_space<vmem>>) semaphore(%arg8 : memref<!tpu.dma_semaphore, #tpu.memory_space<semaphore_mem>>)
    %multiple_of3A_7 = arith.constant 64 : i32
    %multiple_of3A_8 = tpu.assume_multiple %multiple_of3A_7, 64 : i32
    %dma_start3A_9 = tpu.memref_slice %arg5[%multiple_of3A_8] : memref<1024xi32, #tpu.memory_space<vmem>> -> memref<64xi32, #tpu.memory_space<vmem>>
    %dma_start3A_10 = arith.constant 0 : i32
    %dma_start3A_11 = arith.constant 0 : i32
    %dma_start3A_12 = tpu.memref_slice %arg2[%dma_start3A_10, %dma_start3A_11] : memref<119547x768xf32, #tpu.memory_space<hbm>> -> memref<119547x768xf32, #tpu.memory_space<hbm>>
    tpu.enqueue_indirect_dma source(%dma_start3A_12 : memref<119547x768xf32, #tpu.memory_space<hbm>>) target(%arg7 : memref<64x768xf32, #tpu.memory_space<vmem>>) offsets(%dma_start3A_9 : memref<64xi32, #tpu.memory_space<vmem>>) semaphore(%arg9 : memref<!tpu.dma_semaphore, #tpu.memory_space<semaphore_mem>>)
    %scan3A = arith.constant 0 : i32
    %scan3A_13 = arith.constant 7 : i32
    %scan3A_14 = arith.addi %scan3A, %scan3A_13 : i32
    %scan3A_15 = arith.constant 1 : i32
    scf.for %scan3A_34 = %scan3A to %scan3A_14 step %scan3A_15  : i32 {
      %mul3A_35 = arith.constant 2 : i32
      %mul3A_36 = arith.muli %scan3A_34, %mul3A_35 : i32
      %add3A_37 = arith.constant 0 : i32
      %add3A_38 = arith.addi %add3A_37, %mul3A_36 : i32
      %mul3A_39 = arith.constant 64 : i32
      %mul3A_40 = arith.muli %add3A_38, %mul3A_39 : i32
      %multiple_of3A_41 = tpu.assume_multiple %mul3A_40, 64 : i32
      %dma_wait3A_42 = tpu.memref_slice %arg5[%multiple_of3A_41] : memref<1024xi32, #tpu.memory_space<vmem>> -> memref<64xi32, #tpu.memory_space<vmem>>
      %dma_wait3A_43 = arith.constant 0 : i32
      %dma_wait3A_44 = arith.constant 0 : i32
      %dma_wait3A_45 = tpu.memref_slice %arg2[%dma_wait3A_43, %dma_wait3A_44] : memref<119547x768xf32, #tpu.memory_space<hbm>> -> memref<119547x768xf32, #tpu.memory_space<hbm>>
      tpu.wait_indirect_dma semaphore(%arg8 : memref<!tpu.dma_semaphore, #tpu.memory_space<semaphore_mem>>) src(%dma_wait3A_45 : memref<119547x768xf32, #tpu.memory_space<hbm>>) dst(%arg6 : memref<64x768xf32, #tpu.memory_space<vmem>>)
      %mul3A_46 = arith.constant 64 : i32
      %mul3A_47 = arith.muli %add3A_38, %mul3A_46 : i32
      %multiple_of3A_48 = tpu.assume_multiple %mul3A_47, 64 : i32
      %add3A_49 = arith.addi %mul3A_2, %multiple_of3A_48 : i32
      "tpu.region"() ({
        %run_scoped3A = tpu.sem_alloc : memref<!tpu.dma_semaphore, #tpu.memory_space<semaphore_mem>>
        %dma_start3A_83 = arith.constant 0 : i32
        %dma_start3A_84 = tpu.memref_slice %arg4[%add3A_49, %dma_start3A_83] : memref<32768x768xf32, #tpu.memory_space<hbm>> -> memref<64x768xf32, #tpu.memory_space<hbm>>
        %dma_start3A_85 = arith.constant 0 : i32
        %dma_start3A_86 = tpu.memref_slice %arg4[%add3A_49, %dma_start3A_85] : memref<32768x768xf32, #tpu.memory_space<hbm>> -> memref<64x768xf32, #tpu.memory_space<hbm>>
        tpu.enqueue_dma source(%arg6 : memref<64x768xf32, #tpu.memory_space<vmem>>) target(%dma_start3A_86 : memref<64x768xf32, #tpu.memory_space<hbm>>) target_semaphore(%run_scoped3A : memref<!tpu.dma_semaphore, #tpu.memory_space<semaphore_mem>>)
        %dma_wait3A_87 = arith.constant 0 : i32
        %dma_wait3A_88 = tpu.memref_slice %arg4[%add3A_49, %dma_wait3A_87] : memref<32768x768xf32, #tpu.memory_space<hbm>> -> memref<64x768xf32, #tpu.memory_space<hbm>>
        %dma_wait3A_89 = arith.constant 0 : i32
        %dma_wait3A_90 = tpu.memref_slice %arg4[%add3A_49, %dma_wait3A_89] : memref<32768x768xf32, #tpu.memory_space<hbm>> -> memref<64x768xf32, #tpu.memory_space<hbm>>
        tpu.wait_dma2 semaphore(%run_scoped3A : memref<!tpu.dma_semaphore, #tpu.memory_space<semaphore_mem>>) src(%arg6 : memref<64x768xf32, #tpu.memory_space<vmem>>) dst(%dma_wait3A_90 : memref<64x768xf32, #tpu.memory_space<hbm>>)
        tpu.yield
      }) : () -> ()
      %add3A_50 = arith.constant 2 : i32
      %add3A_51 = arith.addi %add3A_38, %add3A_50 : i32
      %mul3A_52 = arith.constant 64 : i32
      %mul3A_53 = arith.muli %add3A_51, %mul3A_52 : i32
      %multiple_of3A_54 = tpu.assume_multiple %mul3A_53, 64 : i32
      %dma_start3A_55 = tpu.memref_slice %arg5[%multiple_of3A_54] : memref<1024xi32, #tpu.memory_space<vmem>> -> memref<64xi32, #tpu.memory_space<vmem>>
      %dma_start3A_56 = arith.constant 0 : i32
      %dma_start3A_57 = arith.constant 0 : i32
      %dma_start3A_58 = tpu.memref_slice %arg2[%dma_start3A_56, %dma_start3A_57] : memref<119547x768xf32, #tpu.memory_space<hbm>> -> memref<119547x768xf32, #tpu.memory_space<hbm>>
      tpu.enqueue_indirect_dma source(%dma_start3A_58 : memref<119547x768xf32, #tpu.memory_space<hbm>>) target(%arg6 : memref<64x768xf32, #tpu.memory_space<vmem>>) offsets(%dma_start3A_55 : memref<64xi32, #tpu.memory_space<vmem>>) semaphore(%arg8 : memref<!tpu.dma_semaphore, #tpu.memory_space<semaphore_mem>>)
      %add3A_59 = arith.constant 1 : i32
      %add3A_60 = arith.addi %add3A_38, %add3A_59 : i32
      %mul3A_61 = arith.constant 64 : i32
      %mul3A_62 = arith.muli %add3A_60, %mul3A_61 : i32
      %multiple_of3A_63 = tpu.assume_multiple %mul3A_62, 64 : i32
      %dma_wait3A_64 = tpu.memref_slice %arg5[%multiple_of3A_63] : memref<1024xi32, #tpu.memory_space<vmem>> -> memref<64xi32, #tpu.memory_space<vmem>>
      %dma_wait3A_65 = arith.constant 0 : i32
      %dma_wait3A_66 = arith.constant 0 : i32
      %dma_wait3A_67 = tpu.memref_slice %arg2[%dma_wait3A_65, %dma_wait3A_66] : memref<119547x768xf32, #tpu.memory_space<hbm>> -> memref<119547x768xf32, #tpu.memory_space<hbm>>
      tpu.wait_indirect_dma semaphore(%arg9 : memref<!tpu.dma_semaphore, #tpu.memory_space<semaphore_mem>>) src(%dma_wait3A_67 : memref<119547x768xf32, #tpu.memory_space<hbm>>) dst(%arg7 : memref<64x768xf32, #tpu.memory_space<vmem>>)
      %add3A_68 = arith.constant 1 : i32
      %add3A_69 = arith.addi %add3A_38, %add3A_68 : i32
      %mul3A_70 = arith.constant 64 : i32
      %mul3A_71 = arith.muli %add3A_69, %mul3A_70 : i32
      %multiple_of3A_72 = tpu.assume_multiple %mul3A_71, 64 : i32
      %add3A_73 = arith.addi %mul3A_2, %multiple_of3A_72 : i32
      "tpu.region"() ({
        %run_scoped3A = tpu.sem_alloc : memref<!tpu.dma_semaphore, #tpu.memory_space<semaphore_mem>>
        %dma_start3A_83 = arith.constant 0 : i32
        %dma_start3A_84 = tpu.memref_slice %arg4[%add3A_73, %dma_start3A_83] : memref<32768x768xf32, #tpu.memory_space<hbm>> -> memref<64x768xf32, #tpu.memory_space<hbm>>
        %dma_start3A_85 = arith.constant 0 : i32
        %dma_start3A_86 = tpu.memref_slice %arg4[%add3A_73, %dma_start3A_85] : memref<32768x768xf32, #tpu.memory_space<hbm>> -> memref<64x768xf32, #tpu.memory_space<hbm>>
        tpu.enqueue_dma source(%arg7 : memref<64x768xf32, #tpu.memory_space<vmem>>) target(%dma_start3A_86 : memref<64x768xf32, #tpu.memory_space<hbm>>) target_semaphore(%run_scoped3A : memref<!tpu.dma_semaphore, #tpu.memory_space<semaphore_mem>>)
        %dma_wait3A_87 = arith.constant 0 : i32
        %dma_wait3A_88 = tpu.memref_slice %arg4[%add3A_73, %dma_wait3A_87] : memref<32768x768xf32, #tpu.memory_space<hbm>> -> memref<64x768xf32, #tpu.memory_space<hbm>>
        %dma_wait3A_89 = arith.constant 0 : i32
        %dma_wait3A_90 = tpu.memref_slice %arg4[%add3A_73, %dma_wait3A_89] : memref<32768x768xf32, #tpu.memory_space<hbm>> -> memref<64x768xf32, #tpu.memory_space<hbm>>
        tpu.wait_dma2 semaphore(%run_scoped3A : memref<!tpu.dma_semaphore, #tpu.memory_space<semaphore_mem>>) src(%arg7 : memref<64x768xf32, #tpu.memory_space<vmem>>) dst(%dma_wait3A_90 : memref<64x768xf32, #tpu.memory_space<hbm>>)
        tpu.yield
      }) : () -> ()
      %add3A_74 = arith.constant 3 : i32
      %add3A_75 = arith.addi %add3A_38, %add3A_74 : i32
      %mul3A_76 = arith.constant 64 : i32
      %mul3A_77 = arith.muli %add3A_75, %mul3A_76 : i32
      %multiple_of3A_78 = tpu.assume_multiple %mul3A_77, 64 : i32
      %dma_start3A_79 = tpu.memref_slice %arg5[%multiple_of3A_78] : memref<1024xi32, #tpu.memory_space<vmem>> -> memref<64xi32, #tpu.memory_space<vmem>>
      %dma_start3A_80 = arith.constant 0 : i32
      %dma_start3A_81 = arith.constant 0 : i32
      %dma_start3A_82 = tpu.memref_slice %arg2[%dma_start3A_80, %dma_start3A_81] : memref<119547x768xf32, #tpu.memory_space<hbm>> -> memref<119547x768xf32, #tpu.memory_space<hbm>>
      tpu.enqueue_indirect_dma source(%dma_start3A_82 : memref<119547x768xf32, #tpu.memory_space<hbm>>) target(%arg7 : memref<64x768xf32, #tpu.memory_space<vmem>>) offsets(%dma_start3A_79 : memref<64xi32, #tpu.memory_space<vmem>>) semaphore(%arg9 : memref<!tpu.dma_semaphore, #tpu.memory_space<semaphore_mem>>)
    }
    %scan3A_16 = arith.constant 7 : i32
    %multiple_of3A_17 = arith.constant 896 : i32
    %multiple_of3A_18 = tpu.assume_multiple %multiple_of3A_17, 64 : i32
    %dma_wait3A = tpu.memref_slice %arg5[%multiple_of3A_18] : memref<1024xi32, #tpu.memory_space<vmem>> -> memref<64xi32, #tpu.memory_space<vmem>>
    %dma_wait3A_19 = arith.constant 0 : i32
    %dma_wait3A_20 = arith.constant 0 : i32
    %dma_wait3A_21 = tpu.memref_slice %arg2[%dma_wait3A_19, %dma_wait3A_20] : memref<119547x768xf32, #tpu.memory_space<hbm>> -> memref<119547x768xf32, #tpu.memory_space<hbm>>
    tpu.wait_indirect_dma semaphore(%arg8 : memref<!tpu.dma_semaphore, #tpu.memory_space<semaphore_mem>>) src(%dma_wait3A_21 : memref<119547x768xf32, #tpu.memory_space<hbm>>) dst(%arg6 : memref<64x768xf32, #tpu.memory_space<vmem>>)
    %multiple_of3A_22 = arith.constant 896 : i32
    %multiple_of3A_23 = tpu.assume_multiple %multiple_of3A_22, 64 : i32
    %add3A_24 = arith.addi %mul3A_2, %multiple_of3A_23 : i32
    "tpu.region"() ({
      %run_scoped3A = tpu.sem_alloc : memref<!tpu.dma_semaphore, #tpu.memory_space<semaphore_mem>>
      %dma_start3A_34 = arith.constant 0 : i32
      %dma_start3A_35 = tpu.memref_slice %arg4[%add3A_24, %dma_start3A_34] : memref<32768x768xf32, #tpu.memory_space<hbm>> -> memref<64x768xf32, #tpu.memory_space<hbm>>
      %dma_start3A_36 = arith.constant 0 : i32
      %dma_start3A_37 = tpu.memref_slice %arg4[%add3A_24, %dma_start3A_36] : memref<32768x768xf32, #tpu.memory_space<hbm>> -> memref<64x768xf32, #tpu.memory_space<hbm>>
      tpu.enqueue_dma source(%arg6 : memref<64x768xf32, #tpu.memory_space<vmem>>) target(%dma_start3A_37 : memref<64x768xf32, #tpu.memory_space<hbm>>) target_semaphore(%run_scoped3A : memref<!tpu.dma_semaphore, #tpu.memory_space<semaphore_mem>>)
      %dma_wait3A_38 = arith.constant 0 : i32
      %dma_wait3A_39 = tpu.memref_slice %arg4[%add3A_24, %dma_wait3A_38] : memref<32768x768xf32, #tpu.memory_space<hbm>> -> memref<64x768xf32, #tpu.memory_space<hbm>>
      %dma_wait3A_40 = arith.constant 0 : i32
      %dma_wait3A_41 = tpu.memref_slice %arg4[%add3A_24, %dma_wait3A_40] : memref<32768x768xf32, #tpu.memory_space<hbm>> -> memref<64x768xf32, #tpu.memory_space<hbm>>
      tpu.wait_dma2 semaphore(%run_scoped3A : memref<!tpu.dma_semaphore, #tpu.memory_space<semaphore_mem>>) src(%arg6 : memref<64x768xf32, #tpu.memory_space<vmem>>) dst(%dma_wait3A_41 : memref<64x768xf32, #tpu.memory_space<hbm>>)
      tpu.yield
    }) : () -> ()
    %multiple_of3A_25 = arith.constant 960 : i32
    %multiple_of3A_26 = tpu.assume_multiple %multiple_of3A_25, 64 : i32
    %dma_wait3A_27 = tpu.memref_slice %arg5[%multiple_of3A_26] : memref<1024xi32, #tpu.memory_space<vmem>> -> memref<64xi32, #tpu.memory_space<vmem>>
    %dma_wait3A_28 = arith.constant 0 : i32
    %dma_wait3A_29 = arith.constant 0 : i32
    %dma_wait3A_30 = tpu.memref_slice %arg2[%dma_wait3A_28, %dma_wait3A_29] : memref<119547x768xf32, #tpu.memory_space<hbm>> -> memref<119547x768xf32, #tpu.memory_space<hbm>>
    tpu.wait_indirect_dma semaphore(%arg9 : memref<!tpu.dma_semaphore, #tpu.memory_space<semaphore_mem>>) src(%dma_wait3A_30 : memref<119547x768xf32, #tpu.memory_space<hbm>>) dst(%arg7 : memref<64x768xf32, #tpu.memory_space<vmem>>)
    %multiple_of3A_31 = arith.constant 960 : i32
    %multiple_of3A_32 = tpu.assume_multiple %multiple_of3A_31, 64 : i32
    %add3A_33 = arith.addi %mul3A_2, %multiple_of3A_32 : i32
    "tpu.region"() ({
      %run_scoped3A = tpu.sem_alloc : memref<!tpu.dma_semaphore, #tpu.memory_space<semaphore_mem>>
      %dma_start3A_34 = arith.constant 0 : i32
      %dma_start3A_35 = tpu.memref_slice %arg4[%add3A_33, %dma_start3A_34] : memref<32768x768xf32, #tpu.memory_space<hbm>> -> memref<64x768xf32, #tpu.memory_space<hbm>>
      %dma_start3A_36 = arith.constant 0 : i32
      %dma_start3A_37 = tpu.memref_slice %arg4[%add3A_33, %dma_start3A_36] : memref<32768x768xf32, #tpu.memory_space<hbm>> -> memref<64x768xf32, #tpu.memory_space<hbm>>
      tpu.enqueue_dma source(%arg7 : memref<64x768xf32, #tpu.memory_space<vmem>>) target(%dma_start3A_37 : memref<64x768xf32, #tpu.memory_space<hbm>>) target_semaphore(%run_scoped3A : memref<!tpu.dma_semaphore, #tpu.memory_space<semaphore_mem>>)
      %dma_wait3A_38 = arith.constant 0 : i32
      %dma_wait3A_39 = tpu.memref_slice %arg4[%add3A_33, %dma_wait3A_38] : memref<32768x768xf32, #tpu.memory_space<hbm>> -> memref<64x768xf32, #tpu.memory_space<hbm>>
      %dma_wait3A_40 = arith.constant 0 : i32
      %dma_wait3A_41 = tpu.memref_slice %arg4[%add3A_33, %dma_wait3A_40] : memref<32768x768xf32, #tpu.memory_space<hbm>> -> memref<64x768xf32, #tpu.memory_space<hbm>>
      tpu.wait_dma2 semaphore(%run_scoped3A : memref<!tpu.dma_semaphore, #tpu.memory_space<semaphore_mem>>) src(%arg7 : memref<64x768xf32, #tpu.memory_space<vmem>>) dst(%dma_wait3A_41 : memref<64x768xf32, #tpu.memory_space<hbm>>)
      tpu.yield
    }) : () -> ()
    return
  }
}

module attributes {stable_mosaic.version = 14 : i64} {
  func.func @body(%arg0: i32, %arg1: memref<256x512x768xf32, #tpu.memory_space<any>>, %arg2: memref<4x512x768xf32, #tpu.memory_space<vmem>>, %arg3: memref<512x768xf32, #tpu.memory_space<vmem>>, %arg4: memref<768xf32, #tpu.memory_space<vmem>>, %arg5: memref<768xf32, #tpu.memory_space<vmem>>, %arg6: memref<4x512x768xf32, #tpu.memory_space<vmem>>) attributes {dimension_semantics = [#tpu.dimension_semantics<arbitrary>], iteration_bounds = array<i64: 16>, scalar_prefetch = 0 : i64, scratch_operands = 0 : i64, tpu.core_type = #tpu.core_type<tc>, window_params = [{}, {transform_indices = @transform_1, window_bounds = array<i64: 4, 512, 768>}, {pipeline_mode = #tpu.pipeline_mode<synchronous>, transform_indices = @transform_2, window_bounds = array<i64: 512, 768>}, {pipeline_mode = #tpu.pipeline_mode<synchronous>, transform_indices = @transform_3, window_bounds = array<i64: 768>}, {pipeline_mode = #tpu.pipeline_mode<synchronous>, transform_indices = @transform_4, window_bounds = array<i64: 768>}, {transform_indices = @transform_5, window_bounds = array<i64: 4, 512, 768>}]} {
    %get3A = arith.constant 0 : index
    %get3A_0 = arith.constant 0 : index
    %get3A_1 = arith.constant 0 : index
    %get3A_2 = vector.load %arg2[%get3A, %get3A_0, %get3A_1] : memref<4x512x768xf32, #tpu.memory_space<vmem>>, vector<4x512x768xf32>
    %get3A_3 = arith.constant 0 : index
    %get3A_4 = arith.constant 0 : index
    %get3A_5 = vector.load %arg3[%get3A_3, %get3A_4] : memref<512x768xf32, #tpu.memory_space<vmem>>, vector<512x768xf32>
    %broadcast_in_dim3A = vector.shape_cast %get3A_5 : vector<512x768xf32> to vector<1x512x768xf32>
    %add3A = vector.broadcast %broadcast_in_dim3A : vector<1x512x768xf32> to vector<4x512x768xf32>
    %add3A_6 = arith.addf %get3A_2, %add3A : vector<4x512x768xf32>
    %reduce_sum3A = arith.constant dense<0.000000e+00> : vector<4x512xf32>
    %reduce_sum3A_7 = vector.multi_reduction <add>, %add3A_6, %reduce_sum3A [2] : vector<4x512x768xf32> to vector<4x512xf32>
    %broadcast_in_dim3A_8 = vector.shape_cast %reduce_sum3A_7 : vector<4x512xf32> to vector<4x512x1xf32>
    %div3A = arith.constant 7.680000e+02 : f32
    %div3A_9 = vector.broadcast %div3A : f32 to vector<4x512x1xf32>
    %div3A_10 = arith.divf %broadcast_in_dim3A_8, %div3A_9 : vector<4x512x1xf32>
    %sub3A = vector.broadcast %div3A_10 : vector<4x512x1xf32> to vector<4x512x768xf32>
    %sub3A_11 = arith.subf %add3A_6, %sub3A : vector<4x512x768xf32>
    %mul3A = arith.mulf %sub3A_11, %sub3A_11 : vector<4x512x768xf32>
    %reduce_sum3A_12 = arith.constant dense<0.000000e+00> : vector<4x512xf32>
    %reduce_sum3A_13 = vector.multi_reduction <add>, %mul3A, %reduce_sum3A_12 [2] : vector<4x512x768xf32> to vector<4x512xf32>
    %broadcast_in_dim3A_14 = vector.shape_cast %reduce_sum3A_13 : vector<4x512xf32> to vector<4x512x1xf32>
    %div3A_15 = arith.constant 7.680000e+02 : f32
    %div3A_16 = vector.broadcast %div3A_15 : f32 to vector<4x512x1xf32>
    %div3A_17 = arith.divf %broadcast_in_dim3A_14, %div3A_16 : vector<4x512x1xf32>
    %add3A_18 = arith.constant 9.99999996E-13 : f32
    %add3A_19 = vector.broadcast %add3A_18 : f32 to vector<4x512x1xf32>
    %add3A_20 = arith.addf %div3A_17, %add3A_19 : vector<4x512x1xf32>
    %rsqrt3A = math.rsqrt %add3A_20 : vector<4x512x1xf32>
    %mul3A_21 = vector.broadcast %rsqrt3A : vector<4x512x1xf32> to vector<4x512x768xf32>
    %mul3A_22 = arith.mulf %sub3A_11, %mul3A_21 : vector<4x512x768xf32>
    %get3A_23 = arith.constant 0 : index
    %get3A_24 = vector.load %arg4[%get3A_23] : memref<768xf32, #tpu.memory_space<vmem>>, vector<768xf32>
    %broadcast_in_dim3A_25 = vector.shape_cast %get3A_24 : vector<768xf32> to vector<1x1x768xf32>
    %mul3A_26 = vector.broadcast %broadcast_in_dim3A_25 : vector<1x1x768xf32> to vector<4x512x768xf32>
    %mul3A_27 = arith.mulf %mul3A_22, %mul3A_26 : vector<4x512x768xf32>
    %get3A_28 = arith.constant 0 : index
    %get3A_29 = vector.load %arg5[%get3A_28] : memref<768xf32, #tpu.memory_space<vmem>>, vector<768xf32>
    %broadcast_in_dim3A_30 = vector.shape_cast %get3A_29 : vector<768xf32> to vector<1x1x768xf32>
    %add3A_31 = vector.broadcast %broadcast_in_dim3A_30 : vector<1x1x768xf32> to vector<4x512x768xf32>
    %add3A_32 = arith.addf %mul3A_27, %add3A_31 : vector<4x512x768xf32>
    %swap3A = arith.constant 0 : index
    %swap3A_33 = arith.constant 0 : index
    %swap3A_34 = arith.constant 0 : index
    %swap3A_35 = vector.load %arg6[%swap3A, %swap3A_33, %swap3A_34] : memref<4x512x768xf32, #tpu.memory_space<vmem>>, vector<4x512x768xf32>
    tpu.vector_store %arg6[%swap3A, %swap3A_33, %swap3A_34], %add3A_32 {strides = array<i32>} : memref<4x512x768xf32, #tpu.memory_space<vmem>>, vector<4x512x768xf32>,
    return
  }
  func.func @transform_1(%arg0: i32) -> (i32, i32, i32) {
    %c0_i32 = arith.constant 0 : i32
    %c0_i32_0 = arith.constant 0 : i32
    %c0_i32_1 = arith.constant 0 : i32
    return %arg0, %c0_i32, %c0_i32_0 : i32, i32, i32
  }
  func.func @transform_2(%arg0: i32) -> (i32, i32) {
    %c0_i32 = arith.constant 0 : i32
    %c0_i32_0 = arith.constant 0 : i32
    %c0_i32_1 = arith.constant 0 : i32
    return %c0_i32, %c0_i32_0 : i32, i32
  }
  func.func @transform_3(%arg0: i32) -> i32 {
    %c0_i32 = arith.constant 0 : i32
    %c0_i32_0 = arith.constant 0 : i32
    return %c0_i32 : i32
  }
  func.func @transform_4(%arg0: i32) -> i32 {
    %c0_i32 = arith.constant 0 : i32
    %c0_i32_0 = arith.constant 0 : i32
    return %c0_i32 : i32
  }
  func.func @transform_5(%arg0: i32) -> (i32, i32, i32) {
    %add3A = arith.constant 16 : i32
    %add3A_0 = arith.addi %add3A, %arg0 : i32
    %c0_i32 = arith.constant 0 : i32
    %c0_i32_1 = arith.constant 0 : i32
    %c0_i32_2 = arith.constant 0 : i32
    return %add3A_0, %c0_i32, %c0_i32_1 : i32, i32, i32
  }
}

module attributes {stable_mosaic.version = 14 : i64} {
  func.func @_ln_body(%arg0: i32, %arg1: memref<4x512x768xf32, #tpu.memory_space<vmem>>, %arg2: memref<512x768xf32, #tpu.memory_space<vmem>>, %arg3: memref<768xf32, #tpu.memory_space<vmem>>, %arg4: memref<768xf32, #tpu.memory_space<vmem>>, %arg5: memref<4x512x768xf32, #tpu.memory_space<vmem>>) attributes {dimension_semantics = [#tpu.dimension_semantics<arbitrary>], iteration_bounds = array<i64: 16>, scalar_prefetch = 0 : i64, scratch_operands = 0 : i64, tpu.core_type = #tpu.core_type<tc>, window_params = [{transform_indices = @transform_0, window_bounds = array<i64: 4, 512, 768>}, {pipeline_mode = #tpu.pipeline_mode<synchronous>, transform_indices = @transform_1, window_bounds = array<i64: 512, 768>}, {pipeline_mode = #tpu.pipeline_mode<synchronous>, transform_indices = @transform_2, window_bounds = array<i64: 768>}, {pipeline_mode = #tpu.pipeline_mode<synchronous>, transform_indices = @transform_3, window_bounds = array<i64: 768>}, {transform_indices = @transform_4, window_bounds = array<i64: 4, 512, 768>}]} {
    %get3A = arith.constant 0 : index
    %get3A_0 = arith.constant 0 : index
    %get3A_1 = arith.constant 0 : index
    %get3A_2 = vector.load %arg1[%get3A, %get3A_0, %get3A_1] : memref<4x512x768xf32, #tpu.memory_space<vmem>>, vector<4x512x768xf32>
    %get3A_3 = arith.constant 0 : index
    %get3A_4 = arith.constant 0 : index
    %get3A_5 = vector.load %arg2[%get3A_3, %get3A_4] : memref<512x768xf32, #tpu.memory_space<vmem>>, vector<512x768xf32>
    %broadcast_in_dim3A = vector.shape_cast %get3A_5 : vector<512x768xf32> to vector<1x512x768xf32>
    %add3A = vector.broadcast %broadcast_in_dim3A : vector<1x512x768xf32> to vector<4x512x768xf32>
    %add3A_6 = arith.addf %get3A_2, %add3A : vector<4x512x768xf32>
    %reduce_sum3A = arith.constant dense<0.000000e+00> : vector<4x512xf32>
    %reduce_sum3A_7 = vector.multi_reduction <add>, %add3A_6, %reduce_sum3A [2] : vector<4x512x768xf32> to vector<4x512xf32>
    %broadcast_in_dim3A_8 = vector.shape_cast %reduce_sum3A_7 : vector<4x512xf32> to vector<4x512x1xf32>
    %div3A = arith.constant 7.680000e+02 : f32
    %div3A_9 = vector.broadcast %div3A : f32 to vector<4x512x1xf32>
    %div3A_10 = arith.divf %broadcast_in_dim3A_8, %div3A_9 : vector<4x512x1xf32>
    %sub3A = vector.broadcast %div3A_10 : vector<4x512x1xf32> to vector<4x512x768xf32>
    %sub3A_11 = arith.subf %add3A_6, %sub3A : vector<4x512x768xf32>
    %mul3A = arith.mulf %sub3A_11, %sub3A_11 : vector<4x512x768xf32>
    %reduce_sum3A_12 = arith.constant dense<0.000000e+00> : vector<4x512xf32>
    %reduce_sum3A_13 = vector.multi_reduction <add>, %mul3A, %reduce_sum3A_12 [2] : vector<4x512x768xf32> to vector<4x512xf32>
    %broadcast_in_dim3A_14 = vector.shape_cast %reduce_sum3A_13 : vector<4x512xf32> to vector<4x512x1xf32>
    %div3A_15 = arith.constant 7.680000e+02 : f32
    %div3A_16 = vector.broadcast %div3A_15 : f32 to vector<4x512x1xf32>
    %div3A_17 = arith.divf %broadcast_in_dim3A_14, %div3A_16 : vector<4x512x1xf32>
    %add3A_18 = arith.constant 9.99999996E-13 : f32
    %add3A_19 = vector.broadcast %add3A_18 : f32 to vector<4x512x1xf32>
    %add3A_20 = arith.addf %div3A_17, %add3A_19 : vector<4x512x1xf32>
    %rsqrt3A = math.rsqrt %add3A_20 : vector<4x512x1xf32>
    %mul3A_21 = vector.broadcast %rsqrt3A : vector<4x512x1xf32> to vector<4x512x768xf32>
    %mul3A_22 = arith.mulf %sub3A_11, %mul3A_21 : vector<4x512x768xf32>
    %get3A_23 = arith.constant 0 : index
    %get3A_24 = vector.load %arg3[%get3A_23] : memref<768xf32, #tpu.memory_space<vmem>>, vector<768xf32>
    %broadcast_in_dim3A_25 = vector.shape_cast %get3A_24 : vector<768xf32> to vector<1x1x768xf32>
    %mul3A_26 = vector.broadcast %broadcast_in_dim3A_25 : vector<1x1x768xf32> to vector<4x512x768xf32>
    %mul3A_27 = arith.mulf %mul3A_22, %mul3A_26 : vector<4x512x768xf32>
    %get3A_28 = arith.constant 0 : index
    %get3A_29 = vector.load %arg4[%get3A_28] : memref<768xf32, #tpu.memory_space<vmem>>, vector<768xf32>
    %broadcast_in_dim3A_30 = vector.shape_cast %get3A_29 : vector<768xf32> to vector<1x1x768xf32>
    %add3A_31 = vector.broadcast %broadcast_in_dim3A_30 : vector<1x1x768xf32> to vector<4x512x768xf32>
    %add3A_32 = arith.addf %mul3A_27, %add3A_31 : vector<4x512x768xf32>
    %swap3A = arith.constant 0 : index
    %swap3A_33 = arith.constant 0 : index
    %swap3A_34 = arith.constant 0 : index
    %swap3A_35 = vector.load %arg5[%swap3A, %swap3A_33, %swap3A_34] : memref<4x512x768xf32, #tpu.memory_space<vmem>>, vector<4x512x768xf32>
    tpu.vector_store %arg5[%swap3A, %swap3A_33, %swap3A_34], %add3A_32 {strides = array<i32>} : memref<4x512x768xf32, #tpu.memory_space<vmem>>, vector<4x512x768xf32>,
    return
  }
  func.func @transform_0(%arg0: i32) -> (i32, i32, i32) {
    %c0_i32 = arith.constant 0 : i32
    %c0_i32_0 = arith.constant 0 : i32
    %c0_i32_1 = arith.constant 0 : i32
    return %arg0, %c0_i32, %c0_i32_0 : i32, i32, i32
  }
  func.func @transform_1(%arg0: i32) -> (i32, i32) {
    %c0_i32 = arith.constant 0 : i32
    %c0_i32_0 = arith.constant 0 : i32
    %c0_i32_1 = arith.constant 0 : i32
    return %c0_i32, %c0_i32_0 : i32, i32
  }
  func.func @transform_2(%arg0: i32) -> i32 {
    %c0_i32 = arith.constant 0 : i32
    %c0_i32_0 = arith.constant 0 : i32
    return %c0_i32 : i32
  }
  func.func @transform_3(%arg0: i32) -> i32 {
    %c0_i32 = arith.constant 0 : i32
    %c0_i32_0 = arith.constant 0 : i32
    return %c0_i32 : i32
  }
  func.func @transform_4(%arg0: i32) -> (i32, i32, i32) {
    %add3A = arith.constant 0 : i32
    %add3A_0 = arith.addi %add3A, %arg0 : i32
    %c0_i32 = arith.constant 0 : i32
    %c0_i32_1 = arith.constant 0 : i32
    %c0_i32_2 = arith.constant 0 : i32
    return %add3A_0, %c0_i32, %c0_i32_1 : i32, i32, i32
  }
}

module attributes {stable_mosaic.version = 14 : i64} {
  func.func @body(%arg0: i32, %arg1: memref<256x512x768xf32, #tpu.memory_space<any>>, %arg2: memref<4x512x768xf32, #tpu.memory_space<vmem>>, %arg3: memref<512x768xf32, #tpu.memory_space<vmem>>, %arg4: memref<768xf32, #tpu.memory_space<vmem>>, %arg5: memref<768xf32, #tpu.memory_space<vmem>>, %arg6: memref<4x512x768xf32, #tpu.memory_space<vmem>>) attributes {dimension_semantics = [#tpu.dimension_semantics<arbitrary>], iteration_bounds = array<i64: 16>, scalar_prefetch = 0 : i64, scratch_operands = 0 : i64, tpu.core_type = #tpu.core_type<tc>, window_params = [{}, {transform_indices = @transform_1, window_bounds = array<i64: 4, 512, 768>}, {pipeline_mode = #tpu.pipeline_mode<synchronous>, transform_indices = @transform_2, window_bounds = array<i64: 512, 768>}, {pipeline_mode = #tpu.pipeline_mode<synchronous>, transform_indices = @transform_3, window_bounds = array<i64: 768>}, {pipeline_mode = #tpu.pipeline_mode<synchronous>, transform_indices = @transform_4, window_bounds = array<i64: 768>}, {transform_indices = @transform_5, window_bounds = array<i64: 4, 512, 768>}]} {
    %get3A = arith.constant 0 : index
    %get3A_0 = arith.constant 0 : index
    %get3A_1 = arith.constant 0 : index
    %get3A_2 = vector.load %arg2[%get3A, %get3A_0, %get3A_1] : memref<4x512x768xf32, #tpu.memory_space<vmem>>, vector<4x512x768xf32>
    %get3A_3 = arith.constant 0 : index
    %get3A_4 = arith.constant 0 : index
    %get3A_5 = vector.load %arg3[%get3A_3, %get3A_4] : memref<512x768xf32, #tpu.memory_space<vmem>>, vector<512x768xf32>
    %broadcast_in_dim3A = vector.shape_cast %get3A_5 : vector<512x768xf32> to vector<1x512x768xf32>
    %add3A = vector.broadcast %broadcast_in_dim3A : vector<1x512x768xf32> to vector<4x512x768xf32>
    %add3A_6 = arith.addf %get3A_2, %add3A : vector<4x512x768xf32>
    %reduce_sum3A = arith.constant dense<0.000000e+00> : vector<4x512xf32>
    %reduce_sum3A_7 = vector.multi_reduction <add>, %add3A_6, %reduce_sum3A [2] : vector<4x512x768xf32> to vector<4x512xf32>
    %broadcast_in_dim3A_8 = vector.shape_cast %reduce_sum3A_7 : vector<4x512xf32> to vector<4x512x1xf32>
    %div3A = arith.constant 7.680000e+02 : f32
    %div3A_9 = vector.broadcast %div3A : f32 to vector<4x512x1xf32>
    %div3A_10 = arith.divf %broadcast_in_dim3A_8, %div3A_9 : vector<4x512x1xf32>
    %sub3A = vector.broadcast %div3A_10 : vector<4x512x1xf32> to vector<4x512x768xf32>
    %sub3A_11 = arith.subf %add3A_6, %sub3A : vector<4x512x768xf32>
    %mul3A = arith.mulf %sub3A_11, %sub3A_11 : vector<4x512x768xf32>
    %reduce_sum3A_12 = arith.constant dense<0.000000e+00> : vector<4x512xf32>
    %reduce_sum3A_13 = vector.multi_reduction <add>, %mul3A, %reduce_sum3A_12 [2] : vector<4x512x768xf32> to vector<4x512xf32>
    %broadcast_in_dim3A_14 = vector.shape_cast %reduce_sum3A_13 : vector<4x512xf32> to vector<4x512x1xf32>
    %div3A_15 = arith.constant 7.680000e+02 : f32
    %div3A_16 = vector.broadcast %div3A_15 : f32 to vector<4x512x1xf32>
    %div3A_17 = arith.divf %broadcast_in_dim3A_14, %div3A_16 : vector<4x512x1xf32>
    %add3A_18 = arith.constant 9.99999996E-13 : f32
    %add3A_19 = vector.broadcast %add3A_18 : f32 to vector<4x512x1xf32>
    %add3A_20 = arith.addf %div3A_17, %add3A_19 : vector<4x512x1xf32>
    %rsqrt3A = math.rsqrt %add3A_20 : vector<4x512x1xf32>
    %mul3A_21 = vector.broadcast %rsqrt3A : vector<4x512x1xf32> to vector<4x512x768xf32>
    %mul3A_22 = arith.mulf %sub3A_11, %mul3A_21 : vector<4x512x768xf32>
    %get3A_23 = arith.constant 0 : index
    %get3A_24 = vector.load %arg4[%get3A_23] : memref<768xf32, #tpu.memory_space<vmem>>, vector<768xf32>
    %broadcast_in_dim3A_25 = vector.shape_cast %get3A_24 : vector<768xf32> to vector<1x1x768xf32>
    %mul3A_26 = vector.broadcast %broadcast_in_dim3A_25 : vector<1x1x768xf32> to vector<4x512x768xf32>
    %mul3A_27 = arith.mulf %mul3A_22, %mul3A_26 : vector<4x512x768xf32>
    %get3A_28 = arith.constant 0 : index
    %get3A_29 = vector.load %arg5[%get3A_28] : memref<768xf32, #tpu.memory_space<vmem>>, vector<768xf32>
    %broadcast_in_dim3A_30 = vector.shape_cast %get3A_29 : vector<768xf32> to vector<1x1x768xf32>
    %add3A_31 = vector.broadcast %broadcast_in_dim3A_30 : vector<1x1x768xf32> to vector<4x512x768xf32>
    %add3A_32 = arith.addf %mul3A_27, %add3A_31 : vector<4x512x768xf32>
    %swap3A = arith.constant 0 : index
    %swap3A_33 = arith.constant 0 : index
    %swap3A_34 = arith.constant 0 : index
    %swap3A_35 = vector.load %arg6[%swap3A, %swap3A_33, %swap3A_34] : memref<4x512x768xf32, #tpu.memory_space<vmem>>, vector<4x512x768xf32>
    tpu.vector_store %arg6[%swap3A, %swap3A_33, %swap3A_34], %add3A_32 {strides = array<i32>} : memref<4x512x768xf32, #tpu.memory_space<vmem>>, vector<4x512x768xf32>,
    return
  }
  func.func @transform_1(%arg0: i32) -> (i32, i32, i32) {
    %c0_i32 = arith.constant 0 : i32
    %c0_i32_0 = arith.constant 0 : i32
    %c0_i32_1 = arith.constant 0 : i32
    return %arg0, %c0_i32, %c0_i32_0 : i32, i32, i32
  }
  func.func @transform_2(%arg0: i32) -> (i32, i32) {
    %c0_i32 = arith.constant 0 : i32
    %c0_i32_0 = arith.constant 0 : i32
    %c0_i32_1 = arith.constant 0 : i32
    return %c0_i32, %c0_i32_0 : i32, i32
  }
  func.func @transform_3(%arg0: i32) -> i32 {
    %c0_i32 = arith.constant 0 : i32
    %c0_i32_0 = arith.constant 0 : i32
    return %c0_i32 : i32
  }
  func.func @transform_4(%arg0: i32) -> i32 {
    %c0_i32 = arith.constant 0 : i32
    %c0_i32_0 = arith.constant 0 : i32
    return %c0_i32 : i32
  }
  func.func @transform_5(%arg0: i32) -> (i32, i32, i32) {
    %add3A = arith.constant 32 : i32
    %add3A_0 = arith.addi %add3A, %arg0 : i32
    %c0_i32 = arith.constant 0 : i32
    %c0_i32_1 = arith.constant 0 : i32
    %c0_i32_2 = arith.constant 0 : i32
    return %add3A_0, %c0_i32, %c0_i32_1 : i32, i32, i32
  }
}

module attributes {stable_mosaic.version = 14 : i64} {
  func.func @body(%arg0: i32, %arg1: memref<256x512x768xf32, #tpu.memory_space<any>>, %arg2: memref<4x512x768xf32, #tpu.memory_space<vmem>>, %arg3: memref<512x768xf32, #tpu.memory_space<vmem>>, %arg4: memref<768xf32, #tpu.memory_space<vmem>>, %arg5: memref<768xf32, #tpu.memory_space<vmem>>, %arg6: memref<4x512x768xf32, #tpu.memory_space<vmem>>) attributes {dimension_semantics = [#tpu.dimension_semantics<arbitrary>], iteration_bounds = array<i64: 16>, scalar_prefetch = 0 : i64, scratch_operands = 0 : i64, tpu.core_type = #tpu.core_type<tc>, window_params = [{}, {transform_indices = @transform_1, window_bounds = array<i64: 4, 512, 768>}, {pipeline_mode = #tpu.pipeline_mode<synchronous>, transform_indices = @transform_2, window_bounds = array<i64: 512, 768>}, {pipeline_mode = #tpu.pipeline_mode<synchronous>, transform_indices = @transform_3, window_bounds = array<i64: 768>}, {pipeline_mode = #tpu.pipeline_mode<synchronous>, transform_indices = @transform_4, window_bounds = array<i64: 768>}, {transform_indices = @transform_5, window_bounds = array<i64: 4, 512, 768>}]} {
    %get3A = arith.constant 0 : index
    %get3A_0 = arith.constant 0 : index
    %get3A_1 = arith.constant 0 : index
    %get3A_2 = vector.load %arg2[%get3A, %get3A_0, %get3A_1] : memref<4x512x768xf32, #tpu.memory_space<vmem>>, vector<4x512x768xf32>
    %get3A_3 = arith.constant 0 : index
    %get3A_4 = arith.constant 0 : index
    %get3A_5 = vector.load %arg3[%get3A_3, %get3A_4] : memref<512x768xf32, #tpu.memory_space<vmem>>, vector<512x768xf32>
    %broadcast_in_dim3A = vector.shape_cast %get3A_5 : vector<512x768xf32> to vector<1x512x768xf32>
    %add3A = vector.broadcast %broadcast_in_dim3A : vector<1x512x768xf32> to vector<4x512x768xf32>
    %add3A_6 = arith.addf %get3A_2, %add3A : vector<4x512x768xf32>
    %reduce_sum3A = arith.constant dense<0.000000e+00> : vector<4x512xf32>
    %reduce_sum3A_7 = vector.multi_reduction <add>, %add3A_6, %reduce_sum3A [2] : vector<4x512x768xf32> to vector<4x512xf32>
    %broadcast_in_dim3A_8 = vector.shape_cast %reduce_sum3A_7 : vector<4x512xf32> to vector<4x512x1xf32>
    %div3A = arith.constant 7.680000e+02 : f32
    %div3A_9 = vector.broadcast %div3A : f32 to vector<4x512x1xf32>
    %div3A_10 = arith.divf %broadcast_in_dim3A_8, %div3A_9 : vector<4x512x1xf32>
    %sub3A = vector.broadcast %div3A_10 : vector<4x512x1xf32> to vector<4x512x768xf32>
    %sub3A_11 = arith.subf %add3A_6, %sub3A : vector<4x512x768xf32>
    %mul3A = arith.mulf %sub3A_11, %sub3A_11 : vector<4x512x768xf32>
    %reduce_sum3A_12 = arith.constant dense<0.000000e+00> : vector<4x512xf32>
    %reduce_sum3A_13 = vector.multi_reduction <add>, %mul3A, %reduce_sum3A_12 [2] : vector<4x512x768xf32> to vector<4x512xf32>
    %broadcast_in_dim3A_14 = vector.shape_cast %reduce_sum3A_13 : vector<4x512xf32> to vector<4x512x1xf32>
    %div3A_15 = arith.constant 7.680000e+02 : f32
    %div3A_16 = vector.broadcast %div3A_15 : f32 to vector<4x512x1xf32>
    %div3A_17 = arith.divf %broadcast_in_dim3A_14, %div3A_16 : vector<4x512x1xf32>
    %add3A_18 = arith.constant 9.99999996E-13 : f32
    %add3A_19 = vector.broadcast %add3A_18 : f32 to vector<4x512x1xf32>
    %add3A_20 = arith.addf %div3A_17, %add3A_19 : vector<4x512x1xf32>
    %rsqrt3A = math.rsqrt %add3A_20 : vector<4x512x1xf32>
    %mul3A_21 = vector.broadcast %rsqrt3A : vector<4x512x1xf32> to vector<4x512x768xf32>
    %mul3A_22 = arith.mulf %sub3A_11, %mul3A_21 : vector<4x512x768xf32>
    %get3A_23 = arith.constant 0 : index
    %get3A_24 = vector.load %arg4[%get3A_23] : memref<768xf32, #tpu.memory_space<vmem>>, vector<768xf32>
    %broadcast_in_dim3A_25 = vector.shape_cast %get3A_24 : vector<768xf32> to vector<1x1x768xf32>
    %mul3A_26 = vector.broadcast %broadcast_in_dim3A_25 : vector<1x1x768xf32> to vector<4x512x768xf32>
    %mul3A_27 = arith.mulf %mul3A_22, %mul3A_26 : vector<4x512x768xf32>
    %get3A_28 = arith.constant 0 : index
    %get3A_29 = vector.load %arg5[%get3A_28] : memref<768xf32, #tpu.memory_space<vmem>>, vector<768xf32>
    %broadcast_in_dim3A_30 = vector.shape_cast %get3A_29 : vector<768xf32> to vector<1x1x768xf32>
    %add3A_31 = vector.broadcast %broadcast_in_dim3A_30 : vector<1x1x768xf32> to vector<4x512x768xf32>
    %add3A_32 = arith.addf %mul3A_27, %add3A_31 : vector<4x512x768xf32>
    %swap3A = arith.constant 0 : index
    %swap3A_33 = arith.constant 0 : index
    %swap3A_34 = arith.constant 0 : index
    %swap3A_35 = vector.load %arg6[%swap3A, %swap3A_33, %swap3A_34] : memref<4x512x768xf32, #tpu.memory_space<vmem>>, vector<4x512x768xf32>
    tpu.vector_store %arg6[%swap3A, %swap3A_33, %swap3A_34], %add3A_32 {strides = array<i32>} : memref<4x512x768xf32, #tpu.memory_space<vmem>>, vector<4x512x768xf32>,
    return
  }
  func.func @transform_1(%arg0: i32) -> (i32, i32, i32) {
    %c0_i32 = arith.constant 0 : i32
    %c0_i32_0 = arith.constant 0 : i32
    %c0_i32_1 = arith.constant 0 : i32
    return %arg0, %c0_i32, %c0_i32_0 : i32, i32, i32
  }
  func.func @transform_2(%arg0: i32) -> (i32, i32) {
    %c0_i32 = arith.constant 0 : i32
    %c0_i32_0 = arith.constant 0 : i32
    %c0_i32_1 = arith.constant 0 : i32
    return %c0_i32, %c0_i32_0 : i32, i32
  }
  func.func @transform_3(%arg0: i32) -> i32 {
    %c0_i32 = arith.constant 0 : i32
    %c0_i32_0 = arith.constant 0 : i32
    return %c0_i32 : i32
  }
  func.func @transform_4(%arg0: i32) -> i32 {
    %c0_i32 = arith.constant 0 : i32
    %c0_i32_0 = arith.constant 0 : i32
    return %c0_i32 : i32
  }
  func.func @transform_5(%arg0: i32) -> (i32, i32, i32) {
    %add3A = arith.constant 48 : i32
    %add3A_0 = arith.addi %add3A, %arg0 : i32
    %c0_i32 = arith.constant 0 : i32
    %c0_i32_1 = arith.constant 0 : i32
    %c0_i32_2 = arith.constant 0 : i32
    return %add3A_0, %c0_i32, %c0_i32_1 : i32, i32, i32
  }
}

</mosaic_0001>

<sc_bundles>
// kernel: kernel.10.cloned.1.call-start
scs
__scs_entry_jumppad:
0x0: {  	(pc) =	sbr.rel $0x88, $3  }
0x1: {  	(tag) =	ssettag $0x0;
	lr =	simm.s32 $0x1  }
0x2: {  	[smem:$0x3F9C] =	sst lr;
	_ =	strace $0xD0000000  }
0x3: {  	_ = 	snop  }
0x4: {  	_ = 	snop  }
0x5: {  	_ = 	snop  }
0x6: {  	_ = 	snop  }
0x7: {  	_ = 	snop  }
__scs_overlays_trampoline_lowered:
0x8: {  	[smem:$0x3FAB] =	sst s0  }
0x9: {  	[smem:$0x3FAC] =	sst s1  }
0xa: {  	[smem:$0x3FAD] =	sst s2  }
0xb: {  	[smem:$0x3FAE] =	sst s3  }
0xc: {  	[smem:$0x3FAF] =	sst s4  }
0xd: {  	[smem:$0x3FB0] =	sst s5  }
0xe: {  	[smem:$0x3FB1] =	sst s6  }
0xf: {  	[smem:$0x3FB2] =	sst s7  }
0x10: {  	[smem:$0x3FB3] =	sst s8  }
0x11: {  	[smem:$0x3FB4] =	sst s9;
	s0 =	simm.s32 @!p0 $0x0  }
0x12: {  	s1 =	sld [smem:$0x3F9A];
	s0 =	simm.s32 @p0 $0x1  }
0x13: {  	[smem:$0x3FB5] =	sst s0;
	s0 =	simm.s32 @!p1 $0x0  }
0x14: {  	s2 =	sld [smem:$0x3F99];
	s0 =	simm.s32 @p1 $0x1  }
0x15: {  	[smem:$0x3FB6] =	sst s0;
	s0 =	simm.s32 @!p2 $0x0  }
0x16: {  	s3 =	sld [smem:$0x3FDB];
	s0 =	simm.s32 @p2 $0x1  }
0x17: {  	s4 =	simm.s32 $0x1BF5;
	[smem:$0x3FB8] =	sst s0  }
0x18: {  	s0 =	sld [smem:$0x3F9B];
	_ =	swait.ge [sflag:s4], $0x0  }
0x19: {  	s7 =	sld [smem:$0x3F9C]  }
0x1a: {  	s8 =	sadd.s32 $0xFFFFE003, lr  }
0x1b: {  	s9 =	sadd.s32 $0xFFFFFEF7, lr;
	s5 =	simm.s32 $0xFFFFFFFF;
	p2 =	slt.u32 s8, $0xFFFFF086  }
0x1c: {  	p1 =	slt.u32 s9, $0xF7A;
	s5 =	simm.s32 @!p2 $0x0  }
0x1d: {  	s5 =	simm.s32 @p1 $0x1;
	p0 =	seq.s32 s7, s2  }
0x1e: {  	s7 =	smul.u32 @!p0 $0xF7A, s2;
	p2 =	seq.s32 @!p0 s5, $0x0  }
0x1f: {  	s9 =	smul.u32 $0xF7A, s1;
	s8 =	simm.s32 @!p0 $0x1BF5;
	p2 =	por !p2, p0  }
0x20: {  	[sflag:s8] =	ssyncset.s32 @!p0 $0xFFFFF086;
	s6 =	sadd.s32 @!p0 s3, s7;
	s7 =	simm.s32 @!p0 $0x108  }
0x21: {  	s3 =	sadd.s32 s3, s9;
	s6 =	sadd.s32 @!p0 $0x88, s6;
	s7 =	simm.s32 @p2 $0x1082  }
0x22: {  	[simem:s7], [sflag:s8] =	dma.local @!p0 [hbm:s6], $0xF7A  }
0x23: {  	s9 =	sor.u32 $0xD0000000, s2;
	s6 =	simm.s32 $0x108;
	_ =	swait.ge @!p0 [sflag:s8], $0x0  }
0x24: {  	s3 =	sadd.s32 $0x88, s3;
	s6 =	simm.s32 @!p1 $0x1082;
	[sflag:s4] =	ssyncset.s32 $0xFFFFF086  }
0x25: {  	[simem:s6], [sflag:s4] =	dma.local [hbm:s3], $0xF7A  }
0x26: {  	[smem:$0x3F9C] =	sst s1;
	(tag) =	ssettag s2;
	_ =	strace s9  }
0x27: {  	s1 =	sld [smem:$0x3FAC]  }
0x28: {  	s2 =	sld [smem:$0x3FAD]  }
0x29: {  	s4 =	sld [smem:$0x3FAF]  }
0x2a: {  	p0 =	seq.s32 s5, $0x0;
	s5 =	sld [smem:$0x3FB0]  }
0x2b: {  	s6 =	sld [smem:$0x3FB1]  }
0x2c: {  	s7 =	sld [smem:$0x3FB2]  }
0x2d: {  	s3 =	simm.s32 $0x108;
	s8 =	sld [smem:$0x3FB3]  }
0x2e: {  	s3 =	simm.s32 @!p0 $0x1082;
	s9 =	sld [smem:$0x3FB4]  }
0x2f: {  	lr =	sadd.s32 s0, s3;
	s0 =	sld [smem:$0x3FAB]  }
0x30: {  	s3 =	sld [smem:$0x3FAE]  }
0x31: {  	[smem:$0x3FB7] =	sst s10  }
0x32: {  	s10 =	sld [smem:$0x3FB5];
	_ =	sdelay $0x3  }
0x33: {  	p0 =	seq.s32 s10, $0x1;
	s10 =	sld [smem:$0x3FB7];
	_ =	sdelay $0x3  }
0x34: {  	[smem:$0x3FB7] =	sst s10  }
0x35: {  	s10 =	sld [smem:$0x3FB6];
	_ =	sdelay $0x3  }
0x36: {  	p1 =	seq.s32 s10, $0x1;
	s10 =	sld [smem:$0x3FB7];
	_ =	sdelay $0x3  }
0x37: {  	[smem:$0x3FB7] =	sst s10  }
0x38: {  	s10 =	sld [smem:$0x3FB8]  }
0x39: {  	_ = 	snop;
	(pc) =	sbr.ind lr, $3  }
0x3a: {  	_ = 	snop  }
0x3b: {  	_ = 	snop  }
0x3c: {  	p2 =	seq.s32 s10, $0x1;
	s10 =	sld [smem:$0x3FB7]  }
0x3d: {  	_ =	shalt  }
0x3e: {  	_ =	shalt  }
0x3f: {  	_ =	shalt  }
0x40: {  	_ =	shalt  }
0x41: {  	_ =	shalt  }
0x42: {  	_ =	shalt  }
0x43: {  	_ =	shalt  }
0x44: {  	_ =	shalt  }
0x45: {  	_ =	shalt  }
0x46: {  	_ =	shalt  }
0x47: {  	_ =	shalt  }
0x48: {  	_ =	shalt  }
0x49: {  	_ =	shalt  }
0x4a: {  	_ =	shalt  }
0x4b: {  	_ =	shalt  }
0x4c: {  	_ =	shalt  }
0x4d: {  	_ =	shalt  }
0x4e: {  	_ =	shalt  }
0x4f: {  	_ =	shalt  }
0x50: {  	_ =	shalt  }
0x51: {  	_ =	shalt  }
0x52: {  	_ =	shalt  }
0x53: {  	_ =	shalt  }
0x54: {  	_ =	shalt  }
0x55: {  	_ =	shalt  }
0x56: {  	_ =	shalt  }
0x57: {  	_ =	shalt  }
0x58: {  	_ =	shalt  }
0x59: {  	_ =	shalt  }
0x5a: {  	_ =	shalt  }
0x5b: {  	_ =	shalt  }
0x5c: {  	_ =	shalt  }
0x5d: {  	_ =	shalt  }
0x5e: {  	_ =	shalt  }
0x5f: {  	_ =	shalt  }
0x60: {  	_ =	shalt  }
0x61: {  	_ =	shalt  }
0x62: {  	_ =	shalt  }
0x63: {  	_ =	shalt  }
0x64: {  	_ =	shalt  }
0x65: {  	_ =	shalt  }
0x66: {  	_ =	shalt  }
0x67: {  	_ =	shalt  }
0x68: {  	_ =	shalt  }
0x69: {  	_ =	shalt  }
0x6a: {  	_ =	shalt  }
0x6b: {  	_ =	shalt  }
0x6c: {  	_ =	shalt  }
0x6d: {  	_ =	shalt  }
0x6e: {  	_ =	shalt  }
0x6f: {  	_ =	shalt  }
0x70: {  	_ =	shalt  }
0x71: {  	_ =	shalt  }
0x72: {  	_ =	shalt  }
0x73: {  	_ =	shalt  }
0x74: {  	_ =	shalt  }
0x75: {  	_ =	shalt  }
0x76: {  	_ =	shalt  }
0x77: {  	_ =	shalt  }
0x78: {  	_ =	shalt  }
0x79: {  	_ =	shalt  }
0x7a: {  	_ =	shalt  }
0x7b: {  	_ =	shalt  }
0x7c: {  	_ =	shalt  }
0x7d: {  	_ =	shalt  }
0x7e: {  	_ =	shalt  }
0x7f: {  	_ =	shalt  }
0x80: {  	_ =	shalt  }
0x81: {  	_ =	shalt  }
0x82: {  	_ =	shalt  }
0x83: {  	_ =	shalt  }
0x84: {  	_ =	shalt  }
0x85: {  	_ =	shalt  }
0x86: {  	_ =	shalt  }
0x87: {  	_ =	shalt  }
.Lfunc_end0:
.L_simem_size_0:
called_computation_lowered:
.L_overlay_start_0:
0x88: {  	s2 =	sld [smem:$0x3FD9]  }
0x89: {  	s3 =	sld [smem:$0x3FFE];
	_ =	sdelay $0x1  }
0x8a: {  	s1 =	srdreg.scid  }
0x8b: {  	s0 =	sand.u32 $0x1, s1  }
0x8c: {  	s17 =	sshll.u32 s0, $0xA;
	s2 =	sadd.s32 s3, s2  }
0x8d: {  	s2 =	sadd.s32 s2, s17  }
0x8e: {  	[smem:$0x3FC3] =	sst s2  }
0x8f: {  	_ = 	snop  }
0x90: {  	s2 =	sld [smem:$0x3FC8]  }
0x91: {  	s18 =	sld [smem:$0x3FD0];
	(tm) =	ssettm $0x1  }
0x92: {  	s4 =	sld [smem:$0x3FFB];
	_ =	sdelay $0x3  }
0x93: {  	_ =	strace s4  }
0x94: {  	s4 =	sld [smem:$0x3FFC];
	_ =	sdelay $0x3  }
0x95: {  	_ =	strace s4  }
0x96: {  	s4 =	sld [smem:$0x3FFD];
	_ =	sdelay $0x3  }
0x97: {  	_ =	strace s4  }
0x98: {  	_ =	strace $0x8FFFFFFF  }
0x99: {  	s19 =	sld [smem:$0x3FDB];
	_ =	sdelay $0x1  }
0x9a: {  	s5 =	simm.s32 $_scs_section_size  }
0x9b: {  	s6 =	simm.s32 $_size__tile_overlayer_lowered;
	s7 =	simm.s32 $_tile_overlayer_lowered  }
0x9c: {  	s22 =	simm.s32 $0x1BFF;
	s21 =	sshll.u32 s7, $0x1;
	s4 =	sadd.s32 s5, s19  }
0x9d: {  	s8 =	simm.s32 $0x0;
	s20 =	sshll.u32 s6, $0x1;
	s6 =	sadd.s32 s21, s4  }
0x9e: {  	[timem:s8], [sflag:s22] =	dma.local [hbm:s6], s20  }
0x9f: {  	_ =	swait.ge [sflag:s22], s20  }
0xa0: {  	s5 =	ssub.s32 $0x0, s20;
	[sflag:s22] =	ssyncset.done $0x0  }
0xa1: {  	[sflag:s22] =	ssyncadd.s32 s5;
	_ =	sdelay $0x1  }
0xa2: {  	s23 =	simm.s32 $0x1B8B  }
0xa3: {  	_ =	swait.ge [sflag:s23], $0x1  }
0xa4: {  	[sflag:s23] =	ssyncset.done $0x0  }
0xa5: {  	s25 =	simm.s32 $0x1B8E;
	s24 =	sld [smem:$0x3FFE];
	[sflag:s23] =	ssyncadd.s32 $0xFFFFFFFF  }
0xa6: {  	s26 =	simm.s32 $execute0_lowered;
	[smem:$0x3FD2] =	sst s25  }
0xa7: {  	s6 =	sshll.u32 s26, $0x1;
	_ =	strace $0x80000046;
	[dreg:$0x1] =	wrdreg $0xFFFFFFFF  }
0xa8: {  	s28 =	simm.s32 $_size_execute0_lowered;
	s4 =	sadd.s32 s4, s6;
	[dreg:$0x0] =	wrdreg $0x0  }
0xa9: {  	s6 =	sshll.u32 s28, $0x1;
	[dreg:$0x2] =	wrdreg s4  }
0xaa: {  	[dreg:$0x3] =	wrdreg s6  }
0xab: {  	[dreg:$0x4] =	wrdreg $0xC0  }
0xac: {  	_ =	task [dreg:s8], $0x5FFFF  }
0xad: {  	[dreg:$0x1] =	wrdreg $0xFFFFFFFF  }
0xae: {  	[dreg:$0x0] =	wrdreg $0x60  }
0xaf: {  	[dreg:$0x2] =	wrdreg s2  }
0xb0: {  	[dreg:$0x3] =	wrdreg s18  }
0xb1: {  	[dreg:$0x4] =	wrdreg s24  }
0xb2: {  	[dreg:$0x5] =	wrdreg $0x9  }
0xb3: {  	_ =	task.clear_ibuf [dreg:s8], $0x6FFFF;
	_ =	strace $0x90000046  }
0xb4: {  	s29 =	simm.s32 $0x9;
	_ =	strace $0x80000048  }
0xb5: {  	_ =	swait.ge [sflag:s29], $0x1  }
0xb6: {  	[sflag:s29] =	ssyncadd.s32 $0xFFFFFFFF  }
0xb7: {  	_ =	strace $0x90000048  }
0xb8: {  	_ =	sfence  }
0xb9: {  	s30 =	sld [smem:$0x0];
	_ =	sdelay $0x2  }
0xba: {  	s31 =	sshll.u32 s1, $0xD;
	s1 =	sshrl.u32 s1, $0x2  }
0xbb: {  	s3 =	sand.u32 $0x4000, s31;
	s1 =	sadd.s32 s1, s30  }
0xbc: {  	s0 =	sor.u32 s3, s0;
	s1 =	sshll.u32 s1, $0x11  }
0xbd: {  	s0 =	sor.u32 s1, s0  }
0xbe: {  	s0 =	sadd.s32 $0x8F2B, s0  }
0xbf: {  	[sflag:s0] =	ssyncadd.remote.s32 $0x1  }
0xc0: {  	_ =	sfence.sel $0xFFFF  }
0xc1: {  	[dreg:$0x0] =	wrdreg $0xFFFFFFFF;
	(pc) =	sbr.abs _section_cstart, $3  }
0xc2: {  	[dreg:$0x1] =	wrdreg $0xFFFFFFFF  }
0xc3: {  	_ =	task.clear_ibuf [dreg:s8], $0x2FFFF;
	_ =	strace $0x9FFFFFFF  }
0xc4: {  	(tm) =	ssettm $0x7FFFFFFF  }
0xc5: {  	_ =	shalt  }
tec
execute0_lowered:
.L_overlay_start_1:
0x0: {  	(tag) =	ssettag $0x1  }
0x1: {  	s1 =	rddreg [dreg:$0x0];
	s0 =	srdreg.scid  }
0x2: {  	s2 =	rddreg [dreg:$0x1];
	s3 =	stileid.u32  }
0x3: {  	s4 =	rddreg [dreg:$0x2];
	s10 =	simm.s32 $0x3;
	s13 =	simm.s32 $0xC00  }
0x4: {  	s30 =	simm.s32 $0x1400;
	s15 =	simm.s32 $0x1C00;
	s16 =	simm.s32 $0x2400  }
0x5: {  	s17 =	simm.s32 $0x2C00;
	s18 =	simm.s32 $0x3400;
	s19 =	simm.s32 $0x3C00  }
0x6: {  	s20 =	simm.s32 $0x4400;
	s21 =	simm.s32 $0x4C00;
	s22 =	simm.s32 $0x5400  }
0x7: {  	s23 =	simm.s32 $0x5C00;
	s28 =	simm.s32 $0x7C00;
	s29 =	simm.s32 $0x8400  }
0x8: {  	s11 =	simm.s32 $0xA400;
	s31 =	simm.s32 $0xAC00;
	s14 =	simm.s32 $0xC400  }
0x9: {  	s9 =	simm.s32 $0x2;
	s12 =	simm.s32 $0x0;
	s0 =	sand.u32 $0x1, s0  }
0xa: {  	s3 =	sshll.u32 s3, $0xB;
	s4 =	sadd.s32 $0x1A00, s4;
	s5 =	sshll.u32 s0, $0xA  }
0xb: {  	s0 =	ssub.s32 $0x2, s0;
	s5 =	sor.u32 s5, s3;
	s3 =	simm.s32 $0x0  }
0xc: {  	s6 =	sshrl.u32 s0, $0x1;
	s5 =	sshrl.u32 s5, $0x3;
	[smem:$0x7FF] =	sst s3  }
0xd: {  	s0 =	ssub.s32 s0, s6;
	s6 =	sadd.s32 $0x200, s1;
	s7 =	smul.u32 $0x1800, s5  }
0xe: {  	_ =	strace $0x80000047;
	s2 =	sadd.s32 s2, s5;
	[dreg:$0x9] =	wrdreg s12  }
0xf: {  	s25 =	smul.u32 $0x300, s5;
	s0 =	smax.u32 s0, $0x1;
	[dreg:$0x5] =	wrdreg s2  }
0x10: {  	s5 =	sadd.s32 $0x100, s1;
	[dreg:$0x8] =	wrdreg s0;
	s0 =	simm.s32 $0x9400  }
0x11: {  	s24 =	sshrl.u32 s7, $0x3;
	s26 =	sadd.s32 s25, s4;
	s25 =	simm.s32 $0x6C00  }
0x12: {  	s7 =	simm.s32 $0x1;
	s2 =	sadd.s32 s4, s24;
	[dreg:$0x4] =	wrdreg s26  }
0x13: {  	v2 =	vlaneseq.u32;
	s24 =	simm.s32 $0x6400;
	s26 =	simm.s32 $0x7400;
	s8 =	sadd.s32 $0x15000, s2  }
0x14: {  	vm0 =	vmmov $0xffff;
	v1 =	vshrl.u32 v2, $0x3;
	s4 =	simm.s32 $0x9C00;
	s2 =	sadd.s32 $0x16800, s2;
	[dreg:$0x6] =	wrdreg s8  }
0x15: {  	v0 =	vand.u32 $0x7, v2;
	v2 =	vor.u32 $0x8, v2;
	v1 =	vmul.u32 $0x8, v1;
	[dreg:$0x7] =	wrdreg s2;
	s8 =	simm.s32 $0x400;
	s2 =	simm.s32 $0x8C00  }
.LBB2_1:
0x16: {  	s12 =	rddreg [dreg:$0x5]  }
0x17: {  	[tilespmem:s3], [sflag:$0x3] =	stream.linear.gather [hbm4b:s12+s3], $0x400, $0x38;
	[tilespmem:$0x18400] =	vst v63  }
0x18: {  	_ =	swait.ge [sflag:s10], $0x400  }
0x19: {  	[sflag:s10] =	ssyncset.done $0x0  }
0x1a: {  	[sflag:s10] =	ssyncadd.s32 $0xFFFFFC00  }
0x1b: {  	v3 =	vld [tilespmem:$0x0];
	_ =	sdelay $0x4  }
0x1c: {  	v4 =	vshrl.u32 v3, $0x3  }
0x1d: {  	v4 =	vmul.u32 $0x30, v4  }
0x1e: {  	v3 =	vand.u32 $0x7, v3  }
0x1f: {  	v3 =	vor.u32 v3, v4  }
0x20: {  	v4 =	vperm.xlane v3, v0;
	_ =	sdelay $0x1  }
0x21: {  	v4 =	vadd.s32 v1, v4;
	_ =	sdelay $0x3  }
0x22: {  	v3 =	vperm.xlane v3, v2  }
0x23: {  	[tilespmem:s8], [sflag:$0x1] =	stream.indirect_vreg.gather [hbm4b:s1+s3], $0x80, v4, vm0, $0xb8;
	[tilespmem:$0x18400] =	vst v63  }
0x24: {  	v3 =	vadd.s32 v1, v3  }
0x25: {  	[tilespmem:s13], [sflag:$0x1] =	stream.indirect_vreg.gather [hbm4b:s5+s3], $0x80, v4, vm0, $0xb8;
	[tilespmem:$0x18400] =	vst v63  }
0x26: {  	_ = 	snop  }
0x27: {  	[tilespmem:s30], [sflag:$0x1] =	stream.indirect_vreg.gather [hbm4b:s6+s3], $0x80, v4, vm0, $0xb8;
	[tilespmem:$0x18400] =	vst v63  }
0x28: {  	_ = 	snop  }
0x29: {  	[tilespmem:s15], [sflag:$0x1] =	stream.indirect_vreg.gather [hbm4b:s1+s3], $0x80, v3, vm0, $0xb8;
	[tilespmem:$0x18400] =	vst v63  }
0x2a: {  	_ = 	snop  }
0x2b: {  	[tilespmem:s16], [sflag:$0x1] =	stream.indirect_vreg.gather [hbm4b:s5+s3], $0x80, v3, vm0, $0xb8;
	[tilespmem:$0x18400] =	vst v63  }
0x2c: {  	_ = 	snop  }
0x2d: {  	[tilespmem:s17], [sflag:$0x1] =	stream.indirect_vreg.gather [hbm4b:s6+s3], $0x80, v3, vm0, $0xb8;
	[tilespmem:$0x18400] =	vst v63  }
0x2e: {  	v3 =	vld [tilespmem:$0x10];
	_ =	sdelay $0x4  }
0x2f: {  	v57 =	vshrl.u32 v3, $0x3  }
0x30: {  	v4 =	vmul.u32 $0x30, v57  }
0x31: {  	v3 =	vand.u32 $0x7, v3  }
0x32: {  	v3 =	vor.u32 v3, v4  }
0x33: {  	v4 =	vperm.xlane v3, v0;
	_ =	sdelay $0x1  }
0x34: {  	v4 =	vadd.s32 v1, v4;
	_ =	sdelay $0x3  }
0x35: {  	v3 =	vperm.xlane v3, v2  }
0x36: {  	[tilespmem:s18], [sflag:$0x1] =	stream.indirect_vreg.gather [hbm4b:s1+s3], $0x80, v4, vm0, $0xb8;
	[tilespmem:$0x18400] =	vst v63  }
0x37: {  	v3 =	vadd.s32 v1, v3  }
0x38: {  	[tilespmem:s19], [sflag:$0x1] =	stream.indirect_vreg.gather [hbm4b:s5+s3], $0x80, v4, vm0, $0xb8;
	[tilespmem:$0x18400] =	vst v63  }
0x39: {  	_ = 	snop  }
0x3a: {  	[tilespmem:s20], [sflag:$0x1] =	stream.indirect_vreg.gather [hbm4b:s6+s3], $0x80, v4, vm0, $0xb8;
	[tilespmem:$0x18400] =	vst v63  }
0x3b: {  	_ = 	snop  }
0x3c: {  	[tilespmem:s21], [sflag:$0x1] =	stream.indirect_vreg.gather [hbm4b:s1+s3], $0x80, v3, vm0, $0xb8;
	[tilespmem:$0x18400] =	vst v63  }
0x3d: {  	_ = 	snop  }
0x3e: {  	[tilespmem:s22], [sflag:$0x1] =	stream.indirect_vreg.gather [hbm4b:s5+s3], $0x80, v3, vm0, $0xb8;
	[tilespmem:$0x18400] =	vst v63  }
0x3f: {  	_ = 	snop  }
0x40: {  	[tilespmem:s23], [sflag:$0x1] =	stream.indirect_vreg.gather [hbm4b:s6+s3], $0x80, v3, vm0, $0xb8;
	[tilespmem:$0x18400] =	vst v63  }
0x41: {  	v3 =	vld [tilespmem:$0x20];
	_ =	sdelay $0x4  }
0x42: {  	v58 =	vshrl.u32 v3, $0x3  }
0x43: {  	v4 =	vmul.u32 $0x30, v58  }
0x44: {  	v3 =	vand.u32 $0x7, v3  }
0x45: {  	v3 =	vor.u32 v3, v4  }
0x46: {  	v4 =	vperm.xlane v3, v0;
	_ =	sdelay $0x1  }
0x47: {  	v4 =	vadd.s32 v1, v4;
	_ =	sdelay $0x3  }
0x48: {  	v3 =	vperm.xlane v3, v2  }
0x49: {  	[tilespmem:s24], [sflag:$0x1] =	stream.indirect_vreg.gather [hbm4b:s1+s3], $0x80, v4, vm0, $0xb8;
	[tilespmem:$0x18400] =	vst v63  }
0x4a: {  	v3 =	vadd.s32 v1, v3  }
0x4b: {  	[tilespmem:s25], [sflag:$0x1] =	stream.indirect_vreg.gather [hbm4b:s5+s3], $0x80, v4, vm0, $0xb8;
	[tilespmem:$0x18400] =	vst v63  }
0x4c: {  	_ = 	snop  }
0x4d: {  	[tilespmem:s26], [sflag:$0x1] =	stream.indirect_vreg.gather [hbm4b:s6+s3], $0x80, v4, vm0, $0xb8;
	[tilespmem:$0x18400] =	vst v63  }
0x4e: {  	_ = 	snop  }
0x4f: {  	[tilespmem:s28], [sflag:$0x1] =	stream.indirect_vreg.gather [hbm4b:s1+s3], $0x80, v3, vm0, $0xb8;
	[tilespmem:$0x18400] =	vst v63  }
0x50: {  	_ = 	snop  }
0x51: {  	[tilespmem:s29], [sflag:$0x1] =	stream.indirect_vreg.gather [hbm4b:s5+s3], $0x80, v3, vm0, $0xb8;
	[tilespmem:$0x18400] =	vst v63  }
0x52: {  	_ = 	snop  }
0x53: {  	[tilespmem:s2], [sflag:$0x1] =	stream.indirect_vreg.gather [hbm4b:s6+s3], $0x80, v3, vm0, $0xb8;
	[tilespmem:$0x18400] =	vst v63  }
0x54: {  	v3 =	vld [tilespmem:$0x30];
	_ =	sdelay $0x4  }
0x55: {  	v59 =	vshrl.u32 v3, $0x3  }
0x56: {  	v4 =	vmul.u32 $0x30, v59  }
0x57: {  	v3 =	vand.u32 $0x7, v3  }
0x58: {  	v3 =	vor.u32 v3, v4  }
0x59: {  	v4 =	vperm.xlane v3, v0;
	_ =	sdelay $0x1  }
0x5a: {  	v4 =	vadd.s32 v1, v4;
	_ =	sdelay $0x3  }
0x5b: {  	v3 =	vperm.xlane v3, v2  }
0x5c: {  	[tilespmem:s0], [sflag:$0x1] =	stream.indirect_vreg.gather [hbm4b:s1+s3], $0x80, v4, vm0, $0xb8;
	[tilespmem:$0x18400] =	vst v63  }
0x5d: {  	v3 =	vadd.s32 v1, v3  }
0x5e: {  	[tilespmem:s4], [sflag:$0x1] =	stream.indirect_vreg.gather [hbm4b:s5+s3], $0x80, v4, vm0, $0xb8;
	[tilespmem:$0x18400] =	vst v63  }
0x5f: {  	_ = 	snop  }
0x60: {  	[tilespmem:s11], [sflag:$0x1] =	stream.indirect_vreg.gather [hbm4b:s6+s3], $0x80, v4, vm0, $0xb8;
	[tilespmem:$0x18400] =	vst v63  }
0x61: {  	_ = 	snop  }
0x62: {  	[tilespmem:s31], [sflag:$0x1] =	stream.indirect_vreg.gather [hbm4b:s1+s3], $0x80, v3, vm0, $0xb8;
	[tilespmem:$0x18400] =	vst v63  }
0x63: {  	s25 =	simm.s32 $0xB400  }
0x64: {  	[tilespmem:s25], [sflag:$0x1] =	stream.indirect_vreg.gather [hbm4b:s5+s3], $0x80, v3, vm0, $0xb8;
	[tilespmem:$0x18400] =	vst v63  }
0x65: {  	s26 =	simm.s32 $0xBC00  }
0x66: {  	[tilespmem:s26], [sflag:$0x1] =	stream.indirect_vreg.gather [hbm4b:s6+s3], $0x80, v3, vm0, $0xb8;
	[tilespmem:$0x18400] =	vst v63  }
0x67: {  	v3 =	vld [tilespmem:$0x40];
	_ =	sdelay $0x4  }
0x68: {  	v60 =	vshrl.u32 v3, $0x3  }
0x69: {  	v4 =	vmul.u32 $0x30, v60  }
0x6a: {  	v3 =	vand.u32 $0x7, v3  }
0x6b: {  	v3 =	vor.u32 v3, v4  }
0x6c: {  	v4 =	vperm.xlane v3, v0;
	_ =	sdelay $0x1  }
0x6d: {  	v4 =	vadd.s32 v1, v4;
	_ =	sdelay $0x3  }
0x6e: {  	v3 =	vperm.xlane v3, v2  }
0x6f: {  	[tilespmem:s14], [sflag:$0x2] =	stream.indirect_vreg.gather [hbm4b:s1+s3], $0x80, v4, vm0, $0xb8;
	[tilespmem:$0x18400] =	vst v63  }
0x70: {  	s2 =	simm.s32 $0xCC00;
	v3 =	vadd.s32 v1, v3  }
0x71: {  	[tilespmem:s2], [sflag:$0x2] =	stream.indirect_vreg.gather [hbm4b:s5+s3], $0x80, v4, vm0, $0xb8;
	[tilespmem:$0x18400] =	vst v63  }
0x72: {  	s4 =	simm.s32 $0xD400  }
0x73: {  	[tilespmem:s4], [sflag:$0x2] =	stream.indirect_vreg.gather [hbm4b:s6+s3], $0x80, v4, vm0, $0xb8;
	[tilespmem:$0x18400] =	vst v63  }
0x74: {  	s8 =	simm.s32 $0xDC00  }
0x75: {  	[tilespmem:s8], [sflag:$0x2] =	stream.indirect_vreg.gather [hbm4b:s1+s3], $0x80, v3, vm0, $0xb8;
	[tilespmem:$0x18400] =	vst v63  }
0x76: {  	s11 =	simm.s32 $0xE400  }
0x77: {  	[tilespmem:s11], [sflag:$0x2] =	stream.indirect_vreg.gather [hbm4b:s5+s3], $0x80, v3, vm0, $0xb8;
	[tilespmem:$0x18400] =	vst v63  }
0x78: {  	s12 =	simm.s32 $0xEC00  }
0x79: {  	[tilespmem:s12], [sflag:$0x2] =	stream.indirect_vreg.gather [hbm4b:s6+s3], $0x80, v3, vm0, $0xb8;
	[tilespmem:$0x18400] =	vst v63  }
0x7a: {  	v3 =	vld [tilespmem:$0x50];
	_ =	sdelay $0x4  }
0x7b: {  	v61 =	vshrl.u32 v3, $0x3  }
0x7c: {  	v4 =	vmul.u32 $0x30, v61  }
0x7d: {  	v3 =	vand.u32 $0x7, v3  }
0x7e: {  	v3 =	vor.u32 v3, v4  }
0x7f: {  	v4 =	vperm.xlane v3, v0;
	_ =	sdelay $0x1  }
0x80: {  	v4 =	vadd.s32 v1, v4;
	_ =	sdelay $0x3  }
0x81: {  	s13 =	simm.s32 $0xF400;
	v3 =	vperm.xlane v3, v2  }
0x82: {  	[tilespmem:s13], [sflag:$0x2] =	stream.indirect_vreg.gather [hbm4b:s1+s3], $0x80, v4, vm0, $0xb8;
	[tilespmem:$0x18400] =	vst v63  }
0x83: {  	s14 =	simm.s32 $0xFC00;
	v3 =	vadd.s32 v1, v3  }
0x84: {  	[tilespmem:s14], [sflag:$0x2] =	stream.indirect_vreg.gather [hbm4b:s5+s3], $0x80, v4, vm0, $0xb8;
	[tilespmem:$0x18400] =	vst v63  }
0x85: {  	s15 =	simm.s32 $0x10400  }
0x86: {  	[tilespmem:s15], [sflag:$0x2] =	stream.indirect_vreg.gather [hbm4b:s6+s3], $0x80, v4, vm0, $0xb8;
	[tilespmem:$0x18400] =	vst v63  }
0x87: {  	s16 =	simm.s32 $0x10C00  }
0x88: {  	[tilespmem:s16], [sflag:$0x2] =	stream.indirect_vreg.gather [hbm4b:s1+s3], $0x80, v3, vm0, $0xb8;
	[tilespmem:$0x18400] =	vst v63  }
0x89: {  	s17 =	simm.s32 $0x11400  }
0x8a: {  	[tilespmem:s17], [sflag:$0x2] =	stream.indirect_vreg.gather [hbm4b:s5+s3], $0x80, v3, vm0, $0xb8;
	[tilespmem:$0x18400] =	vst v63  }
0x8b: {  	s18 =	simm.s32 $0x11C00  }
0x8c: {  	[tilespmem:s18], [sflag:$0x2] =	stream.indirect_vreg.gather [hbm4b:s6+s3], $0x80, v3, vm0, $0xb8;
	[tilespmem:$0x18400] =	vst v63  }
0x8d: {  	v3 =	vld [tilespmem:$0x60];
	_ =	sdelay $0x4  }
0x8e: {  	v62 =	vshrl.u32 v3, $0x3  }
0x8f: {  	v4 =	vmul.u32 $0x30, v62  }
0x90: {  	v3 =	vand.u32 $0x7, v3  }
0x91: {  	v3 =	vor.u32 v3, v4  }
0x92: {  	v4 =	vperm.xlane v3, v0;
	_ =	sdelay $0x1  }
0x93: {  	v4 =	vadd.s32 v1, v4;
	_ =	sdelay $0x3  }
0x94: {  	s19 =	simm.s32 $0x12400;
	v3 =	vperm.xlane v3, v2  }
0x95: {  	[tilespmem:s19], [sflag:$0x2] =	stream.indirect_vreg.gather [hbm4b:s1+s3], $0x80, v4, vm0, $0xb8;
	[tilespmem:$0x18400] =	vst v63  }
0x96: {  	s20 =	simm.s32 $0x12C00;
	v3 =	vadd.s32 v1, v3  }
0x97: {  	[tilespmem:s20], [sflag:$0x2] =	stream.indirect_vreg.gather [hbm4b:s5+s3], $0x80, v4, vm0, $0xb8;
	[tilespmem:$0x18400] =	vst v63  }
0x98: {  	s21 =	simm.s32 $0x13400  }
0x99: {  	[tilespmem:s21], [sflag:$0x2] =	stream.indirect_vreg.gather [hbm4b:s6+s3], $0x80, v4, vm0, $0xb8;
	[tilespmem:$0x18400] =	vst v63  }
0x9a: {  	s22 =	simm.s32 $0x13C00  }
0x9b: {  	[tilespmem:s22], [sflag:$0x2] =	stream.indirect_vreg.gather [hbm4b:s1+s3], $0x80, v3, vm0, $0xb8;
	[tilespmem:$0x18400] =	vst v63  }
0x9c: {  	s23 =	simm.s32 $0x14400  }
0x9d: {  	[tilespmem:s23], [sflag:$0x2] =	stream.indirect_vreg.gather [hbm4b:s5+s3], $0x80, v3, vm0, $0xb8;
	[tilespmem:$0x18400] =	vst v63  }
0x9e: {  	s24 =	simm.s32 $0x14C00  }
0x9f: {  	[tilespmem:s24], [sflag:$0x2] =	stream.indirect_vreg.gather [hbm4b:s6+s3], $0x80, v3, vm0, $0xb8;
	[tilespmem:$0x18400] =	vst v63  }
0xa0: {  	v3 =	vld [tilespmem:$0x70];
	_ =	sdelay $0x4  }
0xa1: {  	v63 =	vshrl.u32 v3, $0x3  }
0xa2: {  	v4 =	vmul.u32 $0x30, v63  }
0xa3: {  	v3 =	vand.u32 $0x7, v3  }
0xa4: {  	v3 =	vor.u32 v3, v4  }
0xa5: {  	v4 =	vperm.xlane v3, v0;
	_ =	sdelay $0x1  }
0xa6: {  	v4 =	vadd.s32 v1, v4;
	_ =	sdelay $0x1  }
0xa7: {  	s30 =	simm.s32 $0x16C00;
	s28 =	simm.s32 $0x6C00  }
0xa8: {  	s29 =	simm.s32 $0x7400;
	s0 =	simm.s32 $0x9400;
	s31 =	simm.s32 $0x8400  }
0xa9: {  	s25 =	simm.s32 $0x15400;
	s26 =	simm.s32 $0x15C00;
	s2 =	simm.s32 $0x17400;
	v3 =	vperm.xlane v3, v2  }
0xaa: {  	[tilespmem:s25], [sflag:$0x2] =	stream.indirect_vreg.gather [hbm4b:s1+s3], $0x80, v4, vm0, $0xb8;
	[tilespmem:$0x18400] =	vst v63  }
0xab: {  	s4 =	simm.s32 $0x9C00;
	s11 =	simm.s32 $0xA400;
	s12 =	simm.s32 $0xF0;
	v3 =	vadd.s32 v1, v3  }
0xac: {  	[tilespmem:s26], [sflag:$0x2] =	stream.indirect_vreg.gather [hbm4b:s5+s3], $0x80, v4, vm0, $0xb8;
	[tilespmem:$0x18400] =	vst v63  }
0xad: {  	s13 =	simm.s32 $0x0;
	s15 =	simm.s32 $0x17C00;
	s25 =	simm.s32 $0x16400  }
0xae: {  	[tilespmem:s25], [sflag:$0x2] =	stream.indirect_vreg.gather [hbm4b:s6+s3], $0x80, v4, vm0, $0xb8;
	[tilespmem:$0x18400] =	vst v63  }
0xaf: {  	s16 =	simm.s32 $0x1400;
	s18 =	simm.s32 $0x2400;
	s19 =	simm.s32 $0x2C00  }
0xb0: {  	[tilespmem:s30], [sflag:$0x2] =	stream.indirect_vreg.gather [hbm4b:s1+s3], $0x80, v3, vm0, $0xb8;
	[tilespmem:$0x18400] =	vst v63  }
0xb1: {  	s20 =	simm.s32 $0x3400;
	s21 =	simm.s32 $0xAC00;
	s22 =	simm.s32 $0x4400  }
0xb2: {  	[tilespmem:s2], [sflag:$0x2] =	stream.indirect_vreg.gather [hbm4b:s5+s3], $0x80, v3, vm0, $0xb8;
	[tilespmem:$0x18400] =	vst v63  }
0xb3: {  	s23 =	simm.s32 $0x4C00;
	s24 =	simm.s32 $0x5400;
	s26 =	simm.s32 $0x6400  }
0xb4: {  	[tilespmem:s15], [sflag:$0x2] =	stream.indirect_vreg.gather [hbm4b:s6+s3], $0x80, v3, vm0, $0xb8;
	[tilespmem:$0x18400] =	vst v63  }
.LBB2_2:
0xb5: {  	_ =	swait.ge [sflag:s7], $0xC000  }
0xb6: {  	s14 =	rddreg [dreg:$0x4];
	[sflag:s7] =	ssyncset.done $0x0  }
0xb7: {  	s17 =	simm.s32 $0x400;
	[sflag:s7] =	ssyncadd.s32 $0xFFFF4000;
	s14 =	sadd.s32 s13, s14  }
0xb8: {  	[hbm4b:s14+s3] =	stream.linear.scatter [tilespmem:s17], [sflag:$0x3], $0xC000, $0x38;
	[tilespmem:$0x18400] =	vst v63  }
0xb9: {  	_ =	swait.ge [sflag:s10], $0xC000  }
0xba: {  	[sflag:s10] =	ssyncset.done $0x0  }
0xbb: {  	[sflag:s10] =	ssyncadd.s32 $0xFFFF4000  }
0xbc: {  	v3 =	vld [tilespmem:s12+$0xFFFFFF90];
	_ =	sdelay $0x4  }
0xbd: {  	v4 =	vshrl.u32 v3, $0x3  }
0xbe: {  	v4 =	vmul.u32 $0x30, v4  }
0xbf: {  	v3 =	vand.u32 $0x7, v3  }
0xc0: {  	v3 =	vor.u32 v3, v4  }
0xc1: {  	v4 =	vperm.xlane v3, v0;
	_ =	sdelay $0x1  }
0xc2: {  	v4 =	vadd.s32 v1, v4;
	_ =	sdelay $0x3  }
0xc3: {  	v3 =	vperm.xlane v3, v2  }
0xc4: {  	[tilespmem:s17], [sflag:$0x1] =	stream.indirect_vreg.gather [hbm4b:s1+s3], $0x80, v4, vm0, $0xb8;
	[tilespmem:$0x18400] =	vst v63  }
0xc5: {  	v3 =	vadd.s32 v1, v3;
	s17 =	simm.s32 $0xC00  }
0xc6: {  	[tilespmem:s17], [sflag:$0x1] =	stream.indirect_vreg.gather [hbm4b:s5+s3], $0x80, v4, vm0, $0xb8;
	[tilespmem:$0x18400] =	vst v63  }
0xc7: {  	_ = 	snop  }
0xc8: {  	[tilespmem:s16], [sflag:$0x1] =	stream.indirect_vreg.gather [hbm4b:s6+s3], $0x80, v4, vm0, $0xb8;
	[tilespmem:$0x18400] =	vst v63  }
0xc9: {  	s17 =	simm.s32 $0x1C00  }
0xca: {  	[tilespmem:s17], [sflag:$0x1] =	stream.indirect_vreg.gather [hbm4b:s1+s3], $0x80, v3, vm0, $0xb8;
	[tilespmem:$0x18400] =	vst v63  }
0xcb: {  	_ = 	snop  }
0xcc: {  	[tilespmem:s18], [sflag:$0x1] =	stream.indirect_vreg.gather [hbm4b:s5+s3], $0x80, v3, vm0, $0xb8;
	[tilespmem:$0x18400] =	vst v63  }
0xcd: {  	_ = 	snop  }
0xce: {  	[tilespmem:s19], [sflag:$0x1] =	stream.indirect_vreg.gather [hbm4b:s6+s3], $0x80, v3, vm0, $0xb8;
	[tilespmem:$0x18400] =	vst v63  }
0xcf: {  	v3 =	vld [tilespmem:s12+$0xFFFFFFA0];
	_ =	sdelay $0x4  }
0xd0: {  	v57 =	vshrl.u32 v3, $0x3  }
0xd1: {  	v4 =	vmul.u32 $0x30, v57  }
0xd2: {  	v3 =	vand.u32 $0x7, v3  }
0xd3: {  	v3 =	vor.u32 v3, v4  }
0xd4: {  	v4 =	vperm.xlane v3, v0;
	_ =	sdelay $0x1  }
0xd5: {  	v4 =	vadd.s32 v1, v4;
	_ =	sdelay $0x3  }
0xd6: {  	v3 =	vperm.xlane v3, v2  }
0xd7: {  	[tilespmem:s20], [sflag:$0x1] =	stream.indirect_vreg.gather [hbm4b:s1+s3], $0x80, v4, vm0, $0xb8;
	[tilespmem:$0x18400] =	vst v63  }
0xd8: {  	s17 =	simm.s32 $0x3C00;
	v3 =	vadd.s32 v1, v3  }
0xd9: {  	[tilespmem:s17], [sflag:$0x1] =	stream.indirect_vreg.gather [hbm4b:s5+s3], $0x80, v4, vm0, $0xb8;
	[tilespmem:$0x18400] =	vst v63  }
0xda: {  	_ = 	snop  }
0xdb: {  	[tilespmem:s22], [sflag:$0x1] =	stream.indirect_vreg.gather [hbm4b:s6+s3], $0x80, v4, vm0, $0xb8;
	[tilespmem:$0x18400] =	vst v63  }
0xdc: {  	_ = 	snop  }
0xdd: {  	[tilespmem:s23], [sflag:$0x1] =	stream.indirect_vreg.gather [hbm4b:s1+s3], $0x80, v3, vm0, $0xb8;
	[tilespmem:$0x18400] =	vst v63  }
0xde: {  	_ = 	snop  }
0xdf: {  	[tilespmem:s24], [sflag:$0x1] =	stream.indirect_vreg.gather [hbm4b:s5+s3], $0x80, v3, vm0, $0xb8;
	[tilespmem:$0x18400] =	vst v63  }
0xe0: {  	s17 =	simm.s32 $0x5C00  }
0xe1: {  	[tilespmem:s17], [sflag:$0x1] =	stream.indirect_vreg.gather [hbm4b:s6+s3], $0x80, v3, vm0, $0xb8;
	[tilespmem:$0x18400] =	vst v63  }
0xe2: {  	v3 =	vld [tilespmem:s12+$0xFFFFFFB0];
	_ =	sdelay $0x4  }
0xe3: {  	v58 =	vshrl.u32 v3, $0x3  }
0xe4: {  	v4 =	vmul.u32 $0x30, v58  }
0xe5: {  	v3 =	vand.u32 $0x7, v3  }
0xe6: {  	v3 =	vor.u32 v3, v4  }
0xe7: {  	v4 =	vperm.xlane v3, v0;
	_ =	sdelay $0x1  }
0xe8: {  	v4 =	vadd.s32 v1, v4;
	_ =	sdelay $0x3  }
0xe9: {  	v3 =	vperm.xlane v3, v2  }
0xea: {  	[tilespmem:s26], [sflag:$0x1] =	stream.indirect_vreg.gather [hbm4b:s1+s3], $0x80, v4, vm0, $0xb8;
	[tilespmem:$0x18400] =	vst v63  }
0xeb: {  	v3 =	vadd.s32 v1, v3  }
0xec: {  	[tilespmem:s28], [sflag:$0x1] =	stream.indirect_vreg.gather [hbm4b:s5+s3], $0x80, v4, vm0, $0xb8;
	[tilespmem:$0x18400] =	vst v63  }
0xed: {  	_ = 	snop  }
0xee: {  	[tilespmem:s29], [sflag:$0x1] =	stream.indirect_vreg.gather [hbm4b:s6+s3], $0x80, v4, vm0, $0xb8;
	[tilespmem:$0x18400] =	vst v63  }
0xef: {  	s17 =	simm.s32 $0x7C00  }
0xf0: {  	[tilespmem:s17], [sflag:$0x1] =	stream.indirect_vreg.gather [hbm4b:s1+s3], $0x80, v3, vm0, $0xb8;
	[tilespmem:$0x18400] =	vst v63  }
0xf1: {  	_ = 	snop  }
0xf2: {  	[tilespmem:s31], [sflag:$0x1] =	stream.indirect_vreg.gather [hbm4b:s5+s3], $0x80, v3, vm0, $0xb8;
	[tilespmem:$0x18400] =	vst v63  }
0xf3: {  	s17 =	simm.s32 $0x8C00  }
0xf4: {  	[tilespmem:s17], [sflag:$0x1] =	stream.indirect_vreg.gather [hbm4b:s6+s3], $0x80, v3, vm0, $0xb8;
	[tilespmem:$0x18400] =	vst v63  }
0xf5: {  	v3 =	vld [tilespmem:s12+$0xFFFFFFC0];
	_ =	sdelay $0x4  }
0xf6: {  	v59 =	vshrl.u32 v3, $0x3  }
0xf7: {  	v4 =	vmul.u32 $0x30, v59  }
0xf8: {  	v3 =	vand.u32 $0x7, v3  }
0xf9: {  	v3 =	vor.u32 v3, v4  }
0xfa: {  	v4 =	vperm.xlane v3, v0;
	_ =	sdelay $0x1  }
0xfb: {  	v4 =	vadd.s32 v1, v4;
	_ =	sdelay $0x3  }
0xfc: {  	v3 =	vperm.xlane v3, v2  }
0xfd: {  	[tilespmem:s0], [sflag:$0x1] =	stream.indirect_vreg.gather [hbm4b:s1+s3], $0x80, v4, vm0, $0xb8;
	[tilespmem:$0x18400] =	vst v63  }
0xfe: {  	v3 =	vadd.s32 v1, v3  }
0xff: {  	[tilespmem:s4], [sflag:$0x1] =	stream.indirect_vreg.gather [hbm4b:s5+s3], $0x80, v4, vm0, $0xb8;
	[tilespmem:$0x18400] =	vst v63  }
0x100: {  	_ = 	snop  }
0x101: {  	[tilespmem:s11], [sflag:$0x1] =	stream.indirect_vreg.gather [hbm4b:s6+s3], $0x80, v4, vm0, $0xb8;
	[tilespmem:$0x18400] =	vst v63  }
0x102: {  	_ = 	snop  }
0x103: {  	[tilespmem:s21], [sflag:$0x1] =	stream.indirect_vreg.gather [hbm4b:s1+s3], $0x80, v3, vm0, $0xb8;
	[tilespmem:$0x18400] =	vst v63  }
0x104: {  	s17 =	simm.s32 $0xB400  }
0x105: {  	[tilespmem:s17], [sflag:$0x1] =	stream.indirect_vreg.gather [hbm4b:s5+s3], $0x80, v3, vm0, $0xb8;
	[tilespmem:$0x18400] =	vst v63  }
0x106: {  	s17 =	simm.s32 $0xBC00  }
0x107: {  	[tilespmem:s17], [sflag:$0x1] =	stream.indirect_vreg.gather [hbm4b:s6+s3], $0x80, v3, vm0, $0xb8;
	[tilespmem:$0x18400] =	vst v63  }
0x108: {  	_ =	swait.ge [sflag:s9], $0xC000  }
0x109: {  	[sflag:s9] =	ssyncset.done $0x0  }
0x10a: {  	s14 =	sadd.s32 $0x1800, s14;
	s17 =	simm.s32 $0xC400;
	[sflag:s9] =	ssyncadd.s32 $0xFFFF4000  }
0x10b: {  	[hbm4b:s14+s3] =	stream.linear.scatter [tilespmem:s17], [sflag:$0x3], $0xC000, $0x38;
	[tilespmem:$0x18400] =	vst v63  }
0x10c: {  	_ =	swait.ge [sflag:s10], $0xC000  }
0x10d: {  	[sflag:s10] =	ssyncset.done $0x0  }
0x10e: {  	[sflag:s10] =	ssyncadd.s32 $0xFFFF4000  }
0x10f: {  	v3 =	vld [tilespmem:s12+$0xFFFFFFD0];
	_ =	sdelay $0x4  }
0x110: {  	v60 =	vshrl.u32 v3, $0x3  }
0x111: {  	v4 =	vmul.u32 $0x30, v60  }
0x112: {  	v3 =	vand.u32 $0x7, v3  }
0x113: {  	v3 =	vor.u32 v3, v4  }
0x114: {  	v4 =	vperm.xlane v3, v0;
	_ =	sdelay $0x1  }
0x115: {  	v4 =	vadd.s32 v1, v4;
	_ =	sdelay $0x3  }
0x116: {  	v3 =	vperm.xlane v3, v2  }
0x117: {  	[tilespmem:s17], [sflag:$0x2] =	stream.indirect_vreg.gather [hbm4b:s1+s3], $0x80, v4, vm0, $0xb8;
	[tilespmem:$0x18400] =	vst v63  }
0x118: {  	v3 =	vadd.s32 v1, v3;
	s17 =	simm.s32 $0xCC00  }
0x119: {  	[tilespmem:s17], [sflag:$0x2] =	stream.indirect_vreg.gather [hbm4b:s5+s3], $0x80, v4, vm0, $0xb8;
	[tilespmem:$0x18400] =	vst v63  }
0x11a: {  	s17 =	simm.s32 $0xD400  }
0x11b: {  	[tilespmem:s17], [sflag:$0x2] =	stream.indirect_vreg.gather [hbm4b:s6+s3], $0x80, v4, vm0, $0xb8;
	[tilespmem:$0x18400] =	vst v63  }
0x11c: {  	s17 =	simm.s32 $0xDC00  }
0x11d: {  	[tilespmem:s17], [sflag:$0x2] =	stream.indirect_vreg.gather [hbm4b:s1+s3], $0x80, v3, vm0, $0xb8;
	[tilespmem:$0x18400] =	vst v63  }
0x11e: {  	s17 =	simm.s32 $0xE400  }
0x11f: {  	[tilespmem:s17], [sflag:$0x2] =	stream.indirect_vreg.gather [hbm4b:s5+s3], $0x80, v3, vm0, $0xb8;
	[tilespmem:$0x18400] =	vst v63  }
0x120: {  	s17 =	simm.s32 $0xEC00  }
0x121: {  	[tilespmem:s17], [sflag:$0x2] =	stream.indirect_vreg.gather [hbm4b:s6+s3], $0x80, v3, vm0, $0xb8;
	[tilespmem:$0x18400] =	vst v63  }
0x122: {  	v3 =	vld [tilespmem:s12+$0xFFFFFFE0];
	_ =	sdelay $0x4  }
0x123: {  	v61 =	vshrl.u32 v3, $0x3  }
0x124: {  	v4 =	vmul.u32 $0x30, v61  }
0x125: {  	v3 =	vand.u32 $0x7, v3  }
0x126: {  	v3 =	vor.u32 v3, v4  }
0x127: {  	v4 =	vperm.xlane v3, v0;
	_ =	sdelay $0x1  }
0x128: {  	v4 =	vadd.s32 v1, v4;
	_ =	sdelay $0x3  }
0x129: {  	s17 =	simm.s32 $0xF400;
	v3 =	vperm.xlane v3, v2  }
0x12a: {  	[tilespmem:s17], [sflag:$0x2] =	stream.indirect_vreg.gather [hbm4b:s1+s3], $0x80, v4, vm0, $0xb8;
	[tilespmem:$0x18400] =	vst v63  }
0x12b: {  	v3 =	vadd.s32 v1, v3;
	s17 =	simm.s32 $0xFC00  }
0x12c: {  	[tilespmem:s17], [sflag:$0x2] =	stream.indirect_vreg.gather [hbm4b:s5+s3], $0x80, v4, vm0, $0xb8;
	[tilespmem:$0x18400] =	vst v63  }
0x12d: {  	s17 =	simm.s32 $0x10400  }
0x12e: {  	[tilespmem:s17], [sflag:$0x2] =	stream.indirect_vreg.gather [hbm4b:s6+s3], $0x80, v4, vm0, $0xb8;
	[tilespmem:$0x18400] =	vst v63  }
0x12f: {  	s17 =	simm.s32 $0x10C00  }
0x130: {  	[tilespmem:s17], [sflag:$0x2] =	stream.indirect_vreg.gather [hbm4b:s1+s3], $0x80, v3, vm0, $0xb8;
	[tilespmem:$0x18400] =	vst v63  }
0x131: {  	s17 =	simm.s32 $0x11400  }
0x132: {  	[tilespmem:s17], [sflag:$0x2] =	stream.indirect_vreg.gather [hbm4b:s5+s3], $0x80, v3, vm0, $0xb8;
	[tilespmem:$0x18400] =	vst v63  }
0x133: {  	s17 =	simm.s32 $0x11C00  }
0x134: {  	[tilespmem:s17], [sflag:$0x2] =	stream.indirect_vreg.gather [hbm4b:s6+s3], $0x80, v3, vm0, $0xb8;
	[tilespmem:$0x18400] =	vst v63  }
0x135: {  	v3 =	vld [tilespmem:s12+$0xFFFFFFF0];
	_ =	sdelay $0x4  }
0x136: {  	v62 =	vshrl.u32 v3, $0x3  }
0x137: {  	v4 =	vmul.u32 $0x30, v62  }
0x138: {  	v3 =	vand.u32 $0x7, v3  }
0x139: {  	v3 =	vor.u32 v3, v4  }
0x13a: {  	v4 =	vperm.xlane v3, v0;
	_ =	sdelay $0x1  }
0x13b: {  	v4 =	vadd.s32 v1, v4;
	_ =	sdelay $0x3  }
0x13c: {  	s17 =	simm.s32 $0x12400;
	v3 =	vperm.xlane v3, v2  }
0x13d: {  	[tilespmem:s17], [sflag:$0x2] =	stream.indirect_vreg.gather [hbm4b:s1+s3], $0x80, v4, vm0, $0xb8;
	[tilespmem:$0x18400] =	vst v63  }
0x13e: {  	v3 =	vadd.s32 v1, v3;
	s17 =	simm.s32 $0x12C00  }
0x13f: {  	[tilespmem:s17], [sflag:$0x2] =	stream.indirect_vreg.gather [hbm4b:s5+s3], $0x80, v4, vm0, $0xb8;
	[tilespmem:$0x18400] =	vst v63  }
0x140: {  	s17 =	simm.s32 $0x13400  }
0x141: {  	[tilespmem:s17], [sflag:$0x2] =	stream.indirect_vreg.gather [hbm4b:s6+s3], $0x80, v4, vm0, $0xb8;
	[tilespmem:$0x18400] =	vst v63  }
0x142: {  	s17 =	simm.s32 $0x13C00  }
0x143: {  	[tilespmem:s17], [sflag:$0x2] =	stream.indirect_vreg.gather [hbm4b:s1+s3], $0x80, v3, vm0, $0xb8;
	[tilespmem:$0x18400] =	vst v63  }
0x144: {  	s17 =	simm.s32 $0x14400  }
0x145: {  	[tilespmem:s17], [sflag:$0x2] =	stream.indirect_vreg.gather [hbm4b:s5+s3], $0x80, v3, vm0, $0xb8;
	[tilespmem:$0x18400] =	vst v63  }
0x146: {  	s17 =	simm.s32 $0x14C00  }
0x147: {  	[tilespmem:s17], [sflag:$0x2] =	stream.indirect_vreg.gather [hbm4b:s6+s3], $0x80, v3, vm0, $0xb8;
	[tilespmem:$0x18400] =	vst v63  }
0x148: {  	v3 =	vld [tilespmem:s12+$0x0];
	_ =	sdelay $0x4  }
0x149: {  	v63 =	vshrl.u32 v3, $0x3  }
0x14a: {  	v4 =	vmul.u32 $0x30, v63  }
0x14b: {  	v3 =	vand.u32 $0x7, v3  }
0x14c: {  	v3 =	vor.u32 v3, v4  }
0x14d: {  	v4 =	vperm.xlane v3, v0;
	_ =	sdelay $0x1  }
0x14e: {  	v4 =	vadd.s32 v1, v4;
	_ =	sdelay $0x3  }
0x14f: {  	s17 =	simm.s32 $0x15400;
	v3 =	vperm.xlane v3, v2  }
0x150: {  	[tilespmem:s17], [sflag:$0x2] =	stream.indirect_vreg.gather [hbm4b:s1+s3], $0x80, v4, vm0, $0xb8;
	[tilespmem:$0x18400] =	vst v63  }
0x151: {  	v3 =	vadd.s32 v1, v3;
	s17 =	simm.s32 $0x15C00  }
0x152: {  	[tilespmem:s17], [sflag:$0x2] =	stream.indirect_vreg.gather [hbm4b:s5+s3], $0x80, v4, vm0, $0xb8;
	[tilespmem:$0x18400] =	vst v63  }
0x153: {  	_ = 	snop  }
0x154: {  	[tilespmem:s25], [sflag:$0x2] =	stream.indirect_vreg.gather [hbm4b:s6+s3], $0x80, v4, vm0, $0xb8;
	[tilespmem:$0x18400] =	vst v63  }
0x155: {  	p0 =	sne.s32 s13, $0x12000  }
0x156: {  	[tilespmem:s30], [sflag:$0x2] =	stream.indirect_vreg.gather [hbm4b:s1+s3], $0x80, v3, vm0, $0xb8;
	[tilespmem:$0x18400] =	vst v63  }
.Ltmp0:
0x157: {  	_ = 	snop;
	(pc) =	sbr.rel @p0 .LBB2_2-.Ltmp0, $4  }
0x158: {  	s8 =	simm.s32 $0x400  }
0x159: {  	[tilespmem:s2], [sflag:$0x2] =	stream.indirect_vreg.gather [hbm4b:s5+s3], $0x80, v3, vm0, $0xb8;
	[tilespmem:$0x18400] =	vst v63  }
0x15a: {  	s13 =	sadd.s32 $0x3000, s13;
	s14 =	simm.s32 $0xC400;
	s12 =	sadd.s32 $0x80, s12  }
0x15b: {  	[tilespmem:s15], [sflag:$0x2] =	stream.indirect_vreg.gather [hbm4b:s6+s3], $0x80, v3, vm0, $0xb8;
	[tilespmem:$0x18400] =	vst v63  }
0x15c: {  	_ =	swait.ge [sflag:s7], $0xC000  }
0x15d: {  	[sflag:s7] =	ssyncset.done $0x0  }
0x15e: {  	s12 =	rddreg [dreg:$0x6];
	[sflag:s7] =	ssyncadd.s32 $0xFFFF4000  }
0x15f: {  	[hbm4b:s12+s3] =	stream.linear.scatter [tilespmem:s8], [sflag:$0x3], $0xC000, $0x38;
	[tilespmem:$0x18400] =	vst v63  }
0x160: {  	_ =	swait.ge [sflag:s10], $0xC000  }
0x161: {  	[sflag:s10] =	ssyncset.done $0x0  }
0x162: {  	[sflag:s10] =	ssyncadd.s32 $0xFFFF4000  }
0x163: {  	_ =	swait.ge [sflag:s9], $0xC000  }
0x164: {  	s13 =	simm.s32 $0xC00;
	s30 =	simm.s32 $0x1400;
	[sflag:s9] =	ssyncset.done $0x0  }
0x165: {  	s15 =	simm.s32 $0x1C00;
	s25 =	rddreg [dreg:$0x7];
	[sflag:s9] =	ssyncadd.s32 $0xFFFF4000  }
0x166: {  	[hbm4b:s25+s3] =	stream.linear.scatter [tilespmem:s14], [sflag:$0x3], $0xC000, $0x38;
	[tilespmem:$0x18400] =	vst v63  }
0x167: {  	s16 =	simm.s32 $0x2400;
	s17 =	simm.s32 $0x2C00;
	_ =	swait.ge [sflag:s10], $0xC000  }
0x168: {  	s18 =	simm.s32 $0x3400;
	s19 =	simm.s32 $0x3C00;
	s0 =	rddreg [dreg:$0x9]  }
0x169: {  	s20 =	simm.s32 $0x4400;
	s26 =	rddreg [dreg:$0x8];
	s0 =	sadd.s32 $0x1, s0  }
0x16a: {  	s21 =	simm.s32 $0x4C00;
	s22 =	simm.s32 $0x5400;
	p0 =	sne.s32 s0, s26  }
.Ltmp1:
0x16b: {  	s23 =	simm.s32 $0x5C00;
	s24 =	simm.s32 $0x6400;
	(pc) =	sbr.rel @p0 .LBB2_1-.Ltmp1, $4  }
0x16c: {  	s28 =	simm.s32 $0x7C00;
	s29 =	simm.s32 $0x8400;
	s2 =	simm.s32 $0x8C00  }
0x16d: {  	s4 =	simm.s32 $0x9C00;
	s11 =	simm.s32 $0xA400;
	[sflag:s10] =	ssyncset.done $0x0  }
0x16e: {  	s31 =	simm.s32 $0xAC00;
	s25 =	simm.s32 $0x6C00;
	[sflag:s10] =	ssyncadd.s32 $0xFFFF4000  }
0x16f: {  	[dreg:$0x9] =	wrdreg s0;
	s26 =	simm.s32 $0x7400;
	s0 =	simm.s32 $0x9400  }
0x170: {  	_ =	sfence.sel $0x180000  }
0x171: {  	[bflag:$0x0] =	sbarrier.arrive $0xFFFF  }
0x172: {  	_ =	strace $0x90000047  }
0x173: {  	s0 =	stileid.u32;
	[bflag:$0x2] =	sbarrier.arrive $0xFFFF  }
0x174: {  	p0 =	sne.s32 s0, $0x0;
	s0 =	rddreg [dreg:$0x3]  }
0x175: {  	s0 =	sadd.s32 @!p0 $0x100000, s0  }
0x176: {  	[sflag:s0] =	ssyncadd.tile.s32 @!p0 $0x1;
	_ =	shalt  }
.Lfunc_end2:
_tile_overlayer_lowered:
.L_overlay_start_2:
0x177: {  	(tag) =	ssettag $0x2  }
0x178: {  	s0 =	rddreg [dreg:$0x0];
	s2 =	stileid.u32  }
0x179: {  	s1 =	rddreg [dreg:$0x1];
	p0 =	sne.s32 s2, $0x0  }
0x17a: {  	s3 =	rddreg [dreg:$0x2];
	[bflag:$0x3] =	sbarrier.arrive $0xFFFF;
	s2 =	simm.s32 @!p0 $0x1C03  }
0x17b: {  	[timem:s3], [sflag:s2] =	dma.local @!p0 [hbm:s0], s1  }
0x17c: {  	s0 =	simm.s32 @!p0 $0x3  }
0x17d: {  	_ =	swait.ge @!p0 [sflag:s0], s1  }
0x17e: {  	s1 =	ssub.s32 @!p0 $0x0, s1;
	[sflag:s0] =	ssyncset.done @!p0 $0x0  }
0x17f: {  	[sflag:s0] =	ssyncadd.s32 @!p0 s1  }
0x180: {  	[bflag:$0x3] =	sbarrier.arrive $0xFFFF  }
0x181: {  	_ =	shalt  }

// kernel: kernel.13.cloned.1.call-start
scs
__scs_entry_jumppad:
0x0: {  	(pc) =	sbr.rel $0x88, $3  }
0x1: {  	(tag) =	ssettag $0x0;
	lr =	simm.s32 $0x1  }
0x2: {  	[smem:$0x3F9C] =	sst lr;
	_ =	strace $0xD0000000  }
0x3: {  	_ = 	snop  }
0x4: {  	_ = 	snop  }
0x5: {  	_ = 	snop  }
0x6: {  	_ = 	snop  }
0x7: {  	_ = 	snop  }
__scs_overlays_trampoline_lowered:
0x8: {  	[smem:$0x3FAB] =	sst s0  }
0x9: {  	[smem:$0x3FAC] =	sst s1  }
0xa: {  	[smem:$0x3FAD] =	sst s2  }
0xb: {  	[smem:$0x3FAE] =	sst s3  }
0xc: {  	[smem:$0x3FAF] =	sst s4  }
0xd: {  	[smem:$0x3FB0] =	sst s5  }
0xe: {  	[smem:$0x3FB1] =	sst s6  }
0xf: {  	[smem:$0x3FB2] =	sst s7  }
0x10: {  	[smem:$0x3FB3] =	sst s8  }
0x11: {  	[smem:$0x3FB4] =	sst s9;
	s0 =	simm.s32 @!p0 $0x0  }
0x12: {  	s1 =	sld [smem:$0x3F9A];
	s0 =	simm.s32 @p0 $0x1  }
0x13: {  	[smem:$0x3FB5] =	sst s0;
	s0 =	simm.s32 @!p1 $0x0  }
0x14: {  	s2 =	sld [smem:$0x3F99];
	s0 =	simm.s32 @p1 $0x1  }
0x15: {  	[smem:$0x3FB6] =	sst s0;
	s0 =	simm.s32 @!p2 $0x0  }
0x16: {  	s3 =	sld [smem:$0x3FDB];
	s0 =	simm.s32 @p2 $0x1  }
0x17: {  	s4 =	simm.s32 $0x1BF5;
	[smem:$0x3FB8] =	sst s0  }
0x18: {  	s0 =	sld [smem:$0x3F9B];
	_ =	swait.ge [sflag:s4], $0x0  }
0x19: {  	s7 =	sld [smem:$0x3F9C]  }
0x1a: {  	s8 =	sadd.s32 $0xFFFFE003, lr  }
0x1b: {  	s9 =	sadd.s32 $0xFFFFFEF7, lr;
	s5 =	simm.s32 $0xFFFFFFFF;
	p2 =	slt.u32 s8, $0xFFFFF086  }
0x1c: {  	p1 =	slt.u32 s9, $0xF7A;
	s5 =	simm.s32 @!p2 $0x0  }
0x1d: {  	s5 =	simm.s32 @p1 $0x1;
	p0 =	seq.s32 s7, s2  }
0x1e: {  	s7 =	smul.u32 @!p0 $0xF7A, s2;
	p2 =	seq.s32 @!p0 s5, $0x0  }
0x1f: {  	s9 =	smul.u32 $0xF7A, s1;
	s8 =	simm.s32 @!p0 $0x1BF5;
	p2 =	por !p2, p0  }
0x20: {  	[sflag:s8] =	ssyncset.s32 @!p0 $0xFFFFF086;
	s6 =	sadd.s32 @!p0 s3, s7;
	s7 =	simm.s32 @!p0 $0x108  }
0x21: {  	s3 =	sadd.s32 s3, s9;
	s6 =	sadd.s32 @!p0 $0x88, s6;
	s7 =	simm.s32 @p2 $0x1082  }
0x22: {  	[simem:s7], [sflag:s8] =	dma.local @!p0 [hbm:s6], $0xF7A  }
0x23: {  	s9 =	sor.u32 $0xD0000000, s2;
	s6 =	simm.s32 $0x108;
	_ =	swait.ge @!p0 [sflag:s8], $0x0  }
0x24: {  	s3 =	sadd.s32 $0x88, s3;
	s6 =	simm.s32 @!p1 $0x1082;
	[sflag:s4] =	ssyncset.s32 $0xFFFFF086  }
0x25: {  	[simem:s6], [sflag:s4] =	dma.local [hbm:s3], $0xF7A  }
0x26: {  	[smem:$0x3F9C] =	sst s1;
	(tag) =	ssettag s2;
	_ =	strace s9  }
0x27: {  	s1 =	sld [smem:$0x3FAC]  }
0x28: {  	s2 =	sld [smem:$0x3FAD]  }
0x29: {  	s4 =	sld [smem:$0x3FAF]  }
0x2a: {  	p0 =	seq.s32 s5, $0x0;
	s5 =	sld [smem:$0x3FB0]  }
0x2b: {  	s6 =	sld [smem:$0x3FB1]  }
0x2c: {  	s7 =	sld [smem:$0x3FB2]  }
0x2d: {  	s3 =	simm.s32 $0x108;
	s8 =	sld [smem:$0x3FB3]  }
0x2e: {  	s3 =	simm.s32 @!p0 $0x1082;
	s9 =	sld [smem:$0x3FB4]  }
0x2f: {  	lr =	sadd.s32 s0, s3;
	s0 =	sld [smem:$0x3FAB]  }
0x30: {  	s3 =	sld [smem:$0x3FAE]  }
0x31: {  	[smem:$0x3FB7] =	sst s10  }
0x32: {  	s10 =	sld [smem:$0x3FB5];
	_ =	sdelay $0x3  }
0x33: {  	p0 =	seq.s32 s10, $0x1;
	s10 =	sld [smem:$0x3FB7];
	_ =	sdelay $0x3  }
0x34: {  	[smem:$0x3FB7] =	sst s10  }
0x35: {  	s10 =	sld [smem:$0x3FB6];
	_ =	sdelay $0x3  }
0x36: {  	p1 =	seq.s32 s10, $0x1;
	s10 =	sld [smem:$0x3FB7];
	_ =	sdelay $0x3  }
0x37: {  	[smem:$0x3FB7] =	sst s10  }
0x38: {  	s10 =	sld [smem:$0x3FB8]  }
0x39: {  	_ = 	snop;
	(pc) =	sbr.ind lr, $3  }
0x3a: {  	_ = 	snop  }
0x3b: {  	_ = 	snop  }
0x3c: {  	p2 =	seq.s32 s10, $0x1;
	s10 =	sld [smem:$0x3FB7]  }
0x3d: {  	_ =	shalt  }
0x3e: {  	_ =	shalt  }
0x3f: {  	_ =	shalt  }
0x40: {  	_ =	shalt  }
0x41: {  	_ =	shalt  }
0x42: {  	_ =	shalt  }
0x43: {  	_ =	shalt  }
0x44: {  	_ =	shalt  }
0x45: {  	_ =	shalt  }
0x46: {  	_ =	shalt  }
0x47: {  	_ =	shalt  }
0x48: {  	_ =	shalt  }
0x49: {  	_ =	shalt  }
0x4a: {  	_ =	shalt  }
0x4b: {  	_ =	shalt  }
0x4c: {  	_ =	shalt  }
0x4d: {  	_ =	shalt  }
0x4e: {  	_ =	shalt  }
0x4f: {  	_ =	shalt  }
0x50: {  	_ =	shalt  }
0x51: {  	_ =	shalt  }
0x52: {  	_ =	shalt  }
0x53: {  	_ =	shalt  }
0x54: {  	_ =	shalt  }
0x55: {  	_ =	shalt  }
0x56: {  	_ =	shalt  }
0x57: {  	_ =	shalt  }
0x58: {  	_ =	shalt  }
0x59: {  	_ =	shalt  }
0x5a: {  	_ =	shalt  }
0x5b: {  	_ =	shalt  }
0x5c: {  	_ =	shalt  }
0x5d: {  	_ =	shalt  }
0x5e: {  	_ =	shalt  }
0x5f: {  	_ =	shalt  }
0x60: {  	_ =	shalt  }
0x61: {  	_ =	shalt  }
0x62: {  	_ =	shalt  }
0x63: {  	_ =	shalt  }
0x64: {  	_ =	shalt  }
0x65: {  	_ =	shalt  }
0x66: {  	_ =	shalt  }
0x67: {  	_ =	shalt  }
0x68: {  	_ =	shalt  }
0x69: {  	_ =	shalt  }
0x6a: {  	_ =	shalt  }
0x6b: {  	_ =	shalt  }
0x6c: {  	_ =	shalt  }
0x6d: {  	_ =	shalt  }
0x6e: {  	_ =	shalt  }
0x6f: {  	_ =	shalt  }
0x70: {  	_ =	shalt  }
0x71: {  	_ =	shalt  }
0x72: {  	_ =	shalt  }
0x73: {  	_ =	shalt  }
0x74: {  	_ =	shalt  }
0x75: {  	_ =	shalt  }
0x76: {  	_ =	shalt  }
0x77: {  	_ =	shalt  }
0x78: {  	_ =	shalt  }
0x79: {  	_ =	shalt  }
0x7a: {  	_ =	shalt  }
0x7b: {  	_ =	shalt  }
0x7c: {  	_ =	shalt  }
0x7d: {  	_ =	shalt  }
0x7e: {  	_ =	shalt  }
0x7f: {  	_ =	shalt  }
0x80: {  	_ =	shalt  }
0x81: {  	_ =	shalt  }
0x82: {  	_ =	shalt  }
0x83: {  	_ =	shalt  }
0x84: {  	_ =	shalt  }
0x85: {  	_ =	shalt  }
0x86: {  	_ =	shalt  }
0x87: {  	_ =	shalt  }
.Lfunc_end0:
.L_simem_size_0:
called_computation.1_lowered:
.L_overlay_start_0:
0x88: {  	s2 =	sld [smem:$0x3FD9]  }
0x89: {  	s3 =	sld [smem:$0x3FFE];
	_ =	sdelay $0x1  }
0x8a: {  	s1 =	srdreg.scid  }
0x8b: {  	s0 =	sand.u32 $0x1, s1  }
0x8c: {  	s17 =	sshll.u32 s0, $0xA;
	s2 =	sadd.s32 s3, s2  }
0x8d: {  	s2 =	sadd.s32 s2, s17  }
0x8e: {  	[smem:$0x3FC3] =	sst s2  }
0x8f: {  	_ = 	snop  }
0x90: {  	s18 =	sld [smem:$0x3FC8];
	(tm) =	ssettm $0x1  }
0x91: {  	s19 =	sld [smem:$0x3FFB];
	_ =	sdelay $0x3  }
0x92: {  	_ =	strace s19  }
0x93: {  	s2 =	sld [smem:$0x3FFC];
	_ =	sdelay $0x3  }
0x94: {  	_ =	strace s2  }
0x95: {  	s2 =	sld [smem:$0x3FFD];
	_ =	sdelay $0x3  }
0x96: {  	_ =	strace s2  }
0x97: {  	_ =	strace $0x8FFFFFFF  }
0x98: {  	s20 =	sld [smem:$0x3FDB];
	_ =	sdelay $0x1  }
0x99: {  	s4 =	simm.s32 $_scs_section_size  }
0x9a: {  	s5 =	simm.s32 $_size__tile_overlayer_lowered;
	s6 =	simm.s32 $_tile_overlayer_lowered  }
0x9b: {  	s7 =	simm.s32 $0x1BFF;
	s21 =	sshll.u32 s6, $0x1;
	s4 =	sadd.s32 s4, s20  }
0x9c: {  	s22 =	simm.s32 $0x0;
	s5 =	sshll.u32 s5, $0x1;
	s6 =	sadd.s32 s21, s4  }
0x9d: {  	[timem:s22], [sflag:s7] =	dma.local [hbm:s6], s5  }
0x9e: {  	_ =	swait.ge [sflag:s7], s5  }
0x9f: {  	s5 =	ssub.s32 $0x0, s5;
	[sflag:s7] =	ssyncset.done $0x0  }
0xa0: {  	[sflag:s7] =	ssyncadd.s32 s5;
	_ =	sdelay $0x1  }
0xa1: {  	s23 =	simm.s32 $0x1B8B  }
0xa2: {  	_ =	swait.ge [sflag:s23], $0x1  }
0xa3: {  	[sflag:s23] =	ssyncset.done $0x0  }
0xa4: {  	[sflag:s23] =	ssyncadd.s32 $0xFFFFFFFF  }
0xa5: {  	s5 =	sld [smem:$0x0]  }
0xa6: {  	s6 =	sand.u32 $0xFFFFFFFE, s1  }
0xa7: {  	p0 =	sne.s32 s1, s6  }
0xa8: {  	s6 =	sshll.u32 @p0 s6, $0xE  }
0xa9: {  	s6 =	sadd.s32 @p0 $0x11B8D, s6;
	s7 =	sshll.u32 @p0 s5, $0x11  }
0xaa: {  	s6 =	sor.u32 @p0 s7, s6  }
0xab: {  	[sflag:s6] =	ssyncadd.remote.s32 @p0 $0x1;
	_ =	sdelay $0x1  }
0xac: {  	s6 =	simm.s32 @p0 $0x1B8D  }
0xad: {  	_ =	swait.eq @p0 [sflag:s6], $0x1  }
0xae: {  	[sflag:s6] =	ssyncadd.s32 @p0 $0xFFFFFFFF  }
0xaf: {  	s7 =	sshll.u32 @!p0 s1, $0xE  }
0xb0: {  	s7 =	sor.u32 @!p0 $0x4000, s7;
	s6 =	simm.s32 @!p0 $0x1B8D  }
0xb1: {  	s5 =	sshll.u32 @!p0 s5, $0x11;
	s7 =	sadd.s32 @!p0 $0x11B8D, s7;
	_ =	swait.eq @!p0 [sflag:s6], $0x1  }
0xb2: {  	s5 =	sor.u32 @!p0 s5, s7;
	[sflag:s6] =	ssyncadd.s32 @!p0 $0xFFFFFFFF  }
0xb3: {  	s25 =	simm.s32 $0x1B8E;
	s24 =	sld [smem:$0x3FFE];
	[sflag:s5] =	ssyncadd.remote.s32 @!p0 $0x1  }
0xb4: {  	s26 =	simm.s32 $execute0_lowered;
	[smem:$0x3FD2] =	sst s25  }
0xb5: {  	s6 =	sshll.u32 s26, $0x1;
	_ =	strace $0x80000049;
	[dreg:$0x1] =	wrdreg $0xFFFFFFFF  }
0xb6: {  	s28 =	simm.s32 $_size_execute0_lowered;
	s4 =	sadd.s32 s4, s6;
	[dreg:$0x0] =	wrdreg $0x0  }
0xb7: {  	s6 =	sshll.u32 s28, $0x1;
	[dreg:$0x2] =	wrdreg s4  }
0xb8: {  	[dreg:$0x3] =	wrdreg s6  }
0xb9: {  	[dreg:$0x4] =	wrdreg $0xC0  }
0xba: {  	_ =	task [dreg:s22], $0x5FFFF  }
0xbb: {  	[dreg:$0x1] =	wrdreg $0xFFFFFFFF  }
0xbc: {  	[dreg:$0x0] =	wrdreg $0x60  }
0xbd: {  	[dreg:$0x2] =	wrdreg s18  }
0xbe: {  	[dreg:$0x3] =	wrdreg s24  }
0xbf: {  	[dreg:$0x4] =	wrdreg $0xA  }
0xc0: {  	_ =	task.clear_ibuf [dreg:s22], $0x5FFFF;
	_ =	strace $0x90000049  }
0xc1: {  	s29 =	simm.s32 $0xA;
	_ =	strace $0x8000004B  }
0xc2: {  	_ =	swait.ge [sflag:s29], $0x1  }
0xc3: {  	[sflag:s29] =	ssyncadd.s32 $0xFFFFFFFF  }
0xc4: {  	_ =	strace $0x9000004B  }
0xc5: {  	_ =	sfence  }
0xc6: {  	s30 =	sld [smem:$0x0];
	_ =	sdelay $0x2  }
0xc7: {  	s31 =	sshll.u32 s1, $0xD;
	s1 =	sshrl.u32 s1, $0x2  }
0xc8: {  	s4 =	sand.u32 $0x4000, s31;
	s1 =	sadd.s32 s1, s30  }
0xc9: {  	s0 =	sor.u32 s4, s0;
	s1 =	sshll.u32 s1, $0x11  }
0xca: {  	s0 =	sor.u32 s1, s0  }
0xcb: {  	s0 =	sadd.s32 $0x8F2B, s0  }
0xcc: {  	[sflag:s0] =	ssyncadd.remote.s32 $0x1  }
0xcd: {  	_ =	sfence.sel $0xFFFF  }
0xce: {  	[dreg:$0x0] =	wrdreg $0xFFFFFFFF;
	(pc) =	sbr.abs _section_cstart, $3  }
0xcf: {  	[dreg:$0x1] =	wrdreg $0xFFFFFFFF  }
0xd0: {  	_ =	task.clear_ibuf [dreg:s22], $0x2FFFF;
	_ =	strace $0x9FFFFFFF  }
0xd1: {  	(tm) =	ssettm $0x7FFFFFFF  }
tec
execute0_lowered:
.L_overlay_start_1:
0x0: {  	(tag) =	ssettag $0x1  }
0x1: {  	s0 =	srdreg.scid;
	s2 =	rddreg [dreg:$0x0]  }
0x2: {  	s3 =	stileid.u32;
	s1 =	rddreg [dreg:$0x1]  }
0x3: {  	s10 =	simm.s32 $0x3;
	s13 =	simm.s32 $0xC00;
	s30 =	simm.s32 $0x1400  }
0x4: {  	s15 =	simm.s32 $0x1C00;
	s16 =	simm.s32 $0x2400;
	s17 =	simm.s32 $0x2C00  }
0x5: {  	s18 =	simm.s32 $0x3400;
	s19 =	simm.s32 $0x3C00;
	s20 =	simm.s32 $0x4400  }
0x6: {  	s21 =	simm.s32 $0x4C00;
	s22 =	simm.s32 $0x5400;
	s23 =	simm.s32 $0x5C00  }
0x7: {  	s28 =	simm.s32 $0x7C00;
	s29 =	simm.s32 $0x8400;
	s11 =	simm.s32 $0xA400  }
0x8: {  	s31 =	simm.s32 $0xAC00;
	s14 =	simm.s32 $0xC400;
	s9 =	simm.s32 $0x2  }
0x9: {  	s0 =	sand.u32 $0x1, s0;
	s4 =	sshll.u32 s3, $0xB;
	s3 =	simm.s32 $0x0  }
0xa: {  	s12 =	simm.s32 $0x0;
	s5 =	sshll.u32 s0, $0xA;
	[smem:$0x7FF] =	sst s3  }
0xb: {  	s0 =	ssub.s32 $0x2, s0;
	s4 =	sor.u32 s5, s4;
	_ =	strace $0x8000004A  }
0xc: {  	s24 =	sshrl.u32 s0, $0x1;
	s5 =	sadd.s32 $0x100, s2;
	[dreg:$0x8] =	wrdreg s12  }
0xd: {  	s4 =	sshrl.u32 s4, $0x3;
	s0 =	ssub.s32 s0, s24;
	s24 =	simm.s32 $0x6400  }
0xe: {  	s6 =	smul.u32 $0x1800, s4;
	s7 =	sadd.s32 s4, s1;
	s0 =	smax.u32 s0, $0x1  }
0xf: {  	s1 =	sadd.s32 $0x304A00, s1;
	s25 =	sadd.s32 $0x301A00, s7;
	[dreg:$0x7] =	wrdreg s0  }
0x10: {  	s4 =	smul.u32 $0x300, s4;
	s0 =	simm.s32 $0x9400;
	[dreg:$0x4] =	wrdreg s25  }
0x11: {  	s26 =	sshrl.u32 s6, $0x3;
	s6 =	sadd.s32 $0x200, s2;
	s25 =	simm.s32 $0x6C00  }
0x12: {  	s7 =	sadd.s32 s1, s26;
	s1 =	sadd.s32 s4, s1;
	s26 =	simm.s32 $0x7400  }
0x13: {  	v2 =	vlaneseq.u32;
	s4 =	simm.s32 $0x9C00;
	s8 =	sadd.s32 $0x15000, s7;
	[dreg:$0x3] =	wrdreg s1  }
0x14: {  	vm0 =	vmmov $0xffff;
	v1 =	vshrl.u32 v2, $0x3;
	s7 =	sadd.s32 $0x16800, s7;
	s1 =	simm.s32 $0x8C00;
	[dreg:$0x5] =	wrdreg s8  }
0x15: {  	v0 =	vand.u32 $0x7, v2;
	v2 =	vor.u32 $0x8, v2;
	v1 =	vmul.u32 $0x8, v1;
	[dreg:$0x6] =	wrdreg s7;
	s8 =	simm.s32 $0x400;
	s7 =	simm.s32 $0x1  }
.LBB2_1:
0x16: {  	s12 =	rddreg [dreg:$0x4]  }
0x17: {  	[tilespmem:s3], [sflag:$0x3] =	stream.linear.gather [hbm4b:s12+s3], $0x400, $0x38;
	[tilespmem:$0x18400] =	vst v63  }
0x18: {  	_ =	swait.ge [sflag:s10], $0x400  }
0x19: {  	[sflag:s10] =	ssyncset.done $0x0  }
0x1a: {  	[sflag:s10] =	ssyncadd.s32 $0xFFFFFC00  }
0x1b: {  	v3 =	vld [tilespmem:$0x0];
	_ =	sdelay $0x4  }
0x1c: {  	v4 =	vshrl.u32 v3, $0x3  }
0x1d: {  	v4 =	vmul.u32 $0x30, v4  }
0x1e: {  	v3 =	vand.u32 $0x7, v3  }
0x1f: {  	v3 =	vor.u32 v3, v4  }
0x20: {  	v4 =	vperm.xlane v3, v0;
	_ =	sdelay $0x1  }
0x21: {  	v4 =	vadd.s32 v1, v4;
	_ =	sdelay $0x3  }
0x22: {  	v3 =	vperm.xlane v3, v2  }
0x23: {  	[tilespmem:s8], [sflag:$0x1] =	stream.indirect_vreg.gather [hbm4b:s2+s3], $0x80, v4, vm0, $0xb8;
	[tilespmem:$0x18400] =	vst v63  }
0x24: {  	v3 =	vadd.s32 v1, v3  }
0x25: {  	[tilespmem:s13], [sflag:$0x1] =	stream.indirect_vreg.gather [hbm4b:s5+s3], $0x80, v4, vm0, $0xb8;
	[tilespmem:$0x18400] =	vst v63  }
0x26: {  	_ = 	snop  }
0x27: {  	[tilespmem:s30], [sflag:$0x1] =	stream.indirect_vreg.gather [hbm4b:s6+s3], $0x80, v4, vm0, $0xb8;
	[tilespmem:$0x18400] =	vst v63  }
0x28: {  	_ = 	snop  }
0x29: {  	[tilespmem:s15], [sflag:$0x1] =	stream.indirect_vreg.gather [hbm4b:s2+s3], $0x80, v3, vm0, $0xb8;
	[tilespmem:$0x18400] =	vst v63  }
0x2a: {  	_ = 	snop  }
0x2b: {  	[tilespmem:s16], [sflag:$0x1] =	stream.indirect_vreg.gather [hbm4b:s5+s3], $0x80, v3, vm0, $0xb8;
	[tilespmem:$0x18400] =	vst v63  }
0x2c: {  	_ = 	snop  }
0x2d: {  	[tilespmem:s17], [sflag:$0x1] =	stream.indirect_vreg.gather [hbm4b:s6+s3], $0x80, v3, vm0, $0xb8;
	[tilespmem:$0x18400] =	vst v63  }
0x2e: {  	v3 =	vld [tilespmem:$0x10];
	_ =	sdelay $0x4  }
0x2f: {  	v57 =	vshrl.u32 v3, $0x3  }
0x30: {  	v4 =	vmul.u32 $0x30, v57  }
0x31: {  	v3 =	vand.u32 $0x7, v3  }
0x32: {  	v3 =	vor.u32 v3, v4  }
0x33: {  	v4 =	vperm.xlane v3, v0;
	_ =	sdelay $0x1  }
0x34: {  	v4 =	vadd.s32 v1, v4;
	_ =	sdelay $0x3  }
0x35: {  	v3 =	vperm.xlane v3, v2  }
0x36: {  	[tilespmem:s18], [sflag:$0x1] =	stream.indirect_vreg.gather [hbm4b:s2+s3], $0x80, v4, vm0, $0xb8;
	[tilespmem:$0x18400] =	vst v63  }
0x37: {  	v3 =	vadd.s32 v1, v3  }
0x38: {  	[tilespmem:s19], [sflag:$0x1] =	stream.indirect_vreg.gather [hbm4b:s5+s3], $0x80, v4, vm0, $0xb8;
	[tilespmem:$0x18400] =	vst v63  }
0x39: {  	_ = 	snop  }
0x3a: {  	[tilespmem:s20], [sflag:$0x1] =	stream.indirect_vreg.gather [hbm4b:s6+s3], $0x80, v4, vm0, $0xb8;
	[tilespmem:$0x18400] =	vst v63  }
0x3b: {  	_ = 	snop  }
0x3c: {  	[tilespmem:s21], [sflag:$0x1] =	stream.indirect_vreg.gather [hbm4b:s2+s3], $0x80, v3, vm0, $0xb8;
	[tilespmem:$0x18400] =	vst v63  }
0x3d: {  	_ = 	snop  }
0x3e: {  	[tilespmem:s22], [sflag:$0x1] =	stream.indirect_vreg.gather [hbm4b:s5+s3], $0x80, v3, vm0, $0xb8;
	[tilespmem:$0x18400] =	vst v63  }
0x3f: {  	_ = 	snop  }
0x40: {  	[tilespmem:s23], [sflag:$0x1] =	stream.indirect_vreg.gather [hbm4b:s6+s3], $0x80, v3, vm0, $0xb8;
	[tilespmem:$0x18400] =	vst v63  }
0x41: {  	v3 =	vld [tilespmem:$0x20];
	_ =	sdelay $0x4  }
0x42: {  	v58 =	vshrl.u32 v3, $0x3  }
0x43: {  	v4 =	vmul.u32 $0x30, v58  }
0x44: {  	v3 =	vand.u32 $0x7, v3  }
0x45: {  	v3 =	vor.u32 v3, v4  }
0x46: {  	v4 =	vperm.xlane v3, v0;
	_ =	sdelay $0x1  }
0x47: {  	v4 =	vadd.s32 v1, v4;
	_ =	sdelay $0x3  }
0x48: {  	v3 =	vperm.xlane v3, v2  }
0x49: {  	[tilespmem:s24], [sflag:$0x1] =	stream.indirect_vreg.gather [hbm4b:s2+s3], $0x80, v4, vm0, $0xb8;
	[tilespmem:$0x18400] =	vst v63  }
0x4a: {  	v3 =	vadd.s32 v1, v3  }
0x4b: {  	[tilespmem:s25], [sflag:$0x1] =	stream.indirect_vreg.gather [hbm4b:s5+s3], $0x80, v4, vm0, $0xb8;
	[tilespmem:$0x18400] =	vst v63  }
0x4c: {  	_ = 	snop  }
0x4d: {  	[tilespmem:s26], [sflag:$0x1] =	stream.indirect_vreg.gather [hbm4b:s6+s3], $0x80, v4, vm0, $0xb8;
	[tilespmem:$0x18400] =	vst v63  }
0x4e: {  	_ = 	snop  }
0x4f: {  	[tilespmem:s28], [sflag:$0x1] =	stream.indirect_vreg.gather [hbm4b:s2+s3], $0x80, v3, vm0, $0xb8;
	[tilespmem:$0x18400] =	vst v63  }
0x50: {  	_ = 	snop  }
0x51: {  	[tilespmem:s29], [sflag:$0x1] =	stream.indirect_vreg.gather [hbm4b:s5+s3], $0x80, v3, vm0, $0xb8;
	[tilespmem:$0x18400] =	vst v63  }
0x52: {  	_ = 	snop  }
0x53: {  	[tilespmem:s1], [sflag:$0x1] =	stream.indirect_vreg.gather [hbm4b:s6+s3], $0x80, v3, vm0, $0xb8;
	[tilespmem:$0x18400] =	vst v63  }
0x54: {  	v3 =	vld [tilespmem:$0x30];
	_ =	sdelay $0x4  }
0x55: {  	v59 =	vshrl.u32 v3, $0x3  }
0x56: {  	v4 =	vmul.u32 $0x30, v59  }
0x57: {  	v3 =	vand.u32 $0x7, v3  }
0x58: {  	v3 =	vor.u32 v3, v4  }
0x59: {  	v4 =	vperm.xlane v3, v0;
	_ =	sdelay $0x1  }
0x5a: {  	v4 =	vadd.s32 v1, v4;
	_ =	sdelay $0x3  }
0x5b: {  	v3 =	vperm.xlane v3, v2  }
0x5c: {  	[tilespmem:s0], [sflag:$0x1] =	stream.indirect_vreg.gather [hbm4b:s2+s3], $0x80, v4, vm0, $0xb8;
	[tilespmem:$0x18400] =	vst v63  }
0x5d: {  	v3 =	vadd.s32 v1, v3  }
0x5e: {  	[tilespmem:s4], [sflag:$0x1] =	stream.indirect_vreg.gather [hbm4b:s5+s3], $0x80, v4, vm0, $0xb8;
	[tilespmem:$0x18400] =	vst v63  }
0x5f: {  	_ = 	snop  }
0x60: {  	[tilespmem:s11], [sflag:$0x1] =	stream.indirect_vreg.gather [hbm4b:s6+s3], $0x80, v4, vm0, $0xb8;
	[tilespmem:$0x18400] =	vst v63  }
0x61: {  	_ = 	snop  }
0x62: {  	[tilespmem:s31], [sflag:$0x1] =	stream.indirect_vreg.gather [hbm4b:s2+s3], $0x80, v3, vm0, $0xb8;
	[tilespmem:$0x18400] =	vst v63  }
0x63: {  	s25 =	simm.s32 $0xB400  }
0x64: {  	[tilespmem:s25], [sflag:$0x1] =	stream.indirect_vreg.gather [hbm4b:s5+s3], $0x80, v3, vm0, $0xb8;
	[tilespmem:$0x18400] =	vst v63  }
0x65: {  	s26 =	simm.s32 $0xBC00  }
0x66: {  	[tilespmem:s26], [sflag:$0x1] =	stream.indirect_vreg.gather [hbm4b:s6+s3], $0x80, v3, vm0, $0xb8;
	[tilespmem:$0x18400] =	vst v63  }
0x67: {  	v3 =	vld [tilespmem:$0x40];
	_ =	sdelay $0x4  }
0x68: {  	v60 =	vshrl.u32 v3, $0x3  }
0x69: {  	v4 =	vmul.u32 $0x30, v60  }
0x6a: {  	v3 =	vand.u32 $0x7, v3  }
0x6b: {  	v3 =	vor.u32 v3, v4  }
0x6c: {  	v4 =	vperm.xlane v3, v0;
	_ =	sdelay $0x1  }
0x6d: {  	v4 =	vadd.s32 v1, v4;
	_ =	sdelay $0x3  }
0x6e: {  	v3 =	vperm.xlane v3, v2  }
0x6f: {  	[tilespmem:s14], [sflag:$0x2] =	stream.indirect_vreg.gather [hbm4b:s2+s3], $0x80, v4, vm0, $0xb8;
	[tilespmem:$0x18400] =	vst v63  }
0x70: {  	s1 =	simm.s32 $0xCC00;
	v3 =	vadd.s32 v1, v3  }
0x71: {  	[tilespmem:s1], [sflag:$0x2] =	stream.indirect_vreg.gather [hbm4b:s5+s3], $0x80, v4, vm0, $0xb8;
	[tilespmem:$0x18400] =	vst v63  }
0x72: {  	s4 =	simm.s32 $0xD400  }
0x73: {  	[tilespmem:s4], [sflag:$0x2] =	stream.indirect_vreg.gather [hbm4b:s6+s3], $0x80, v4, vm0, $0xb8;
	[tilespmem:$0x18400] =	vst v63  }
0x74: {  	s8 =	simm.s32 $0xDC00  }
0x75: {  	[tilespmem:s8], [sflag:$0x2] =	stream.indirect_vreg.gather [hbm4b:s2+s3], $0x80, v3, vm0, $0xb8;
	[tilespmem:$0x18400] =	vst v63  }
0x76: {  	s11 =	simm.s32 $0xE400  }
0x77: {  	[tilespmem:s11], [sflag:$0x2] =	stream.indirect_vreg.gather [hbm4b:s5+s3], $0x80, v3, vm0, $0xb8;
	[tilespmem:$0x18400] =	vst v63  }
0x78: {  	s12 =	simm.s32 $0xEC00  }
0x79: {  	[tilespmem:s12], [sflag:$0x2] =	stream.indirect_vreg.gather [hbm4b:s6+s3], $0x80, v3, vm0, $0xb8;
	[tilespmem:$0x18400] =	vst v63  }
0x7a: {  	v3 =	vld [tilespmem:$0x50];
	_ =	sdelay $0x4  }
0x7b: {  	v61 =	vshrl.u32 v3, $0x3  }
0x7c: {  	v4 =	vmul.u32 $0x30, v61  }
0x7d: {  	v3 =	vand.u32 $0x7, v3  }
0x7e: {  	v3 =	vor.u32 v3, v4  }
0x7f: {  	v4 =	vperm.xlane v3, v0;
	_ =	sdelay $0x1  }
0x80: {  	v4 =	vadd.s32 v1, v4;
	_ =	sdelay $0x3  }
0x81: {  	s13 =	simm.s32 $0xF400;
	v3 =	vperm.xlane v3, v2  }
0x82: {  	[tilespmem:s13], [sflag:$0x2] =	stream.indirect_vreg.gather [hbm4b:s2+s3], $0x80, v4, vm0, $0xb8;
	[tilespmem:$0x18400] =	vst v63  }
0x83: {  	s14 =	simm.s32 $0xFC00;
	v3 =	vadd.s32 v1, v3  }
0x84: {  	[tilespmem:s14], [sflag:$0x2] =	stream.indirect_vreg.gather [hbm4b:s5+s3], $0x80, v4, vm0, $0xb8;
	[tilespmem:$0x18400] =	vst v63  }
0x85: {  	s15 =	simm.s32 $0x10400  }
0x86: {  	[tilespmem:s15], [sflag:$0x2] =	stream.indirect_vreg.gather [hbm4b:s6+s3], $0x80, v4, vm0, $0xb8;
	[tilespmem:$0x18400] =	vst v63  }
0x87: {  	s16 =	simm.s32 $0x10C00  }
0x88: {  	[tilespmem:s16], [sflag:$0x2] =	stream.indirect_vreg.gather [hbm4b:s2+s3], $0x80, v3, vm0, $0xb8;
	[tilespmem:$0x18400] =	vst v63  }
0x89: {  	s17 =	simm.s32 $0x11400  }
0x8a: {  	[tilespmem:s17], [sflag:$0x2] =	stream.indirect_vreg.gather [hbm4b:s5+s3], $0x80, v3, vm0, $0xb8;
	[tilespmem:$0x18400] =	vst v63  }
0x8b: {  	s18 =	simm.s32 $0x11C00  }
0x8c: {  	[tilespmem:s18], [sflag:$0x2] =	stream.indirect_vreg.gather [hbm4b:s6+s3], $0x80, v3, vm0, $0xb8;
	[tilespmem:$0x18400] =	vst v63  }
0x8d: {  	v3 =	vld [tilespmem:$0x60];
	_ =	sdelay $0x4  }
0x8e: {  	v62 =	vshrl.u32 v3, $0x3  }
0x8f: {  	v4 =	vmul.u32 $0x30, v62  }
0x90: {  	v3 =	vand.u32 $0x7, v3  }
0x91: {  	v3 =	vor.u32 v3, v4  }
0x92: {  	v4 =	vperm.xlane v3, v0;
	_ =	sdelay $0x1  }
0x93: {  	v4 =	vadd.s32 v1, v4;
	_ =	sdelay $0x3  }
0x94: {  	s19 =	simm.s32 $0x12400;
	v3 =	vperm.xlane v3, v2  }
0x95: {  	[tilespmem:s19], [sflag:$0x2] =	stream.indirect_vreg.gather [hbm4b:s2+s3], $0x80, v4, vm0, $0xb8;
	[tilespmem:$0x18400] =	vst v63  }
0x96: {  	s20 =	simm.s32 $0x12C00;
	v3 =	vadd.s32 v1, v3  }
0x97: {  	[tilespmem:s20], [sflag:$0x2] =	stream.indirect_vreg.gather [hbm4b:s5+s3], $0x80, v4, vm0, $0xb8;
	[tilespmem:$0x18400] =	vst v63  }
0x98: {  	s21 =	simm.s32 $0x13400  }
0x99: {  	[tilespmem:s21], [sflag:$0x2] =	stream.indirect_vreg.gather [hbm4b:s6+s3], $0x80, v4, vm0, $0xb8;
	[tilespmem:$0x18400] =	vst v63  }
0x9a: {  	s22 =	simm.s32 $0x13C00  }
0x9b: {  	[tilespmem:s22], [sflag:$0x2] =	stream.indirect_vreg.gather [hbm4b:s2+s3], $0x80, v3, vm0, $0xb8;
	[tilespmem:$0x18400] =	vst v63  }
0x9c: {  	s23 =	simm.s32 $0x14400  }
0x9d: {  	[tilespmem:s23], [sflag:$0x2] =	stream.indirect_vreg.gather [hbm4b:s5+s3], $0x80, v3, vm0, $0xb8;
	[tilespmem:$0x18400] =	vst v63  }
0x9e: {  	s24 =	simm.s32 $0x14C00  }
0x9f: {  	[tilespmem:s24], [sflag:$0x2] =	stream.indirect_vreg.gather [hbm4b:s6+s3], $0x80, v3, vm0, $0xb8;
	[tilespmem:$0x18400] =	vst v63  }
0xa0: {  	v3 =	vld [tilespmem:$0x70];
	_ =	sdelay $0x4  }
0xa1: {  	v63 =	vshrl.u32 v3, $0x3  }
0xa2: {  	v4 =	vmul.u32 $0x30, v63  }
0xa3: {  	v3 =	vand.u32 $0x7, v3  }
0xa4: {  	v3 =	vor.u32 v3, v4  }
0xa5: {  	v4 =	vperm.xlane v3, v0;
	_ =	sdelay $0x1  }
0xa6: {  	v4 =	vadd.s32 v1, v4;
	_ =	sdelay $0x1  }
0xa7: {  	s30 =	simm.s32 $0x16C00;
	s28 =	simm.s32 $0x6C00  }
0xa8: {  	s29 =	simm.s32 $0x7400;
	s0 =	simm.s32 $0x9400;
	s31 =	simm.s32 $0x8400  }
0xa9: {  	s25 =	simm.s32 $0x15400;
	s26 =	simm.s32 $0x15C00;
	s1 =	simm.s32 $0x17400;
	v3 =	vperm.xlane v3, v2  }
0xaa: {  	[tilespmem:s25], [sflag:$0x2] =	stream.indirect_vreg.gather [hbm4b:s2+s3], $0x80, v4, vm0, $0xb8;
	[tilespmem:$0x18400] =	vst v63  }
0xab: {  	s4 =	simm.s32 $0x9C00;
	s11 =	simm.s32 $0xA400;
	s12 =	simm.s32 $0xF0;
	v3 =	vadd.s32 v1, v3  }
0xac: {  	[tilespmem:s26], [sflag:$0x2] =	stream.indirect_vreg.gather [hbm4b:s5+s3], $0x80, v4, vm0, $0xb8;
	[tilespmem:$0x18400] =	vst v63  }
0xad: {  	s13 =	simm.s32 $0x0;
	s15 =	simm.s32 $0x17C00;
	s25 =	simm.s32 $0x16400  }
0xae: {  	[tilespmem:s25], [sflag:$0x2] =	stream.indirect_vreg.gather [hbm4b:s6+s3], $0x80, v4, vm0, $0xb8;
	[tilespmem:$0x18400] =	vst v63  }
0xaf: {  	s16 =	simm.s32 $0x1400;
	s18 =	simm.s32 $0x2400;
	s19 =	simm.s32 $0x2C00  }
0xb0: {  	[tilespmem:s30], [sflag:$0x2] =	stream.indirect_vreg.gather [hbm4b:s2+s3], $0x80, v3, vm0, $0xb8;
	[tilespmem:$0x18400] =	vst v63  }
0xb1: {  	s20 =	simm.s32 $0x3400;
	s21 =	simm.s32 $0xAC00;
	s22 =	simm.s32 $0x4400  }
0xb2: {  	[tilespmem:s1], [sflag:$0x2] =	stream.indirect_vreg.gather [hbm4b:s5+s3], $0x80, v3, vm0, $0xb8;
	[tilespmem:$0x18400] =	vst v63  }
0xb3: {  	s23 =	simm.s32 $0x4C00;
	s24 =	simm.s32 $0x5400;
	s26 =	simm.s32 $0x6400  }
0xb4: {  	[tilespmem:s15], [sflag:$0x2] =	stream.indirect_vreg.gather [hbm4b:s6+s3], $0x80, v3, vm0, $0xb8;
	[tilespmem:$0x18400] =	vst v63  }
.LBB2_2:
0xb5: {  	_ =	swait.ge [sflag:s7], $0xC000  }
0xb6: {  	s14 =	rddreg [dreg:$0x3];
	[sflag:s7] =	ssyncset.done $0x0  }
0xb7: {  	s17 =	simm.s32 $0x400;
	[sflag:s7] =	ssyncadd.s32 $0xFFFF4000;
	s14 =	sadd.s32 s13, s14  }
0xb8: {  	[hbm4b:s14+s3] =	stream.linear.scatter [tilespmem:s17], [sflag:$0x3], $0xC000, $0x38;
	[tilespmem:$0x18400] =	vst v63  }
0xb9: {  	_ =	swait.ge [sflag:s10], $0xC000  }
0xba: {  	[sflag:s10] =	ssyncset.done $0x0  }
0xbb: {  	[sflag:s10] =	ssyncadd.s32 $0xFFFF4000  }
0xbc: {  	v3 =	vld [tilespmem:s12+$0xFFFFFF90];
	_ =	sdelay $0x4  }
0xbd: {  	v4 =	vshrl.u32 v3, $0x3  }
0xbe: {  	v4 =	vmul.u32 $0x30, v4  }
0xbf: {  	v3 =	vand.u32 $0x7, v3  }
0xc0: {  	v3 =	vor.u32 v3, v4  }
0xc1: {  	v4 =	vperm.xlane v3, v0;
	_ =	sdelay $0x1  }
0xc2: {  	v4 =	vadd.s32 v1, v4;
	_ =	sdelay $0x3  }
0xc3: {  	v3 =	vperm.xlane v3, v2  }
0xc4: {  	[tilespmem:s17], [sflag:$0x1] =	stream.indirect_vreg.gather [hbm4b:s2+s3], $0x80, v4, vm0, $0xb8;
	[tilespmem:$0x18400] =	vst v63  }
0xc5: {  	v3 =	vadd.s32 v1, v3;
	s17 =	simm.s32 $0xC00  }
0xc6: {  	[tilespmem:s17], [sflag:$0x1] =	stream.indirect_vreg.gather [hbm4b:s5+s3], $0x80, v4, vm0, $0xb8;
	[tilespmem:$0x18400] =	vst v63  }
0xc7: {  	_ = 	snop  }
0xc8: {  	[tilespmem:s16], [sflag:$0x1] =	stream.indirect_vreg.gather [hbm4b:s6+s3], $0x80, v4, vm0, $0xb8;
	[tilespmem:$0x18400] =	vst v63  }
0xc9: {  	s17 =	simm.s32 $0x1C00  }
0xca: {  	[tilespmem:s17], [sflag:$0x1] =	stream.indirect_vreg.gather [hbm4b:s2+s3], $0x80, v3, vm0, $0xb8;
	[tilespmem:$0x18400] =	vst v63  }
0xcb: {  	_ = 	snop  }
0xcc: {  	[tilespmem:s18], [sflag:$0x1] =	stream.indirect_vreg.gather [hbm4b:s5+s3], $0x80, v3, vm0, $0xb8;
	[tilespmem:$0x18400] =	vst v63  }
0xcd: {  	_ = 	snop  }
0xce: {  	[tilespmem:s19], [sflag:$0x1] =	stream.indirect_vreg.gather [hbm4b:s6+s3], $0x80, v3, vm0, $0xb8;
	[tilespmem:$0x18400] =	vst v63  }
0xcf: {  	v3 =	vld [tilespmem:s12+$0xFFFFFFA0];
	_ =	sdelay $0x4  }
0xd0: {  	v57 =	vshrl.u32 v3, $0x3  }
0xd1: {  	v4 =	vmul.u32 $0x30, v57  }
0xd2: {  	v3 =	vand.u32 $0x7, v3  }
0xd3: {  	v3 =	vor.u32 v3, v4  }
0xd4: {  	v4 =	vperm.xlane v3, v0;
	_ =	sdelay $0x1  }
0xd5: {  	v4 =	vadd.s32 v1, v4;
	_ =	sdelay $0x3  }
0xd6: {  	v3 =	vperm.xlane v3, v2  }
0xd7: {  	[tilespmem:s20], [sflag:$0x1] =	stream.indirect_vreg.gather [hbm4b:s2+s3], $0x80, v4, vm0, $0xb8;
	[tilespmem:$0x18400] =	vst v63  }
0xd8: {  	s17 =	simm.s32 $0x3C00;
	v3 =	vadd.s32 v1, v3  }
0xd9: {  	[tilespmem:s17], [sflag:$0x1] =	stream.indirect_vreg.gather [hbm4b:s5+s3], $0x80, v4, vm0, $0xb8;
	[tilespmem:$0x18400] =	vst v63  }
0xda: {  	_ = 	snop  }
0xdb: {  	[tilespmem:s22], [sflag:$0x1] =	stream.indirect_vreg.gather [hbm4b:s6+s3], $0x80, v4, vm0, $0xb8;
	[tilespmem:$0x18400] =	vst v63  }
0xdc: {  	_ = 	snop  }
0xdd: {  	[tilespmem:s23], [sflag:$0x1] =	stream.indirect_vreg.gather [hbm4b:s2+s3], $0x80, v3, vm0, $0xb8;
	[tilespmem:$0x18400] =	vst v63  }
0xde: {  	_ = 	snop  }
0xdf: {  	[tilespmem:s24], [sflag:$0x1] =	stream.indirect_vreg.gather [hbm4b:s5+s3], $0x80, v3, vm0, $0xb8;
	[tilespmem:$0x18400] =	vst v63  }
0xe0: {  	s17 =	simm.s32 $0x5C00  }
0xe1: {  	[tilespmem:s17], [sflag:$0x1] =	stream.indirect_vreg.gather [hbm4b:s6+s3], $0x80, v3, vm0, $0xb8;
	[tilespmem:$0x18400] =	vst v63  }
0xe2: {  	v3 =	vld [tilespmem:s12+$0xFFFFFFB0];
	_ =	sdelay $0x4  }
0xe3: {  	v58 =	vshrl.u32 v3, $0x3  }
0xe4: {  	v4 =	vmul.u32 $0x30, v58  }
0xe5: {  	v3 =	vand.u32 $0x7, v3  }
0xe6: {  	v3 =	vor.u32 v3, v4  }
0xe7: {  	v4 =	vperm.xlane v3, v0;
	_ =	sdelay $0x1  }
0xe8: {  	v4 =	vadd.s32 v1, v4;
	_ =	sdelay $0x3  }
0xe9: {  	v3 =	vperm.xlane v3, v2  }
0xea: {  	[tilespmem:s26], [sflag:$0x1] =	stream.indirect_vreg.gather [hbm4b:s2+s3], $0x80, v4, vm0, $0xb8;
	[tilespmem:$0x18400] =	vst v63  }
0xeb: {  	v3 =	vadd.s32 v1, v3  }
0xec: {  	[tilespmem:s28], [sflag:$0x1] =	stream.indirect_vreg.gather [hbm4b:s5+s3], $0x80, v4, vm0, $0xb8;
	[tilespmem:$0x18400] =	vst v63  }
0xed: {  	_ = 	snop  }
0xee: {  	[tilespmem:s29], [sflag:$0x1] =	stream.indirect_vreg.gather [hbm4b:s6+s3], $0x80, v4, vm0, $0xb8;
	[tilespmem:$0x18400] =	vst v63  }
0xef: {  	s17 =	simm.s32 $0x7C00  }
0xf0: {  	[tilespmem:s17], [sflag:$0x1] =	stream.indirect_vreg.gather [hbm4b:s2+s3], $0x80, v3, vm0, $0xb8;
	[tilespmem:$0x18400] =	vst v63  }
0xf1: {  	_ = 	snop  }
0xf2: {  	[tilespmem:s31], [sflag:$0x1] =	stream.indirect_vreg.gather [hbm4b:s5+s3], $0x80, v3, vm0, $0xb8;
	[tilespmem:$0x18400] =	vst v63  }
0xf3: {  	s17 =	simm.s32 $0x8C00  }
0xf4: {  	[tilespmem:s17], [sflag:$0x1] =	stream.indirect_vreg.gather [hbm4b:s6+s3], $0x80, v3, vm0, $0xb8;
	[tilespmem:$0x18400] =	vst v63  }
0xf5: {  	v3 =	vld [tilespmem:s12+$0xFFFFFFC0];
	_ =	sdelay $0x4  }
0xf6: {  	v59 =	vshrl.u32 v3, $0x3  }
0xf7: {  	v4 =	vmul.u32 $0x30, v59  }
0xf8: {  	v3 =	vand.u32 $0x7, v3  }
0xf9: {  	v3 =	vor.u32 v3, v4  }
0xfa: {  	v4 =	vperm.xlane v3, v0;
	_ =	sdelay $0x1  }
0xfb: {  	v4 =	vadd.s32 v1, v4;
	_ =	sdelay $0x3  }
0xfc: {  	v3 =	vperm.xlane v3, v2  }
0xfd: {  	[tilespmem:s0], [sflag:$0x1] =	stream.indirect_vreg.gather [hbm4b:s2+s3], $0x80, v4, vm0, $0xb8;
	[tilespmem:$0x18400] =	vst v63  }
0xfe: {  	v3 =	vadd.s32 v1, v3  }
0xff: {  	[tilespmem:s4], [sflag:$0x1] =	stream.indirect_vreg.gather [hbm4b:s5+s3], $0x80, v4, vm0, $0xb8;
	[tilespmem:$0x18400] =	vst v63  }
0x100: {  	_ = 	snop  }
0x101: {  	[tilespmem:s11], [sflag:$0x1] =	stream.indirect_vreg.gather [hbm4b:s6+s3], $0x80, v4, vm0, $0xb8;
	[tilespmem:$0x18400] =	vst v63  }
0x102: {  	_ = 	snop  }
0x103: {  	[tilespmem:s21], [sflag:$0x1] =	stream.indirect_vreg.gather [hbm4b:s2+s3], $0x80, v3, vm0, $0xb8;
	[tilespmem:$0x18400] =	vst v63  }
0x104: {  	s17 =	simm.s32 $0xB400  }
0x105: {  	[tilespmem:s17], [sflag:$0x1] =	stream.indirect_vreg.gather [hbm4b:s5+s3], $0x80, v3, vm0, $0xb8;
	[tilespmem:$0x18400] =	vst v63  }
0x106: {  	s17 =	simm.s32 $0xBC00  }
0x107: {  	[tilespmem:s17], [sflag:$0x1] =	stream.indirect_vreg.gather [hbm4b:s6+s3], $0x80, v3, vm0, $0xb8;
	[tilespmem:$0x18400] =	vst v63  }
0x108: {  	_ =	swait.ge [sflag:s9], $0xC000  }
0x109: {  	[sflag:s9] =	ssyncset.done $0x0  }
0x10a: {  	s14 =	sadd.s32 $0x1800, s14;
	s17 =	simm.s32 $0xC400;
	[sflag:s9] =	ssyncadd.s32 $0xFFFF4000  }
0x10b: {  	[hbm4b:s14+s3] =	stream.linear.scatter [tilespmem:s17], [sflag:$0x3], $0xC000, $0x38;
	[tilespmem:$0x18400] =	vst v63  }
0x10c: {  	_ =	swait.ge [sflag:s10], $0xC000  }
0x10d: {  	[sflag:s10] =	ssyncset.done $0x0  }
0x10e: {  	[sflag:s10] =	ssyncadd.s32 $0xFFFF4000  }
0x10f: {  	v3 =	vld [tilespmem:s12+$0xFFFFFFD0];
	_ =	sdelay $0x4  }
0x110: {  	v60 =	vshrl.u32 v3, $0x3  }
0x111: {  	v4 =	vmul.u32 $0x30, v60  }
0x112: {  	v3 =	vand.u32 $0x7, v3  }
0x113: {  	v3 =	vor.u32 v3, v4  }
0x114: {  	v4 =	vperm.xlane v3, v0;
	_ =	sdelay $0x1  }
0x115: {  	v4 =	vadd.s32 v1, v4;
	_ =	sdelay $0x3  }
0x116: {  	v3 =	vperm.xlane v3, v2  }
0x117: {  	[tilespmem:s17], [sflag:$0x2] =	stream.indirect_vreg.gather [hbm4b:s2+s3], $0x80, v4, vm0, $0xb8;
	[tilespmem:$0x18400] =	vst v63  }
0x118: {  	v3 =	vadd.s32 v1, v3;
	s17 =	simm.s32 $0xCC00  }
0x119: {  	[tilespmem:s17], [sflag:$0x2] =	stream.indirect_vreg.gather [hbm4b:s5+s3], $0x80, v4, vm0, $0xb8;
	[tilespmem:$0x18400] =	vst v63  }
0x11a: {  	s17 =	simm.s32 $0xD400  }
0x11b: {  	[tilespmem:s17], [sflag:$0x2] =	stream.indirect_vreg.gather [hbm4b:s6+s3], $0x80, v4, vm0, $0xb8;
	[tilespmem:$0x18400] =	vst v63  }
0x11c: {  	s17 =	simm.s32 $0xDC00  }
0x11d: {  	[tilespmem:s17], [sflag:$0x2] =	stream.indirect_vreg.gather [hbm4b:s2+s3], $0x80, v3, vm0, $0xb8;
	[tilespmem:$0x18400] =	vst v63  }
0x11e: {  	s17 =	simm.s32 $0xE400  }
0x11f: {  	[tilespmem:s17], [sflag:$0x2] =	stream.indirect_vreg.gather [hbm4b:s5+s3], $0x80, v3, vm0, $0xb8;
	[tilespmem:$0x18400] =	vst v63  }
0x120: {  	s17 =	simm.s32 $0xEC00  }
0x121: {  	[tilespmem:s17], [sflag:$0x2] =	stream.indirect_vreg.gather [hbm4b:s6+s3], $0x80, v3, vm0, $0xb8;
	[tilespmem:$0x18400] =	vst v63  }
0x122: {  	v3 =	vld [tilespmem:s12+$0xFFFFFFE0];
	_ =	sdelay $0x4  }
0x123: {  	v61 =	vshrl.u32 v3, $0x3  }
0x124: {  	v4 =	vmul.u32 $0x30, v61  }
0x125: {  	v3 =	vand.u32 $0x7, v3  }
0x126: {  	v3 =	vor.u32 v3, v4  }
0x127: {  	v4 =	vperm.xlane v3, v0;
	_ =	sdelay $0x1  }
0x128: {  	v4 =	vadd.s32 v1, v4;
	_ =	sdelay $0x3  }
0x129: {  	s17 =	simm.s32 $0xF400;
	v3 =	vperm.xlane v3, v2  }
0x12a: {  	[tilespmem:s17], [sflag:$0x2] =	stream.indirect_vreg.gather [hbm4b:s2+s3], $0x80, v4, vm0, $0xb8;
	[tilespmem:$0x18400] =	vst v63  }
0x12b: {  	v3 =	vadd.s32 v1, v3;
	s17 =	simm.s32 $0xFC00  }
0x12c: {  	[tilespmem:s17], [sflag:$0x2] =	stream.indirect_vreg.gather [hbm4b:s5+s3], $0x80, v4, vm0, $0xb8;
	[tilespmem:$0x18400] =	vst v63  }
0x12d: {  	s17 =	simm.s32 $0x10400  }
0x12e: {  	[tilespmem:s17], [sflag:$0x2] =	stream.indirect_vreg.gather [hbm4b:s6+s3], $0x80, v4, vm0, $0xb8;
	[tilespmem:$0x18400] =	vst v63  }
0x12f: {  	s17 =	simm.s32 $0x10C00  }
0x130: {  	[tilespmem:s17], [sflag:$0x2] =	stream.indirect_vreg.gather [hbm4b:s2+s3], $0x80, v3, vm0, $0xb8;
	[tilespmem:$0x18400] =	vst v63  }
0x131: {  	s17 =	simm.s32 $0x11400  }
0x132: {  	[tilespmem:s17], [sflag:$0x2] =	stream.indirect_vreg.gather [hbm4b:s5+s3], $0x80, v3, vm0, $0xb8;
	[tilespmem:$0x18400] =	vst v63  }
0x133: {  	s17 =	simm.s32 $0x11C00  }
0x134: {  	[tilespmem:s17], [sflag:$0x2] =	stream.indirect_vreg.gather [hbm4b:s6+s3], $0x80, v3, vm0, $0xb8;
	[tilespmem:$0x18400] =	vst v63  }
0x135: {  	v3 =	vld [tilespmem:s12+$0xFFFFFFF0];
	_ =	sdelay $0x4  }
0x136: {  	v62 =	vshrl.u32 v3, $0x3  }
0x137: {  	v4 =	vmul.u32 $0x30, v62  }
0x138: {  	v3 =	vand.u32 $0x7, v3  }
0x139: {  	v3 =	vor.u32 v3, v4  }
0x13a: {  	v4 =	vperm.xlane v3, v0;
	_ =	sdelay $0x1  }
0x13b: {  	v4 =	vadd.s32 v1, v4;
	_ =	sdelay $0x3  }
0x13c: {  	s17 =	simm.s32 $0x12400;
	v3 =	vperm.xlane v3, v2  }
0x13d: {  	[tilespmem:s17], [sflag:$0x2] =	stream.indirect_vreg.gather [hbm4b:s2+s3], $0x80, v4, vm0, $0xb8;
	[tilespmem:$0x18400] =	vst v63  }
0x13e: {  	v3 =	vadd.s32 v1, v3;
	s17 =	simm.s32 $0x12C00  }
0x13f: {  	[tilespmem:s17], [sflag:$0x2] =	stream.indirect_vreg.gather [hbm4b:s5+s3], $0x80, v4, vm0, $0xb8;
	[tilespmem:$0x18400] =	vst v63  }
0x140: {  	s17 =	simm.s32 $0x13400  }
0x141: {  	[tilespmem:s17], [sflag:$0x2] =	stream.indirect_vreg.gather [hbm4b:s6+s3], $0x80, v4, vm0, $0xb8;
	[tilespmem:$0x18400] =	vst v63  }
0x142: {  	s17 =	simm.s32 $0x13C00  }
0x143: {  	[tilespmem:s17], [sflag:$0x2] =	stream.indirect_vreg.gather [hbm4b:s2+s3], $0x80, v3, vm0, $0xb8;
	[tilespmem:$0x18400] =	vst v63  }
0x144: {  	s17 =	simm.s32 $0x14400  }
0x145: {  	[tilespmem:s17], [sflag:$0x2] =	stream.indirect_vreg.gather [hbm4b:s5+s3], $0x80, v3, vm0, $0xb8;
	[tilespmem:$0x18400] =	vst v63  }
0x146: {  	s17 =	simm.s32 $0x14C00  }
0x147: {  	[tilespmem:s17], [sflag:$0x2] =	stream.indirect_vreg.gather [hbm4b:s6+s3], $0x80, v3, vm0, $0xb8;
	[tilespmem:$0x18400] =	vst v63  }
0x148: {  	v3 =	vld [tilespmem:s12+$0x0];
	_ =	sdelay $0x4  }
0x149: {  	v63 =	vshrl.u32 v3, $0x3  }
0x14a: {  	v4 =	vmul.u32 $0x30, v63  }
0x14b: {  	v3 =	vand.u32 $0x7, v3  }
0x14c: {  	v3 =	vor.u32 v3, v4  }
0x14d: {  	v4 =	vperm.xlane v3, v0;
	_ =	sdelay $0x1  }
0x14e: {  	v4 =	vadd.s32 v1, v4;
	_ =	sdelay $0x3  }
0x14f: {  	s17 =	simm.s32 $0x15400;
	v3 =	vperm.xlane v3, v2  }
0x150: {  	[tilespmem:s17], [sflag:$0x2] =	stream.indirect_vreg.gather [hbm4b:s2+s3], $0x80, v4, vm0, $0xb8;
	[tilespmem:$0x18400] =	vst v63  }
0x151: {  	v3 =	vadd.s32 v1, v3;
	s17 =	simm.s32 $0x15C00  }
0x152: {  	[tilespmem:s17], [sflag:$0x2] =	stream.indirect_vreg.gather [hbm4b:s5+s3], $0x80, v4, vm0, $0xb8;
	[tilespmem:$0x18400] =	vst v63  }
0x153: {  	_ = 	snop  }
0x154: {  	[tilespmem:s25], [sflag:$0x2] =	stream.indirect_vreg.gather [hbm4b:s6+s3], $0x80, v4, vm0, $0xb8;
	[tilespmem:$0x18400] =	vst v63  }
0x155: {  	p0 =	sne.s32 s13, $0x12000  }
0x156: {  	[tilespmem:s30], [sflag:$0x2] =	stream.indirect_vreg.gather [hbm4b:s2+s3], $0x80, v3, vm0, $0xb8;
	[tilespmem:$0x18400] =	vst v63  }
.Ltmp0:
0x157: {  	_ = 	snop;
	(pc) =	sbr.rel @p0 .LBB2_2-.Ltmp0, $4  }
0x158: {  	s8 =	simm.s32 $0x400  }
0x159: {  	[tilespmem:s1], [sflag:$0x2] =	stream.indirect_vreg.gather [hbm4b:s5+s3], $0x80, v3, vm0, $0xb8;
	[tilespmem:$0x18400] =	vst v63  }
0x15a: {  	s13 =	sadd.s32 $0x3000, s13;
	s14 =	simm.s32 $0xC400;
	s12 =	sadd.s32 $0x80, s12  }
0x15b: {  	[tilespmem:s15], [sflag:$0x2] =	stream.indirect_vreg.gather [hbm4b:s6+s3], $0x80, v3, vm0, $0xb8;
	[tilespmem:$0x18400] =	vst v63  }
0x15c: {  	_ =	swait.ge [sflag:s7], $0xC000  }
0x15d: {  	[sflag:s7] =	ssyncset.done $0x0  }
0x15e: {  	s12 =	rddreg [dreg:$0x5];
	[sflag:s7] =	ssyncadd.s32 $0xFFFF4000  }
0x15f: {  	[hbm4b:s12+s3] =	stream.linear.scatter [tilespmem:s8], [sflag:$0x3], $0xC000, $0x38;
	[tilespmem:$0x18400] =	vst v63  }
0x160: {  	_ =	swait.ge [sflag:s10], $0xC000  }
0x161: {  	[sflag:s10] =	ssyncset.done $0x0  }
0x162: {  	[sflag:s10] =	ssyncadd.s32 $0xFFFF4000  }
0x163: {  	_ =	swait.ge [sflag:s9], $0xC000  }
0x164: {  	s13 =	simm.s32 $0xC00;
	s30 =	simm.s32 $0x1400;
	[sflag:s9] =	ssyncset.done $0x0  }
0x165: {  	s15 =	simm.s32 $0x1C00;
	s25 =	rddreg [dreg:$0x6];
	[sflag:s9] =	ssyncadd.s32 $0xFFFF4000  }
0x166: {  	[hbm4b:s25+s3] =	stream.linear.scatter [tilespmem:s14], [sflag:$0x3], $0xC000, $0x38;
	[tilespmem:$0x18400] =	vst v63  }
0x167: {  	s16 =	simm.s32 $0x2400;
	s17 =	simm.s32 $0x2C00;
	_ =	swait.ge [sflag:s10], $0xC000  }
0x168: {  	s18 =	simm.s32 $0x3400;
	s19 =	simm.s32 $0x3C00;
	s0 =	rddreg [dreg:$0x8]  }
0x169: {  	s20 =	simm.s32 $0x4400;
	s26 =	rddreg [dreg:$0x7];
	s0 =	sadd.s32 $0x1, s0  }
0x16a: {  	s21 =	simm.s32 $0x4C00;
	s22 =	simm.s32 $0x5400;
	p0 =	sne.s32 s0, s26  }
.Ltmp1:
0x16b: {  	s23 =	simm.s32 $0x5C00;
	s24 =	simm.s32 $0x6400;
	(pc) =	sbr.rel @p0 .LBB2_1-.Ltmp1, $4  }
0x16c: {  	s28 =	simm.s32 $0x7C00;
	s29 =	simm.s32 $0x8400;
	s1 =	simm.s32 $0x8C00  }
0x16d: {  	s4 =	simm.s32 $0x9C00;
	s11 =	simm.s32 $0xA400;
	[sflag:s10] =	ssyncset.done $0x0  }
0x16e: {  	s31 =	simm.s32 $0xAC00;
	s25 =	simm.s32 $0x6C00;
	[sflag:s10] =	ssyncadd.s32 $0xFFFF4000  }
0x16f: {  	[dreg:$0x8] =	wrdreg s0;
	s26 =	simm.s32 $0x7400;
	s0 =	simm.s32 $0x9400  }
0x170: {  	_ =	sfence.sel $0x180000  }
0x171: {  	[bflag:$0x0] =	sbarrier.arrive $0xFFFF  }
0x172: {  	_ =	strace $0x9000004A  }
0x173: {  	s0 =	stileid.u32;
	[bflag:$0x2] =	sbarrier.arrive $0xFFFF  }
0x174: {  	p0 =	sne.s32 s0, $0x0;
	s0 =	rddreg [dreg:$0x2]  }
0x175: {  	s0 =	sadd.s32 @!p0 $0x100000, s0  }
0x176: {  	[sflag:s0] =	ssyncadd.tile.s32 @!p0 $0x1;
	_ =	shalt  }
.Lfunc_end2:
_tile_overlayer_lowered:
.L_overlay_start_2:
0x177: {  	(tag) =	ssettag $0x2  }
0x178: {  	s0 =	rddreg [dreg:$0x0];
	s2 =	stileid.u32  }
0x179: {  	s1 =	rddreg [dreg:$0x1];
	p0 =	sne.s32 s2, $0x0  }
0x17a: {  	s3 =	rddreg [dreg:$0x2];
	[bflag:$0x3] =	sbarrier.arrive $0xFFFF;
	s2 =	simm.s32 @!p0 $0x1C03  }
0x17b: {  	[timem:s3], [sflag:s2] =	dma.local @!p0 [hbm:s0], s1  }
0x17c: {  	s0 =	simm.s32 @!p0 $0x3  }
0x17d: {  	_ =	swait.ge @!p0 [sflag:s0], s1  }
0x17e: {  	s1 =	ssub.s32 @!p0 $0x0, s1;
	[sflag:s0] =	ssyncset.done @!p0 $0x0  }
0x17f: {  	[sflag:s0] =	ssyncadd.s32 @!p0 s1  }
0x180: {  	[bflag:$0x3] =	sbarrier.arrive $0xFFFF  }
0x181: {  	_ =	shalt  }

// kernel: kernel.16.cloned.1.call-start
scs
__scs_entry_jumppad:
0x0: {  	(pc) =	sbr.rel $0x88, $3  }
0x1: {  	(tag) =	ssettag $0x0;
	lr =	simm.s32 $0x1  }
0x2: {  	[smem:$0x3F9C] =	sst lr;
	_ =	strace $0xD0000000  }
0x3: {  	_ = 	snop  }
0x4: {  	_ = 	snop  }
0x5: {  	_ = 	snop  }
0x6: {  	_ = 	snop  }
0x7: {  	_ = 	snop  }
__scs_overlays_trampoline_lowered:
0x8: {  	[smem:$0x3FAB] =	sst s0  }
0x9: {  	[smem:$0x3FAC] =	sst s1  }
0xa: {  	[smem:$0x3FAD] =	sst s2  }
0xb: {  	[smem:$0x3FAE] =	sst s3  }
0xc: {  	[smem:$0x3FAF] =	sst s4  }
0xd: {  	[smem:$0x3FB0] =	sst s5  }
0xe: {  	[smem:$0x3FB1] =	sst s6  }
0xf: {  	[smem:$0x3FB2] =	sst s7  }
0x10: {  	[smem:$0x3FB3] =	sst s8  }
0x11: {  	[smem:$0x3FB4] =	sst s9;
	s0 =	simm.s32 @!p0 $0x0  }
0x12: {  	s1 =	sld [smem:$0x3F9A];
	s0 =	simm.s32 @p0 $0x1  }
0x13: {  	[smem:$0x3FB5] =	sst s0;
	s0 =	simm.s32 @!p1 $0x0  }
0x14: {  	s2 =	sld [smem:$0x3F99];
	s0 =	simm.s32 @p1 $0x1  }
0x15: {  	[smem:$0x3FB6] =	sst s0;
	s0 =	simm.s32 @!p2 $0x0  }
0x16: {  	s3 =	sld [smem:$0x3FDB];
	s0 =	simm.s32 @p2 $0x1  }
0x17: {  	s4 =	simm.s32 $0x1BF5;
	[smem:$0x3FB8] =	sst s0  }
0x18: {  	s0 =	sld [smem:$0x3F9B];
	_ =	swait.ge [sflag:s4], $0x0  }
0x19: {  	s7 =	sld [smem:$0x3F9C]  }
0x1a: {  	s8 =	sadd.s32 $0xFFFFE003, lr  }
0x1b: {  	s9 =	sadd.s32 $0xFFFFFEF7, lr;
	s5 =	simm.s32 $0xFFFFFFFF;
	p2 =	slt.u32 s8, $0xFFFFF086  }
0x1c: {  	p1 =	slt.u32 s9, $0xF7A;
	s5 =	simm.s32 @!p2 $0x0  }
0x1d: {  	s5 =	simm.s32 @p1 $0x1;
	p0 =	seq.s32 s7, s2  }
0x1e: {  	s7 =	smul.u32 @!p0 $0xF7A, s2;
	p2 =	seq.s32 @!p0 s5, $0x0  }
0x1f: {  	s9 =	smul.u32 $0xF7A, s1;
	s8 =	simm.s32 @!p0 $0x1BF5;
	p2 =	por !p2, p0  }
0x20: {  	[sflag:s8] =	ssyncset.s32 @!p0 $0xFFFFF086;
	s6 =	sadd.s32 @!p0 s3, s7;
	s7 =	simm.s32 @!p0 $0x108  }
0x21: {  	s3 =	sadd.s32 s3, s9;
	s6 =	sadd.s32 @!p0 $0x88, s6;
	s7 =	simm.s32 @p2 $0x1082  }
0x22: {  	[simem:s7], [sflag:s8] =	dma.local @!p0 [hbm:s6], $0xF7A  }
0x23: {  	s9 =	sor.u32 $0xD0000000, s2;
	s6 =	simm.s32 $0x108;
	_ =	swait.ge @!p0 [sflag:s8], $0x0  }
0x24: {  	s3 =	sadd.s32 $0x88, s3;
	s6 =	simm.s32 @!p1 $0x1082;
	[sflag:s4] =	ssyncset.s32 $0xFFFFF086  }
0x25: {  	[simem:s6], [sflag:s4] =	dma.local [hbm:s3], $0xF7A  }
0x26: {  	[smem:$0x3F9C] =	sst s1;
	(tag) =	ssettag s2;
	_ =	strace s9  }
0x27: {  	s1 =	sld [smem:$0x3FAC]  }
0x28: {  	s2 =	sld [smem:$0x3FAD]  }
0x29: {  	s4 =	sld [smem:$0x3FAF]  }
0x2a: {  	p0 =	seq.s32 s5, $0x0;
	s5 =	sld [smem:$0x3FB0]  }
0x2b: {  	s6 =	sld [smem:$0x3FB1]  }
0x2c: {  	s7 =	sld [smem:$0x3FB2]  }
0x2d: {  	s3 =	simm.s32 $0x108;
	s8 =	sld [smem:$0x3FB3]  }
0x2e: {  	s3 =	simm.s32 @!p0 $0x1082;
	s9 =	sld [smem:$0x3FB4]  }
0x2f: {  	lr =	sadd.s32 s0, s3;
	s0 =	sld [smem:$0x3FAB]  }
0x30: {  	s3 =	sld [smem:$0x3FAE]  }
0x31: {  	[smem:$0x3FB7] =	sst s10  }
0x32: {  	s10 =	sld [smem:$0x3FB5];
	_ =	sdelay $0x3  }
0x33: {  	p0 =	seq.s32 s10, $0x1;
	s10 =	sld [smem:$0x3FB7];
	_ =	sdelay $0x3  }
0x34: {  	[smem:$0x3FB7] =	sst s10  }
0x35: {  	s10 =	sld [smem:$0x3FB6];
	_ =	sdelay $0x3  }
0x36: {  	p1 =	seq.s32 s10, $0x1;
	s10 =	sld [smem:$0x3FB7];
	_ =	sdelay $0x3  }
0x37: {  	[smem:$0x3FB7] =	sst s10  }
0x38: {  	s10 =	sld [smem:$0x3FB8]  }
0x39: {  	_ = 	snop;
	(pc) =	sbr.ind lr, $3  }
0x3a: {  	_ = 	snop  }
0x3b: {  	_ = 	snop  }
0x3c: {  	p2 =	seq.s32 s10, $0x1;
	s10 =	sld [smem:$0x3FB7]  }
0x3d: {  	_ =	shalt  }
0x3e: {  	_ =	shalt  }
0x3f: {  	_ =	shalt  }
0x40: {  	_ =	shalt  }
0x41: {  	_ =	shalt  }
0x42: {  	_ =	shalt  }
0x43: {  	_ =	shalt  }
0x44: {  	_ =	shalt  }
0x45: {  	_ =	shalt  }
0x46: {  	_ =	shalt  }
0x47: {  	_ =	shalt  }
0x48: {  	_ =	shalt  }
0x49: {  	_ =	shalt  }
0x4a: {  	_ =	shalt  }
0x4b: {  	_ =	shalt  }
0x4c: {  	_ =	shalt  }
0x4d: {  	_ =	shalt  }
0x4e: {  	_ =	shalt  }
0x4f: {  	_ =	shalt  }
0x50: {  	_ =	shalt  }
0x51: {  	_ =	shalt  }
0x52: {  	_ =	shalt  }
0x53: {  	_ =	shalt  }
0x54: {  	_ =	shalt  }
0x55: {  	_ =	shalt  }
0x56: {  	_ =	shalt  }
0x57: {  	_ =	shalt  }
0x58: {  	_ =	shalt  }
0x59: {  	_ =	shalt  }
0x5a: {  	_ =	shalt  }
0x5b: {  	_ =	shalt  }
0x5c: {  	_ =	shalt  }
0x5d: {  	_ =	shalt  }
0x5e: {  	_ =	shalt  }
0x5f: {  	_ =	shalt  }
0x60: {  	_ =	shalt  }
0x61: {  	_ =	shalt  }
0x62: {  	_ =	shalt  }
0x63: {  	_ =	shalt  }
0x64: {  	_ =	shalt  }
0x65: {  	_ =	shalt  }
0x66: {  	_ =	shalt  }
0x67: {  	_ =	shalt  }
0x68: {  	_ =	shalt  }
0x69: {  	_ =	shalt  }
0x6a: {  	_ =	shalt  }
0x6b: {  	_ =	shalt  }
0x6c: {  	_ =	shalt  }
0x6d: {  	_ =	shalt  }
0x6e: {  	_ =	shalt  }
0x6f: {  	_ =	shalt  }
0x70: {  	_ =	shalt  }
0x71: {  	_ =	shalt  }
0x72: {  	_ =	shalt  }
0x73: {  	_ =	shalt  }
0x74: {  	_ =	shalt  }
0x75: {  	_ =	shalt  }
0x76: {  	_ =	shalt  }
0x77: {  	_ =	shalt  }
0x78: {  	_ =	shalt  }
0x79: {  	_ =	shalt  }
0x7a: {  	_ =	shalt  }
0x7b: {  	_ =	shalt  }
0x7c: {  	_ =	shalt  }
0x7d: {  	_ =	shalt  }
0x7e: {  	_ =	shalt  }
0x7f: {  	_ =	shalt  }
0x80: {  	_ =	shalt  }
0x81: {  	_ =	shalt  }
0x82: {  	_ =	shalt  }
0x83: {  	_ =	shalt  }
0x84: {  	_ =	shalt  }
0x85: {  	_ =	shalt  }
0x86: {  	_ =	shalt  }
0x87: {  	_ =	shalt  }
.Lfunc_end0:
.L_simem_size_0:
called_computation.2_lowered:
.L_overlay_start_0:
0x88: {  	s2 =	sld [smem:$0x3FD9]  }
0x89: {  	s3 =	sld [smem:$0x3FFE];
	_ =	sdelay $0x1  }
0x8a: {  	s1 =	srdreg.scid  }
0x8b: {  	s0 =	sand.u32 $0x1, s1  }
0x8c: {  	s17 =	sshll.u32 s0, $0xA;
	s2 =	sadd.s32 s3, s2  }
0x8d: {  	s2 =	sadd.s32 s2, s17  }
0x8e: {  	[smem:$0x3FC3] =	sst s2  }
0x8f: {  	_ = 	snop  }
0x90: {  	s18 =	sld [smem:$0x3FC8];
	(tm) =	ssettm $0x1  }
0x91: {  	s19 =	sld [smem:$0x3FFB];
	_ =	sdelay $0x3  }
0x92: {  	_ =	strace s19  }
0x93: {  	s2 =	sld [smem:$0x3FFC];
	_ =	sdelay $0x3  }
0x94: {  	_ =	strace s2  }
0x95: {  	s2 =	sld [smem:$0x3FFD];
	_ =	sdelay $0x3  }
0x96: {  	_ =	strace s2  }
0x97: {  	_ =	strace $0x8FFFFFFF  }
0x98: {  	s20 =	sld [smem:$0x3FDB];
	_ =	sdelay $0x1  }
0x99: {  	s4 =	simm.s32 $_scs_section_size  }
0x9a: {  	s5 =	simm.s32 $_size__tile_overlayer_lowered;
	s6 =	simm.s32 $_tile_overlayer_lowered  }
0x9b: {  	s7 =	simm.s32 $0x1BFF;
	s21 =	sshll.u32 s6, $0x1;
	s4 =	sadd.s32 s4, s20  }
0x9c: {  	s22 =	simm.s32 $0x0;
	s5 =	sshll.u32 s5, $0x1;
	s6 =	sadd.s32 s21, s4  }
0x9d: {  	[timem:s22], [sflag:s7] =	dma.local [hbm:s6], s5  }
0x9e: {  	_ =	swait.ge [sflag:s7], s5  }
0x9f: {  	s5 =	ssub.s32 $0x0, s5;
	[sflag:s7] =	ssyncset.done $0x0  }
0xa0: {  	[sflag:s7] =	ssyncadd.s32 s5;
	_ =	sdelay $0x1  }
0xa1: {  	s23 =	simm.s32 $0x1B8B  }
0xa2: {  	_ =	swait.ge [sflag:s23], $0x1  }
0xa3: {  	[sflag:s23] =	ssyncset.done $0x0  }
0xa4: {  	[sflag:s23] =	ssyncadd.s32 $0xFFFFFFFF  }
0xa5: {  	s5 =	sld [smem:$0x0]  }
0xa6: {  	s6 =	sand.u32 $0xFFFFFFFE, s1  }
0xa7: {  	p0 =	sne.s32 s1, s6  }
0xa8: {  	s6 =	sshll.u32 @p0 s6, $0xE  }
0xa9: {  	s6 =	sadd.s32 @p0 $0x11B8D, s6;
	s7 =	sshll.u32 @p0 s5, $0x11  }
0xaa: {  	s6 =	sor.u32 @p0 s7, s6  }
0xab: {  	[sflag:s6] =	ssyncadd.remote.s32 @p0 $0x1;
	_ =	sdelay $0x1  }
0xac: {  	s6 =	simm.s32 @p0 $0x1B8D  }
0xad: {  	_ =	swait.eq @p0 [sflag:s6], $0x1  }
0xae: {  	[sflag:s6] =	ssyncadd.s32 @p0 $0xFFFFFFFF  }
0xaf: {  	s7 =	sshll.u32 @!p0 s1, $0xE  }
0xb0: {  	s7 =	sor.u32 @!p0 $0x4000, s7;
	s6 =	simm.s32 @!p0 $0x1B8D  }
0xb1: {  	s5 =	sshll.u32 @!p0 s5, $0x11;
	s7 =	sadd.s32 @!p0 $0x11B8D, s7;
	_ =	swait.eq @!p0 [sflag:s6], $0x1  }
0xb2: {  	s5 =	sor.u32 @!p0 s5, s7;
	[sflag:s6] =	ssyncadd.s32 @!p0 $0xFFFFFFFF  }
0xb3: {  	s25 =	simm.s32 $0x1B8E;
	s24 =	sld [smem:$0x3FFE];
	[sflag:s5] =	ssyncadd.remote.s32 @!p0 $0x1  }
0xb4: {  	s26 =	simm.s32 $execute0_lowered;
	[smem:$0x3FD2] =	sst s25  }
0xb5: {  	s6 =	sshll.u32 s26, $0x1;
	_ =	strace $0x8000004C;
	[dreg:$0x1] =	wrdreg $0xFFFFFFFF  }
0xb6: {  	s28 =	simm.s32 $_size_execute0_lowered;
	s4 =	sadd.s32 s4, s6;
	[dreg:$0x0] =	wrdreg $0x0  }
0xb7: {  	s6 =	sshll.u32 s28, $0x1;
	[dreg:$0x2] =	wrdreg s4  }
0xb8: {  	[dreg:$0x3] =	wrdreg s6  }
0xb9: {  	[dreg:$0x4] =	wrdreg $0xC0  }
0xba: {  	_ =	task [dreg:s22], $0x5FFFF  }
0xbb: {  	[dreg:$0x1] =	wrdreg $0xFFFFFFFF  }
0xbc: {  	[dreg:$0x0] =	wrdreg $0x60  }
0xbd: {  	[dreg:$0x2] =	wrdreg s18  }
0xbe: {  	[dreg:$0x3] =	wrdreg s24  }
0xbf: {  	[dreg:$0x4] =	wrdreg $0xB  }
0xc0: {  	_ =	task.clear_ibuf [dreg:s22], $0x5FFFF;
	_ =	strace $0x9000004C  }
0xc1: {  	s29 =	simm.s32 $0xB;
	_ =	strace $0x8000004E  }
0xc2: {  	_ =	swait.ge [sflag:s29], $0x1  }
0xc3: {  	[sflag:s29] =	ssyncadd.s32 $0xFFFFFFFF  }
0xc4: {  	_ =	strace $0x9000004E  }
0xc5: {  	_ =	sfence  }
0xc6: {  	s30 =	sld [smem:$0x0];
	_ =	sdelay $0x2  }
0xc7: {  	s31 =	sshll.u32 s1, $0xD;
	s1 =	sshrl.u32 s1, $0x2  }
0xc8: {  	s4 =	sand.u32 $0x4000, s31;
	s1 =	sadd.s32 s1, s30  }
0xc9: {  	s0 =	sor.u32 s4, s0;
	s1 =	sshll.u32 s1, $0x11  }
0xca: {  	s0 =	sor.u32 s1, s0  }
0xcb: {  	s0 =	sadd.s32 $0x8F2B, s0  }
0xcc: {  	[sflag:s0] =	ssyncadd.remote.s32 $0x1  }
0xcd: {  	_ =	sfence.sel $0xFFFF  }
0xce: {  	[dreg:$0x0] =	wrdreg $0xFFFFFFFF;
	(pc) =	sbr.abs _section_cstart, $3  }
0xcf: {  	[dreg:$0x1] =	wrdreg $0xFFFFFFFF  }
0xd0: {  	_ =	task.clear_ibuf [dreg:s22], $0x2FFFF;
	_ =	strace $0x9FFFFFFF  }
0xd1: {  	(tm) =	ssettm $0x7FFFFFFF  }
tec
execute0_lowered:
.L_overlay_start_1:
0x0: {  	(tag) =	ssettag $0x1  }
0x1: {  	s0 =	srdreg.scid;
	s2 =	rddreg [dreg:$0x0]  }
0x2: {  	s3 =	stileid.u32;
	s1 =	rddreg [dreg:$0x1]  }
0x3: {  	s10 =	simm.s32 $0x3;
	s13 =	simm.s32 $0xC00;
	s30 =	simm.s32 $0x1400  }
0x4: {  	s15 =	simm.s32 $0x1C00;
	s16 =	simm.s32 $0x2400;
	s17 =	simm.s32 $0x2C00  }
0x5: {  	s18 =	simm.s32 $0x3400;
	s19 =	simm.s32 $0x3C00;
	s20 =	simm.s32 $0x4400  }
0x6: {  	s21 =	simm.s32 $0x4C00;
	s22 =	simm.s32 $0x5400;
	s23 =	simm.s32 $0x5C00  }
0x7: {  	s28 =	simm.s32 $0x7C00;
	s29 =	simm.s32 $0x8400;
	s11 =	simm.s32 $0xA400  }
0x8: {  	s31 =	simm.s32 $0xAC00;
	s14 =	simm.s32 $0xC400;
	s9 =	simm.s32 $0x2  }
0x9: {  	s0 =	sand.u32 $0x1, s0;
	s4 =	sshll.u32 s3, $0xB;
	s3 =	simm.s32 $0x0  }
0xa: {  	s12 =	simm.s32 $0x0;
	s5 =	sshll.u32 s0, $0xA;
	[smem:$0x7FF] =	sst s3  }
0xb: {  	s0 =	ssub.s32 $0x2, s0;
	s4 =	sor.u32 s5, s4;
	_ =	strace $0x8000004D  }
0xc: {  	s24 =	sshrl.u32 s0, $0x1;
	s5 =	sadd.s32 $0x100, s2;
	[dreg:$0x8] =	wrdreg s12  }
0xd: {  	s4 =	sshrl.u32 s4, $0x3;
	s0 =	ssub.s32 s0, s24;
	s24 =	simm.s32 $0x6400  }
0xe: {  	s6 =	smul.u32 $0x1800, s4;
	s7 =	sadd.s32 s4, s1;
	s0 =	smax.u32 s0, $0x1  }
0xf: {  	s1 =	sadd.s32 $0x604A00, s1;
	s25 =	sadd.s32 $0x302A00, s7;
	[dreg:$0x7] =	wrdreg s0  }
0x10: {  	s4 =	smul.u32 $0x300, s4;
	s0 =	simm.s32 $0x9400;
	[dreg:$0x4] =	wrdreg s25  }
0x11: {  	s26 =	sshrl.u32 s6, $0x3;
	s6 =	sadd.s32 $0x200, s2;
	s25 =	simm.s32 $0x6C00  }
0x12: {  	s7 =	sadd.s32 s1, s26;
	s1 =	sadd.s32 s4, s1;
	s26 =	simm.s32 $0x7400  }
0x13: {  	v2 =	vlaneseq.u32;
	s4 =	simm.s32 $0x9C00;
	s8 =	sadd.s32 $0x15000, s7;
	[dreg:$0x3] =	wrdreg s1  }
0x14: {  	vm0 =	vmmov $0xffff;
	v1 =	vshrl.u32 v2, $0x3;
	s7 =	sadd.s32 $0x16800, s7;
	s1 =	simm.s32 $0x8C00;
	[dreg:$0x5] =	wrdreg s8  }
0x15: {  	v0 =	vand.u32 $0x7, v2;
	v2 =	vor.u32 $0x8, v2;
	v1 =	vmul.u32 $0x8, v1;
	[dreg:$0x6] =	wrdreg s7;
	s8 =	simm.s32 $0x400;
	s7 =	simm.s32 $0x1  }
.LBB2_1:
0x16: {  	s12 =	rddreg [dreg:$0x4]  }
0x17: {  	[tilespmem:s3], [sflag:$0x3] =	stream.linear.gather [hbm4b:s12+s3], $0x400, $0x38;
	[tilespmem:$0x18400] =	vst v63  }
0x18: {  	_ =	swait.ge [sflag:s10], $0x400  }
0x19: {  	[sflag:s10] =	ssyncset.done $0x0  }
0x1a: {  	[sflag:s10] =	ssyncadd.s32 $0xFFFFFC00  }
0x1b: {  	v3 =	vld [tilespmem:$0x0];
	_ =	sdelay $0x4  }
0x1c: {  	v4 =	vshrl.u32 v3, $0x3  }
0x1d: {  	v4 =	vmul.u32 $0x30, v4  }
0x1e: {  	v3 =	vand.u32 $0x7, v3  }
0x1f: {  	v3 =	vor.u32 v3, v4  }
0x20: {  	v4 =	vperm.xlane v3, v0;
	_ =	sdelay $0x1  }
0x21: {  	v4 =	vadd.s32 v1, v4;
	_ =	sdelay $0x3  }
0x22: {  	v3 =	vperm.xlane v3, v2  }
0x23: {  	[tilespmem:s8], [sflag:$0x1] =	stream.indirect_vreg.gather [hbm4b:s2+s3], $0x80, v4, vm0, $0xb8;
	[tilespmem:$0x18400] =	vst v63  }
0x24: {  	v3 =	vadd.s32 v1, v3  }
0x25: {  	[tilespmem:s13], [sflag:$0x1] =	stream.indirect_vreg.gather [hbm4b:s5+s3], $0x80, v4, vm0, $0xb8;
	[tilespmem:$0x18400] =	vst v63  }
0x26: {  	_ = 	snop  }
0x27: {  	[tilespmem:s30], [sflag:$0x1] =	stream.indirect_vreg.gather [hbm4b:s6+s3], $0x80, v4, vm0, $0xb8;
	[tilespmem:$0x18400] =	vst v63  }
0x28: {  	_ = 	snop  }
0x29: {  	[tilespmem:s15], [sflag:$0x1] =	stream.indirect_vreg.gather [hbm4b:s2+s3], $0x80, v3, vm0, $0xb8;
	[tilespmem:$0x18400] =	vst v63  }
0x2a: {  	_ = 	snop  }
0x2b: {  	[tilespmem:s16], [sflag:$0x1] =	stream.indirect_vreg.gather [hbm4b:s5+s3], $0x80, v3, vm0, $0xb8;
	[tilespmem:$0x18400] =	vst v63  }
0x2c: {  	_ = 	snop  }
0x2d: {  	[tilespmem:s17], [sflag:$0x1] =	stream.indirect_vreg.gather [hbm4b:s6+s3], $0x80, v3, vm0, $0xb8;
	[tilespmem:$0x18400] =	vst v63  }
0x2e: {  	v3 =	vld [tilespmem:$0x10];
	_ =	sdelay $0x4  }
0x2f: {  	v57 =	vshrl.u32 v3, $0x3  }
0x30: {  	v4 =	vmul.u32 $0x30, v57  }
0x31: {  	v3 =	vand.u32 $0x7, v3  }
0x32: {  	v3 =	vor.u32 v3, v4  }
0x33: {  	v4 =	vperm.xlane v3, v0;
	_ =	sdelay $0x1  }
0x34: {  	v4 =	vadd.s32 v1, v4;
	_ =	sdelay $0x3  }
0x35: {  	v3 =	vperm.xlane v3, v2  }
0x36: {  	[tilespmem:s18], [sflag:$0x1] =	stream.indirect_vreg.gather [hbm4b:s2+s3], $0x80, v4, vm0, $0xb8;
	[tilespmem:$0x18400] =	vst v63  }
0x37: {  	v3 =	vadd.s32 v1, v3  }
0x38: {  	[tilespmem:s19], [sflag:$0x1] =	stream.indirect_vreg.gather [hbm4b:s5+s3], $0x80, v4, vm0, $0xb8;
	[tilespmem:$0x18400] =	vst v63  }
0x39: {  	_ = 	snop  }
0x3a: {  	[tilespmem:s20], [sflag:$0x1] =	stream.indirect_vreg.gather [hbm4b:s6+s3], $0x80, v4, vm0, $0xb8;
	[tilespmem:$0x18400] =	vst v63  }
0x3b: {  	_ = 	snop  }
0x3c: {  	[tilespmem:s21], [sflag:$0x1] =	stream.indirect_vreg.gather [hbm4b:s2+s3], $0x80, v3, vm0, $0xb8;
	[tilespmem:$0x18400] =	vst v63  }
0x3d: {  	_ = 	snop  }
0x3e: {  	[tilespmem:s22], [sflag:$0x1] =	stream.indirect_vreg.gather [hbm4b:s5+s3], $0x80, v3, vm0, $0xb8;
	[tilespmem:$0x18400] =	vst v63  }
0x3f: {  	_ = 	snop  }
0x40: {  	[tilespmem:s23], [sflag:$0x1] =	stream.indirect_vreg.gather [hbm4b:s6+s3], $0x80, v3, vm0, $0xb8;
	[tilespmem:$0x18400] =	vst v63  }
0x41: {  	v3 =	vld [tilespmem:$0x20];
	_ =	sdelay $0x4  }
0x42: {  	v58 =	vshrl.u32 v3, $0x3  }
0x43: {  	v4 =	vmul.u32 $0x30, v58  }
0x44: {  	v3 =	vand.u32 $0x7, v3  }
0x45: {  	v3 =	vor.u32 v3, v4  }
0x46: {  	v4 =	vperm.xlane v3, v0;
	_ =	sdelay $0x1  }
0x47: {  	v4 =	vadd.s32 v1, v4;
	_ =	sdelay $0x3  }
0x48: {  	v3 =	vperm.xlane v3, v2  }
0x49: {  	[tilespmem:s24], [sflag:$0x1] =	stream.indirect_vreg.gather [hbm4b:s2+s3], $0x80, v4, vm0, $0xb8;
	[tilespmem:$0x18400] =	vst v63  }
0x4a: {  	v3 =	vadd.s32 v1, v3  }
0x4b: {  	[tilespmem:s25], [sflag:$0x1] =	stream.indirect_vreg.gather [hbm4b:s5+s3], $0x80, v4, vm0, $0xb8;
	[tilespmem:$0x18400] =	vst v63  }
0x4c: {  	_ = 	snop  }
0x4d: {  	[tilespmem:s26], [sflag:$0x1] =	stream.indirect_vreg.gather [hbm4b:s6+s3], $0x80, v4, vm0, $0xb8;
	[tilespmem:$0x18400] =	vst v63  }
0x4e: {  	_ = 	snop  }
0x4f: {  	[tilespmem:s28], [sflag:$0x1] =	stream.indirect_vreg.gather [hbm4b:s2+s3], $0x80, v3, vm0, $0xb8;
	[tilespmem:$0x18400] =	vst v63  }
0x50: {  	_ = 	snop  }
0x51: {  	[tilespmem:s29], [sflag:$0x1] =	stream.indirect_vreg.gather [hbm4b:s5+s3], $0x80, v3, vm0, $0xb8;
	[tilespmem:$0x18400] =	vst v63  }
0x52: {  	_ = 	snop  }
0x53: {  	[tilespmem:s1], [sflag:$0x1] =	stream.indirect_vreg.gather [hbm4b:s6+s3], $0x80, v3, vm0, $0xb8;
	[tilespmem:$0x18400] =	vst v63  }
0x54: {  	v3 =	vld [tilespmem:$0x30];
	_ =	sdelay $0x4  }
0x55: {  	v59 =	vshrl.u32 v3, $0x3  }
0x56: {  	v4 =	vmul.u32 $0x30, v59  }
0x57: {  	v3 =	vand.u32 $0x7, v3  }
0x58: {  	v3 =	vor.u32 v3, v4  }
0x59: {  	v4 =	vperm.xlane v3, v0;
	_ =	sdelay $0x1  }
0x5a: {  	v4 =	vadd.s32 v1, v4;
	_ =	sdelay $0x3  }
0x5b: {  	v3 =	vperm.xlane v3, v2  }
0x5c: {  	[tilespmem:s0], [sflag:$0x1] =	stream.indirect_vreg.gather [hbm4b:s2+s3], $0x80, v4, vm0, $0xb8;
	[tilespmem:$0x18400] =	vst v63  }
0x5d: {  	v3 =	vadd.s32 v1, v3  }
0x5e: {  	[tilespmem:s4], [sflag:$0x1] =	stream.indirect_vreg.gather [hbm4b:s5+s3], $0x80, v4, vm0, $0xb8;
	[tilespmem:$0x18400] =	vst v63  }
0x5f: {  	_ = 	snop  }
0x60: {  	[tilespmem:s11], [sflag:$0x1] =	stream.indirect_vreg.gather [hbm4b:s6+s3], $0x80, v4, vm0, $0xb8;
	[tilespmem:$0x18400] =	vst v63  }
0x61: {  	_ = 	snop  }
0x62: {  	[tilespmem:s31], [sflag:$0x1] =	stream.indirect_vreg.gather [hbm4b:s2+s3], $0x80, v3, vm0, $0xb8;
	[tilespmem:$0x18400] =	vst v63  }
0x63: {  	s25 =	simm.s32 $0xB400  }
0x64: {  	[tilespmem:s25], [sflag:$0x1] =	stream.indirect_vreg.gather [hbm4b:s5+s3], $0x80, v3, vm0, $0xb8;
	[tilespmem:$0x18400] =	vst v63  }
0x65: {  	s26 =	simm.s32 $0xBC00  }
0x66: {  	[tilespmem:s26], [sflag:$0x1] =	stream.indirect_vreg.gather [hbm4b:s6+s3], $0x80, v3, vm0, $0xb8;
	[tilespmem:$0x18400] =	vst v63  }
0x67: {  	v3 =	vld [tilespmem:$0x40];
	_ =	sdelay $0x4  }
0x68: {  	v60 =	vshrl.u32 v3, $0x3  }
0x69: {  	v4 =	vmul.u32 $0x30, v60  }
0x6a: {  	v3 =	vand.u32 $0x7, v3  }
0x6b: {  	v3 =	vor.u32 v3, v4  }
0x6c: {  	v4 =	vperm.xlane v3, v0;
	_ =	sdelay $0x1  }
0x6d: {  	v4 =	vadd.s32 v1, v4;
	_ =	sdelay $0x3  }
0x6e: {  	v3 =	vperm.xlane v3, v2  }
0x6f: {  	[tilespmem:s14], [sflag:$0x2] =	stream.indirect_vreg.gather [hbm4b:s2+s3], $0x80, v4, vm0, $0xb8;
	[tilespmem:$0x18400] =	vst v63  }
0x70: {  	s1 =	simm.s32 $0xCC00;
	v3 =	vadd.s32 v1, v3  }
0x71: {  	[tilespmem:s1], [sflag:$0x2] =	stream.indirect_vreg.gather [hbm4b:s5+s3], $0x80, v4, vm0, $0xb8;
	[tilespmem:$0x18400] =	vst v63  }
0x72: {  	s4 =	simm.s32 $0xD400  }
0x73: {  	[tilespmem:s4], [sflag:$0x2] =	stream.indirect_vreg.gather [hbm4b:s6+s3], $0x80, v4, vm0, $0xb8;
	[tilespmem:$0x18400] =	vst v63  }
0x74: {  	s8 =	simm.s32 $0xDC00  }
0x75: {  	[tilespmem:s8], [sflag:$0x2] =	stream.indirect_vreg.gather [hbm4b:s2+s3], $0x80, v3, vm0, $0xb8;
	[tilespmem:$0x18400] =	vst v63  }
0x76: {  	s11 =	simm.s32 $0xE400  }
0x77: {  	[tilespmem:s11], [sflag:$0x2] =	stream.indirect_vreg.gather [hbm4b:s5+s3], $0x80, v3, vm0, $0xb8;
	[tilespmem:$0x18400] =	vst v63  }
0x78: {  	s12 =	simm.s32 $0xEC00  }
0x79: {  	[tilespmem:s12], [sflag:$0x2] =	stream.indirect_vreg.gather [hbm4b:s6+s3], $0x80, v3, vm0, $0xb8;
	[tilespmem:$0x18400] =	vst v63  }
0x7a: {  	v3 =	vld [tilespmem:$0x50];
	_ =	sdelay $0x4  }
0x7b: {  	v61 =	vshrl.u32 v3, $0x3  }
0x7c: {  	v4 =	vmul.u32 $0x30, v61  }
0x7d: {  	v3 =	vand.u32 $0x7, v3  }
0x7e: {  	v3 =	vor.u32 v3, v4  }
0x7f: {  	v4 =	vperm.xlane v3, v0;
	_ =	sdelay $0x1  }
0x80: {  	v4 =	vadd.s32 v1, v4;
	_ =	sdelay $0x3  }
0x81: {  	s13 =	simm.s32 $0xF400;
	v3 =	vperm.xlane v3, v2  }
0x82: {  	[tilespmem:s13], [sflag:$0x2] =	stream.indirect_vreg.gather [hbm4b:s2+s3], $0x80, v4, vm0, $0xb8;
	[tilespmem:$0x18400] =	vst v63  }
0x83: {  	s14 =	simm.s32 $0xFC00;
	v3 =	vadd.s32 v1, v3  }
0x84: {  	[tilespmem:s14], [sflag:$0x2] =	stream.indirect_vreg.gather [hbm4b:s5+s3], $0x80, v4, vm0, $0xb8;
	[tilespmem:$0x18400] =	vst v63  }
0x85: {  	s15 =	simm.s32 $0x10400  }
0x86: {  	[tilespmem:s15], [sflag:$0x2] =	stream.indirect_vreg.gather [hbm4b:s6+s3], $0x80, v4, vm0, $0xb8;
	[tilespmem:$0x18400] =	vst v63  }
0x87: {  	s16 =	simm.s32 $0x10C00  }
0x88: {  	[tilespmem:s16], [sflag:$0x2] =	stream.indirect_vreg.gather [hbm4b:s2+s3], $0x80, v3, vm0, $0xb8;
	[tilespmem:$0x18400] =	vst v63  }
0x89: {  	s17 =	simm.s32 $0x11400  }
0x8a: {  	[tilespmem:s17], [sflag:$0x2] =	stream.indirect_vreg.gather [hbm4b:s5+s3], $0x80, v3, vm0, $0xb8;
	[tilespmem:$0x18400] =	vst v63  }
0x8b: {  	s18 =	simm.s32 $0x11C00  }
0x8c: {  	[tilespmem:s18], [sflag:$0x2] =	stream.indirect_vreg.gather [hbm4b:s6+s3], $0x80, v3, vm0, $0xb8;
	[tilespmem:$0x18400] =	vst v63  }
0x8d: {  	v3 =	vld [tilespmem:$0x60];
	_ =	sdelay $0x4  }
0x8e: {  	v62 =	vshrl.u32 v3, $0x3  }
0x8f: {  	v4 =	vmul.u32 $0x30, v62  }
0x90: {  	v3 =	vand.u32 $0x7, v3  }
0x91: {  	v3 =	vor.u32 v3, v4  }
0x92: {  	v4 =	vperm.xlane v3, v0;
	_ =	sdelay $0x1  }
0x93: {  	v4 =	vadd.s32 v1, v4;
	_ =	sdelay $0x3  }
0x94: {  	s19 =	simm.s32 $0x12400;
	v3 =	vperm.xlane v3, v2  }
0x95: {  	[tilespmem:s19], [sflag:$0x2] =	stream.indirect_vreg.gather [hbm4b:s2+s3], $0x80, v4, vm0, $0xb8;
	[tilespmem:$0x18400] =	vst v63  }
0x96: {  	s20 =	simm.s32 $0x12C00;
	v3 =	vadd.s32 v1, v3  }
0x97: {  	[tilespmem:s20], [sflag:$0x2] =	stream.indirect_vreg.gather [hbm4b:s5+s3], $0x80, v4, vm0, $0xb8;
	[tilespmem:$0x18400] =	vst v63  }
0x98: {  	s21 =	simm.s32 $0x13400  }
0x99: {  	[tilespmem:s21], [sflag:$0x2] =	stream.indirect_vreg.gather [hbm4b:s6+s3], $0x80, v4, vm0, $0xb8;
	[tilespmem:$0x18400] =	vst v63  }
0x9a: {  	s22 =	simm.s32 $0x13C00  }
0x9b: {  	[tilespmem:s22], [sflag:$0x2] =	stream.indirect_vreg.gather [hbm4b:s2+s3], $0x80, v3, vm0, $0xb8;
	[tilespmem:$0x18400] =	vst v63  }
0x9c: {  	s23 =	simm.s32 $0x14400  }
0x9d: {  	[tilespmem:s23], [sflag:$0x2] =	stream.indirect_vreg.gather [hbm4b:s5+s3], $0x80, v3, vm0, $0xb8;
	[tilespmem:$0x18400] =	vst v63  }
0x9e: {  	s24 =	simm.s32 $0x14C00  }
0x9f: {  	[tilespmem:s24], [sflag:$0x2] =	stream.indirect_vreg.gather [hbm4b:s6+s3], $0x80, v3, vm0, $0xb8;
	[tilespmem:$0x18400] =	vst v63  }
0xa0: {  	v3 =	vld [tilespmem:$0x70];
	_ =	sdelay $0x4  }
0xa1: {  	v63 =	vshrl.u32 v3, $0x3  }
0xa2: {  	v4 =	vmul.u32 $0x30, v63  }
0xa3: {  	v3 =	vand.u32 $0x7, v3  }
0xa4: {  	v3 =	vor.u32 v3, v4  }
0xa5: {  	v4 =	vperm.xlane v3, v0;
	_ =	sdelay $0x1  }
0xa6: {  	v4 =	vadd.s32 v1, v4;
	_ =	sdelay $0x1  }
0xa7: {  	s30 =	simm.s32 $0x16C00;
	s28 =	simm.s32 $0x6C00  }
0xa8: {  	s29 =	simm.s32 $0x7400;
	s0 =	simm.s32 $0x9400;
	s31 =	simm.s32 $0x8400  }
0xa9: {  	s25 =	simm.s32 $0x15400;
	s26 =	simm.s32 $0x15C00;
	s1 =	simm.s32 $0x17400;
	v3 =	vperm.xlane v3, v2  }
0xaa: {  	[tilespmem:s25], [sflag:$0x2] =	stream.indirect_vreg.gather [hbm4b:s2+s3], $0x80, v4, vm0, $0xb8;
	[tilespmem:$0x18400] =	vst v63  }
0xab: {  	s4 =	simm.s32 $0x9C00;
	s11 =	simm.s32 $0xA400;
	s12 =	simm.s32 $0xF0;
	v3 =	vadd.s32 v1, v3  }
0xac: {  	[tilespmem:s26], [sflag:$0x2] =	stream.indirect_vreg.gather [hbm4b:s5+s3], $0x80, v4, vm0, $0xb8;
	[tilespmem:$0x18400] =	vst v63  }
0xad: {  	s13 =	simm.s32 $0x0;
	s15 =	simm.s32 $0x17C00;
	s25 =	simm.s32 $0x16400  }
0xae: {  	[tilespmem:s25], [sflag:$0x2] =	stream.indirect_vreg.gather [hbm4b:s6+s3], $0x80, v4, vm0, $0xb8;
	[tilespmem:$0x18400] =	vst v63  }
0xaf: {  	s16 =	simm.s32 $0x1400;
	s18 =	simm.s32 $0x2400;
	s19 =	simm.s32 $0x2C00  }
0xb0: {  	[tilespmem:s30], [sflag:$0x2] =	stream.indirect_vreg.gather [hbm4b:s2+s3], $0x80, v3, vm0, $0xb8;
	[tilespmem:$0x18400] =	vst v63  }
0xb1: {  	s20 =	simm.s32 $0x3400;
	s21 =	simm.s32 $0xAC00;
	s22 =	simm.s32 $0x4400  }
0xb2: {  	[tilespmem:s1], [sflag:$0x2] =	stream.indirect_vreg.gather [hbm4b:s5+s3], $0x80, v3, vm0, $0xb8;
	[tilespmem:$0x18400] =	vst v63  }
0xb3: {  	s23 =	simm.s32 $0x4C00;
	s24 =	simm.s32 $0x5400;
	s26 =	simm.s32 $0x6400  }
0xb4: {  	[tilespmem:s15], [sflag:$0x2] =	stream.indirect_vreg.gather [hbm4b:s6+s3], $0x80, v3, vm0, $0xb8;
	[tilespmem:$0x18400] =	vst v63  }
.LBB2_2:
0xb5: {  	_ =	swait.ge [sflag:s7], $0xC000  }
0xb6: {  	s14 =	rddreg [dreg:$0x3];
	[sflag:s7] =	ssyncset.done $0x0  }
0xb7: {  	s17 =	simm.s32 $0x400;
	[sflag:s7] =	ssyncadd.s32 $0xFFFF4000;
	s14 =	sadd.s32 s13, s14  }
0xb8: {  	[hbm4b:s14+s3] =	stream.linear.scatter [tilespmem:s17], [sflag:$0x3], $0xC000, $0x38;
	[tilespmem:$0x18400] =	vst v63  }
0xb9: {  	_ =	swait.ge [sflag:s10], $0xC000  }
0xba: {  	[sflag:s10] =	ssyncset.done $0x0  }
0xbb: {  	[sflag:s10] =	ssyncadd.s32 $0xFFFF4000  }
0xbc: {  	v3 =	vld [tilespmem:s12+$0xFFFFFF90];
	_ =	sdelay $0x4  }
0xbd: {  	v4 =	vshrl.u32 v3, $0x3  }
0xbe: {  	v4 =	vmul.u32 $0x30, v4  }
0xbf: {  	v3 =	vand.u32 $0x7, v3  }
0xc0: {  	v3 =	vor.u32 v3, v4  }
0xc1: {  	v4 =	vperm.xlane v3, v0;
	_ =	sdelay $0x1  }
0xc2: {  	v4 =	vadd.s32 v1, v4;
	_ =	sdelay $0x3  }
0xc3: {  	v3 =	vperm.xlane v3, v2  }
0xc4: {  	[tilespmem:s17], [sflag:$0x1] =	stream.indirect_vreg.gather [hbm4b:s2+s3], $0x80, v4, vm0, $0xb8;
	[tilespmem:$0x18400] =	vst v63  }
0xc5: {  	v3 =	vadd.s32 v1, v3;
	s17 =	simm.s32 $0xC00  }
0xc6: {  	[tilespmem:s17], [sflag:$0x1] =	stream.indirect_vreg.gather [hbm4b:s5+s3], $0x80, v4, vm0, $0xb8;
	[tilespmem:$0x18400] =	vst v63  }
0xc7: {  	_ = 	snop  }
0xc8: {  	[tilespmem:s16], [sflag:$0x1] =	stream.indirect_vreg.gather [hbm4b:s6+s3], $0x80, v4, vm0, $0xb8;
	[tilespmem:$0x18400] =	vst v63  }
0xc9: {  	s17 =	simm.s32 $0x1C00  }
0xca: {  	[tilespmem:s17], [sflag:$0x1] =	stream.indirect_vreg.gather [hbm4b:s2+s3], $0x80, v3, vm0, $0xb8;
	[tilespmem:$0x18400] =	vst v63  }
0xcb: {  	_ = 	snop  }
0xcc: {  	[tilespmem:s18], [sflag:$0x1] =	stream.indirect_vreg.gather [hbm4b:s5+s3], $0x80, v3, vm0, $0xb8;
	[tilespmem:$0x18400] =	vst v63  }
0xcd: {  	_ = 	snop  }
0xce: {  	[tilespmem:s19], [sflag:$0x1] =	stream.indirect_vreg.gather [hbm4b:s6+s3], $0x80, v3, vm0, $0xb8;
	[tilespmem:$0x18400] =	vst v63  }
0xcf: {  	v3 =	vld [tilespmem:s12+$0xFFFFFFA0];
	_ =	sdelay $0x4  }
0xd0: {  	v57 =	vshrl.u32 v3, $0x3  }
0xd1: {  	v4 =	vmul.u32 $0x30, v57  }
0xd2: {  	v3 =	vand.u32 $0x7, v3  }
0xd3: {  	v3 =	vor.u32 v3, v4  }
0xd4: {  	v4 =	vperm.xlane v3, v0;
	_ =	sdelay $0x1  }
0xd5: {  	v4 =	vadd.s32 v1, v4;
	_ =	sdelay $0x3  }
0xd6: {  	v3 =	vperm.xlane v3, v2  }
0xd7: {  	[tilespmem:s20], [sflag:$0x1] =	stream.indirect_vreg.gather [hbm4b:s2+s3], $0x80, v4, vm0, $0xb8;
	[tilespmem:$0x18400] =	vst v63  }
0xd8: {  	s17 =	simm.s32 $0x3C00;
	v3 =	vadd.s32 v1, v3  }
0xd9: {  	[tilespmem:s17], [sflag:$0x1] =	stream.indirect_vreg.gather [hbm4b:s5+s3], $0x80, v4, vm0, $0xb8;
	[tilespmem:$0x18400] =	vst v63  }
0xda: {  	_ = 	snop  }
0xdb: {  	[tilespmem:s22], [sflag:$0x1] =	stream.indirect_vreg.gather [hbm4b:s6+s3], $0x80, v4, vm0, $0xb8;
	[tilespmem:$0x18400] =	vst v63  }
0xdc: {  	_ = 	snop  }
0xdd: {  	[tilespmem:s23], [sflag:$0x1] =	stream.indirect_vreg.gather [hbm4b:s2+s3], $0x80, v3, vm0, $0xb8;
	[tilespmem:$0x18400] =	vst v63  }
0xde: {  	_ = 	snop  }
0xdf: {  	[tilespmem:s24], [sflag:$0x1] =	stream.indirect_vreg.gather [hbm4b:s5+s3], $0x80, v3, vm0, $0xb8;
	[tilespmem:$0x18400] =	vst v63  }
0xe0: {  	s17 =	simm.s32 $0x5C00  }
0xe1: {  	[tilespmem:s17], [sflag:$0x1] =	stream.indirect_vreg.gather [hbm4b:s6+s3], $0x80, v3, vm0, $0xb8;
	[tilespmem:$0x18400] =	vst v63  }
0xe2: {  	v3 =	vld [tilespmem:s12+$0xFFFFFFB0];
	_ =	sdelay $0x4  }
0xe3: {  	v58 =	vshrl.u32 v3, $0x3  }
0xe4: {  	v4 =	vmul.u32 $0x30, v58  }
0xe5: {  	v3 =	vand.u32 $0x7, v3  }
0xe6: {  	v3 =	vor.u32 v3, v4  }
0xe7: {  	v4 =	vperm.xlane v3, v0;
	_ =	sdelay $0x1  }
0xe8: {  	v4 =	vadd.s32 v1, v4;
	_ =	sdelay $0x3  }
0xe9: {  	v3 =	vperm.xlane v3, v2  }
0xea: {  	[tilespmem:s26], [sflag:$0x1] =	stream.indirect_vreg.gather [hbm4b:s2+s3], $0x80, v4, vm0, $0xb8;
	[tilespmem:$0x18400] =	vst v63  }
0xeb: {  	v3 =	vadd.s32 v1, v3  }
0xec: {  	[tilespmem:s28], [sflag:$0x1] =	stream.indirect_vreg.gather [hbm4b:s5+s3], $0x80, v4, vm0, $0xb8;
	[tilespmem:$0x18400] =	vst v63  }
0xed: {  	_ = 	snop  }
0xee: {  	[tilespmem:s29], [sflag:$0x1] =	stream.indirect_vreg.gather [hbm4b:s6+s3], $0x80, v4, vm0, $0xb8;
	[tilespmem:$0x18400] =	vst v63  }
0xef: {  	s17 =	simm.s32 $0x7C00  }
0xf0: {  	[tilespmem:s17], [sflag:$0x1] =	stream.indirect_vreg.gather [hbm4b:s2+s3], $0x80, v3, vm0, $0xb8;
	[tilespmem:$0x18400] =	vst v63  }
0xf1: {  	_ = 	snop  }
0xf2: {  	[tilespmem:s31], [sflag:$0x1] =	stream.indirect_vreg.gather [hbm4b:s5+s3], $0x80, v3, vm0, $0xb8;
	[tilespmem:$0x18400] =	vst v63  }
0xf3: {  	s17 =	simm.s32 $0x8C00  }
0xf4: {  	[tilespmem:s17], [sflag:$0x1] =	stream.indirect_vreg.gather [hbm4b:s6+s3], $0x80, v3, vm0, $0xb8;
	[tilespmem:$0x18400] =	vst v63  }
0xf5: {  	v3 =	vld [tilespmem:s12+$0xFFFFFFC0];
	_ =	sdelay $0x4  }
0xf6: {  	v59 =	vshrl.u32 v3, $0x3  }
0xf7: {  	v4 =	vmul.u32 $0x30, v59  }
0xf8: {  	v3 =	vand.u32 $0x7, v3  }
0xf9: {  	v3 =	vor.u32 v3, v4  }
0xfa: {  	v4 =	vperm.xlane v3, v0;
	_ =	sdelay $0x1  }
0xfb: {  	v4 =	vadd.s32 v1, v4;
	_ =	sdelay $0x3  }
0xfc: {  	v3 =	vperm.xlane v3, v2  }
0xfd: {  	[tilespmem:s0], [sflag:$0x1] =	stream.indirect_vreg.gather [hbm4b:s2+s3], $0x80, v4, vm0, $0xb8;
	[tilespmem:$0x18400] =	vst v63  }
0xfe: {  	v3 =	vadd.s32 v1, v3  }
0xff: {  	[tilespmem:s4], [sflag:$0x1] =	stream.indirect_vreg.gather [hbm4b:s5+s3], $0x80, v4, vm0, $0xb8;
	[tilespmem:$0x18400] =	vst v63  }
0x100: {  	_ = 	snop  }
0x101: {  	[tilespmem:s11], [sflag:$0x1] =	stream.indirect_vreg.gather [hbm4b:s6+s3], $0x80, v4, vm0, $0xb8;
	[tilespmem:$0x18400] =	vst v63  }
0x102: {  	_ = 	snop  }
0x103: {  	[tilespmem:s21], [sflag:$0x1] =	stream.indirect_vreg.gather [hbm4b:s2+s3], $0x80, v3, vm0, $0xb8;
	[tilespmem:$0x18400] =	vst v63  }
0x104: {  	s17 =	simm.s32 $0xB400  }
0x105: {  	[tilespmem:s17], [sflag:$0x1] =	stream.indirect_vreg.gather [hbm4b:s5+s3], $0x80, v3, vm0, $0xb8;
	[tilespmem:$0x18400] =	vst v63  }
0x106: {  	s17 =	simm.s32 $0xBC00  }
0x107: {  	[tilespmem:s17], [sflag:$0x1] =	stream.indirect_vreg.gather [hbm4b:s6+s3], $0x80, v3, vm0, $0xb8;
	[tilespmem:$0x18400] =	vst v63  }
0x108: {  	_ =	swait.ge [sflag:s9], $0xC000  }
0x109: {  	[sflag:s9] =	ssyncset.done $0x0  }
0x10a: {  	s14 =	sadd.s32 $0x1800, s14;
	s17 =	simm.s32 $0xC400;
	[sflag:s9] =	ssyncadd.s32 $0xFFFF4000  }
0x10b: {  	[hbm4b:s14+s3] =	stream.linear.scatter [tilespmem:s17], [sflag:$0x3], $0xC000, $0x38;
	[tilespmem:$0x18400] =	vst v63  }
0x10c: {  	_ =	swait.ge [sflag:s10], $0xC000  }
0x10d: {  	[sflag:s10] =	ssyncset.done $0x0  }
0x10e: {  	[sflag:s10] =	ssyncadd.s32 $0xFFFF4000  }
0x10f: {  	v3 =	vld [tilespmem:s12+$0xFFFFFFD0];
	_ =	sdelay $0x4  }
0x110: {  	v60 =	vshrl.u32 v3, $0x3  }
0x111: {  	v4 =	vmul.u32 $0x30, v60  }
0x112: {  	v3 =	vand.u32 $0x7, v3  }
0x113: {  	v3 =	vor.u32 v3, v4  }
0x114: {  	v4 =	vperm.xlane v3, v0;
	_ =	sdelay $0x1  }
0x115: {  	v4 =	vadd.s32 v1, v4;
	_ =	sdelay $0x3  }
0x116: {  	v3 =	vperm.xlane v3, v2  }
0x117: {  	[tilespmem:s17], [sflag:$0x2] =	stream.indirect_vreg.gather [hbm4b:s2+s3], $0x80, v4, vm0, $0xb8;
	[tilespmem:$0x18400] =	vst v63  }
0x118: {  	v3 =	vadd.s32 v1, v3;
	s17 =	simm.s32 $0xCC00  }
0x119: {  	[tilespmem:s17], [sflag:$0x2] =	stream.indirect_vreg.gather [hbm4b:s5+s3], $0x80, v4, vm0, $0xb8;
	[tilespmem:$0x18400] =	vst v63  }
0x11a: {  	s17 =	simm.s32 $0xD400  }
0x11b: {  	[tilespmem:s17], [sflag:$0x2] =	stream.indirect_vreg.gather [hbm4b:s6+s3], $0x80, v4, vm0, $0xb8;
	[tilespmem:$0x18400] =	vst v63  }
0x11c: {  	s17 =	simm.s32 $0xDC00  }
0x11d: {  	[tilespmem:s17], [sflag:$0x2] =	stream.indirect_vreg.gather [hbm4b:s2+s3], $0x80, v3, vm0, $0xb8;
	[tilespmem:$0x18400] =	vst v63  }
0x11e: {  	s17 =	simm.s32 $0xE400  }
0x11f: {  	[tilespmem:s17], [sflag:$0x2] =	stream.indirect_vreg.gather [hbm4b:s5+s3], $0x80, v3, vm0, $0xb8;
	[tilespmem:$0x18400] =	vst v63  }
0x120: {  	s17 =	simm.s32 $0xEC00  }
0x121: {  	[tilespmem:s17], [sflag:$0x2] =	stream.indirect_vreg.gather [hbm4b:s6+s3], $0x80, v3, vm0, $0xb8;
	[tilespmem:$0x18400] =	vst v63  }
0x122: {  	v3 =	vld [tilespmem:s12+$0xFFFFFFE0];
	_ =	sdelay $0x4  }
0x123: {  	v61 =	vshrl.u32 v3, $0x3  }
0x124: {  	v4 =	vmul.u32 $0x30, v61  }
0x125: {  	v3 =	vand.u32 $0x7, v3  }
0x126: {  	v3 =	vor.u32 v3, v4  }
0x127: {  	v4 =	vperm.xlane v3, v0;
	_ =	sdelay $0x1  }
0x128: {  	v4 =	vadd.s32 v1, v4;
	_ =	sdelay $0x3  }
0x129: {  	s17 =	simm.s32 $0xF400;
	v3 =	vperm.xlane v3, v2  }
0x12a: {  	[tilespmem:s17], [sflag:$0x2] =	stream.indirect_vreg.gather [hbm4b:s2+s3], $0x80, v4, vm0, $0xb8;
	[tilespmem:$0x18400] =	vst v63  }
0x12b: {  	v3 =	vadd.s32 v1, v3;
	s17 =	simm.s32 $0xFC00  }
0x12c: {  	[tilespmem:s17], [sflag:$0x2] =	stream.indirect_vreg.gather [hbm4b:s5+s3], $0x80, v4, vm0, $0xb8;
	[tilespmem:$0x18400] =	vst v63  }
0x12d: {  	s17 =	simm.s32 $0x10400  }
0x12e: {  	[tilespmem:s17], [sflag:$0x2] =	stream.indirect_vreg.gather [hbm4b:s6+s3], $0x80, v4, vm0, $0xb8;
	[tilespmem:$0x18400] =	vst v63  }
0x12f: {  	s17 =	simm.s32 $0x10C00  }
0x130: {  	[tilespmem:s17], [sflag:$0x2] =	stream.indirect_vreg.gather [hbm4b:s2+s3], $0x80, v3, vm0, $0xb8;
	[tilespmem:$0x18400] =	vst v63  }
0x131: {  	s17 =	simm.s32 $0x11400  }
0x132: {  	[tilespmem:s17], [sflag:$0x2] =	stream.indirect_vreg.gather [hbm4b:s5+s3], $0x80, v3, vm0, $0xb8;
	[tilespmem:$0x18400] =	vst v63  }
0x133: {  	s17 =	simm.s32 $0x11C00  }
0x134: {  	[tilespmem:s17], [sflag:$0x2] =	stream.indirect_vreg.gather [hbm4b:s6+s3], $0x80, v3, vm0, $0xb8;
	[tilespmem:$0x18400] =	vst v63  }
0x135: {  	v3 =	vld [tilespmem:s12+$0xFFFFFFF0];
	_ =	sdelay $0x4  }
0x136: {  	v62 =	vshrl.u32 v3, $0x3  }
0x137: {  	v4 =	vmul.u32 $0x30, v62  }
0x138: {  	v3 =	vand.u32 $0x7, v3  }
0x139: {  	v3 =	vor.u32 v3, v4  }
0x13a: {  	v4 =	vperm.xlane v3, v0;
	_ =	sdelay $0x1  }
0x13b: {  	v4 =	vadd.s32 v1, v4;
	_ =	sdelay $0x3  }
0x13c: {  	s17 =	simm.s32 $0x12400;
	v3 =	vperm.xlane v3, v2  }
0x13d: {  	[tilespmem:s17], [sflag:$0x2] =	stream.indirect_vreg.gather [hbm4b:s2+s3], $0x80, v4, vm0, $0xb8;
	[tilespmem:$0x18400] =	vst v63  }
0x13e: {  	v3 =	vadd.s32 v1, v3;
	s17 =	simm.s32 $0x12C00  }
0x13f: {  	[tilespmem:s17], [sflag:$0x2] =	stream.indirect_vreg.gather [hbm4b:s5+s3], $0x80, v4, vm0, $0xb8;
	[tilespmem:$0x18400] =	vst v63  }
0x140: {  	s17 =	simm.s32 $0x13400  }
0x141: {  	[tilespmem:s17], [sflag:$0x2] =	stream.indirect_vreg.gather [hbm4b:s6+s3], $0x80, v4, vm0, $0xb8;
	[tilespmem:$0x18400] =	vst v63  }
0x142: {  	s17 =	simm.s32 $0x13C00  }
0x143: {  	[tilespmem:s17], [sflag:$0x2] =	stream.indirect_vreg.gather [hbm4b:s2+s3], $0x80, v3, vm0, $0xb8;
	[tilespmem:$0x18400] =	vst v63  }
0x144: {  	s17 =	simm.s32 $0x14400  }
0x145: {  	[tilespmem:s17], [sflag:$0x2] =	stream.indirect_vreg.gather [hbm4b:s5+s3], $0x80, v3, vm0, $0xb8;
	[tilespmem:$0x18400] =	vst v63  }
0x146: {  	s17 =	simm.s32 $0x14C00  }
0x147: {  	[tilespmem:s17], [sflag:$0x2] =	stream.indirect_vreg.gather [hbm4b:s6+s3], $0x80, v3, vm0, $0xb8;
	[tilespmem:$0x18400] =	vst v63  }
0x148: {  	v3 =	vld [tilespmem:s12+$0x0];
	_ =	sdelay $0x4  }
0x149: {  	v63 =	vshrl.u32 v3, $0x3  }
0x14a: {  	v4 =	vmul.u32 $0x30, v63  }
0x14b: {  	v3 =	vand.u32 $0x7, v3  }
0x14c: {  	v3 =	vor.u32 v3, v4  }
0x14d: {  	v4 =	vperm.xlane v3, v0;
	_ =	sdelay $0x1  }
0x14e: {  	v4 =	vadd.s32 v1, v4;
	_ =	sdelay $0x3  }
0x14f: {  	s17 =	simm.s32 $0x15400;
	v3 =	vperm.xlane v3, v2  }
0x150: {  	[tilespmem:s17], [sflag:$0x2] =	stream.indirect_vreg.gather [hbm4b:s2+s3], $0x80, v4, vm0, $0xb8;
	[tilespmem:$0x18400] =	vst v63  }
0x151: {  	v3 =	vadd.s32 v1, v3;
	s17 =	simm.s32 $0x15C00  }
0x152: {  	[tilespmem:s17], [sflag:$0x2] =	stream.indirect_vreg.gather [hbm4b:s5+s3], $0x80, v4, vm0, $0xb8;
	[tilespmem:$0x18400] =	vst v63  }
0x153: {  	_ = 	snop  }
0x154: {  	[tilespmem:s25], [sflag:$0x2] =	stream.indirect_vreg.gather [hbm4b:s6+s3], $0x80, v4, vm0, $0xb8;
	[tilespmem:$0x18400] =	vst v63  }
0x155: {  	p0 =	sne.s32 s13, $0x12000  }
0x156: {  	[tilespmem:s30], [sflag:$0x2] =	stream.indirect_vreg.gather [hbm4b:s2+s3], $0x80, v3, vm0, $0xb8;
	[tilespmem:$0x18400] =	vst v63  }
.Ltmp0:
0x157: {  	_ = 	snop;
	(pc) =	sbr.rel @p0 .LBB2_2-.Ltmp0, $4  }
0x158: {  	s8 =	simm.s32 $0x400  }
0x159: {  	[tilespmem:s1], [sflag:$0x2] =	stream.indirect_vreg.gather [hbm4b:s5+s3], $0x80, v3, vm0, $0xb8;
	[tilespmem:$0x18400] =	vst v63  }
0x15a: {  	s13 =	sadd.s32 $0x3000, s13;
	s14 =	simm.s32 $0xC400;
	s12 =	sadd.s32 $0x80, s12  }
0x15b: {  	[tilespmem:s15], [sflag:$0x2] =	stream.indirect_vreg.gather [hbm4b:s6+s3], $0x80, v3, vm0, $0xb8;
	[tilespmem:$0x18400] =	vst v63  }
0x15c: {  	_ =	swait.ge [sflag:s7], $0xC000  }
0x15d: {  	[sflag:s7] =	ssyncset.done $0x0  }
0x15e: {  	s12 =	rddreg [dreg:$0x5];
	[sflag:s7] =	ssyncadd.s32 $0xFFFF4000  }
0x15f: {  	[hbm4b:s12+s3] =	stream.linear.scatter [tilespmem:s8], [sflag:$0x3], $0xC000, $0x38;
	[tilespmem:$0x18400] =	vst v63  }
0x160: {  	_ =	swait.ge [sflag:s10], $0xC000  }
0x161: {  	[sflag:s10] =	ssyncset.done $0x0  }
0x162: {  	[sflag:s10] =	ssyncadd.s32 $0xFFFF4000  }
0x163: {  	_ =	swait.ge [sflag:s9], $0xC000  }
0x164: {  	s13 =	simm.s32 $0xC00;
	s30 =	simm.s32 $0x1400;
	[sflag:s9] =	ssyncset.done $0x0  }
0x165: {  	s15 =	simm.s32 $0x1C00;
	s25 =	rddreg [dreg:$0x6];
	[sflag:s9] =	ssyncadd.s32 $0xFFFF4000  }
0x166: {  	[hbm4b:s25+s3] =	stream.linear.scatter [tilespmem:s14], [sflag:$0x3], $0xC000, $0x38;
	[tilespmem:$0x18400] =	vst v63  }
0x167: {  	s16 =	simm.s32 $0x2400;
	s17 =	simm.s32 $0x2C00;
	_ =	swait.ge [sflag:s10], $0xC000  }
0x168: {  	s18 =	simm.s32 $0x3400;
	s19 =	simm.s32 $0x3C00;
	s0 =	rddreg [dreg:$0x8]  }
0x169: {  	s20 =	simm.s32 $0x4400;
	s26 =	rddreg [dreg:$0x7];
	s0 =	sadd.s32 $0x1, s0  }
0x16a: {  	s21 =	simm.s32 $0x4C00;
	s22 =	simm.s32 $0x5400;
	p0 =	sne.s32 s0, s26  }
.Ltmp1:
0x16b: {  	s23 =	simm.s32 $0x5C00;
	s24 =	simm.s32 $0x6400;
	(pc) =	sbr.rel @p0 .LBB2_1-.Ltmp1, $4  }
0x16c: {  	s28 =	simm.s32 $0x7C00;
	s29 =	simm.s32 $0x8400;
	s1 =	simm.s32 $0x8C00  }
0x16d: {  	s4 =	simm.s32 $0x9C00;
	s11 =	simm.s32 $0xA400;
	[sflag:s10] =	ssyncset.done $0x0  }
0x16e: {  	s31 =	simm.s32 $0xAC00;
	s25 =	simm.s32 $0x6C00;
	[sflag:s10] =	ssyncadd.s32 $0xFFFF4000  }
0x16f: {  	[dreg:$0x8] =	wrdreg s0;
	s26 =	simm.s32 $0x7400;
	s0 =	simm.s32 $0x9400  }
0x170: {  	_ =	sfence.sel $0x180000  }
0x171: {  	[bflag:$0x0] =	sbarrier.arrive $0xFFFF  }
0x172: {  	_ =	strace $0x9000004D  }
0x173: {  	s0 =	stileid.u32;
	[bflag:$0x2] =	sbarrier.arrive $0xFFFF  }
0x174: {  	p0 =	sne.s32 s0, $0x0;
	s0 =	rddreg [dreg:$0x2]  }
0x175: {  	s0 =	sadd.s32 @!p0 $0x100000, s0  }
0x176: {  	[sflag:s0] =	ssyncadd.tile.s32 @!p0 $0x1;
	_ =	shalt  }
.Lfunc_end2:
_tile_overlayer_lowered:
.L_overlay_start_2:
0x177: {  	(tag) =	ssettag $0x2  }
0x178: {  	s0 =	rddreg [dreg:$0x0];
	s2 =	stileid.u32  }
0x179: {  	s1 =	rddreg [dreg:$0x1];
	p0 =	sne.s32 s2, $0x0  }
0x17a: {  	s3 =	rddreg [dreg:$0x2];
	[bflag:$0x3] =	sbarrier.arrive $0xFFFF;
	s2 =	simm.s32 @!p0 $0x1C03  }
0x17b: {  	[timem:s3], [sflag:s2] =	dma.local @!p0 [hbm:s0], s1  }
0x17c: {  	s0 =	simm.s32 @!p0 $0x3  }
0x17d: {  	_ =	swait.ge @!p0 [sflag:s0], s1  }
0x17e: {  	s1 =	ssub.s32 @!p0 $0x0, s1;
	[sflag:s0] =	ssyncset.done @!p0 $0x0  }
0x17f: {  	[sflag:s0] =	ssyncadd.s32 @!p0 s1  }
0x180: {  	[bflag:$0x3] =	sbarrier.arrive $0xFFFF  }
0x181: {  	_ =	shalt  }

// kernel: kernel.19.cloned.1.call-start
scs
__scs_entry_jumppad:
0x0: {  	(pc) =	sbr.rel $0x88, $3  }
0x1: {  	(tag) =	ssettag $0x0;
	lr =	simm.s32 $0x1  }
0x2: {  	[smem:$0x3F9C] =	sst lr;
	_ =	strace $0xD0000000  }
0x3: {  	_ = 	snop  }
0x4: {  	_ = 	snop  }
0x5: {  	_ = 	snop  }
0x6: {  	_ = 	snop  }
0x7: {  	_ = 	snop  }
__scs_overlays_trampoline_lowered:
0x8: {  	[smem:$0x3FAB] =	sst s0  }
0x9: {  	[smem:$0x3FAC] =	sst s1  }
0xa: {  	[smem:$0x3FAD] =	sst s2  }
0xb: {  	[smem:$0x3FAE] =	sst s3  }
0xc: {  	[smem:$0x3FAF] =	sst s4  }
0xd: {  	[smem:$0x3FB0] =	sst s5  }
0xe: {  	[smem:$0x3FB1] =	sst s6  }
0xf: {  	[smem:$0x3FB2] =	sst s7  }
0x10: {  	[smem:$0x3FB3] =	sst s8  }
0x11: {  	[smem:$0x3FB4] =	sst s9;
	s0 =	simm.s32 @!p0 $0x0  }
0x12: {  	s1 =	sld [smem:$0x3F9A];
	s0 =	simm.s32 @p0 $0x1  }
0x13: {  	[smem:$0x3FB5] =	sst s0;
	s0 =	simm.s32 @!p1 $0x0  }
0x14: {  	s2 =	sld [smem:$0x3F99];
	s0 =	simm.s32 @p1 $0x1  }
0x15: {  	[smem:$0x3FB6] =	sst s0;
	s0 =	simm.s32 @!p2 $0x0  }
0x16: {  	s3 =	sld [smem:$0x3FDB];
	s0 =	simm.s32 @p2 $0x1  }
0x17: {  	s4 =	simm.s32 $0x1BF5;
	[smem:$0x3FB8] =	sst s0  }
0x18: {  	s0 =	sld [smem:$0x3F9B];
	_ =	swait.ge [sflag:s4], $0x0  }
0x19: {  	s7 =	sld [smem:$0x3F9C]  }
0x1a: {  	s8 =	sadd.s32 $0xFFFFE003, lr  }
0x1b: {  	s9 =	sadd.s32 $0xFFFFFEF7, lr;
	s5 =	simm.s32 $0xFFFFFFFF;
	p2 =	slt.u32 s8, $0xFFFFF086  }
0x1c: {  	p1 =	slt.u32 s9, $0xF7A;
	s5 =	simm.s32 @!p2 $0x0  }
0x1d: {  	s5 =	simm.s32 @p1 $0x1;
	p0 =	seq.s32 s7, s2  }
0x1e: {  	s7 =	smul.u32 @!p0 $0xF7A, s2;
	p2 =	seq.s32 @!p0 s5, $0x0  }
0x1f: {  	s9 =	smul.u32 $0xF7A, s1;
	s8 =	simm.s32 @!p0 $0x1BF5;
	p2 =	por !p2, p0  }
0x20: {  	[sflag:s8] =	ssyncset.s32 @!p0 $0xFFFFF086;
	s6 =	sadd.s32 @!p0 s3, s7;
	s7 =	simm.s32 @!p0 $0x108  }
0x21: {  	s3 =	sadd.s32 s3, s9;
	s6 =	sadd.s32 @!p0 $0x88, s6;
	s7 =	simm.s32 @p2 $0x1082  }
0x22: {  	[simem:s7], [sflag:s8] =	dma.local @!p0 [hbm:s6], $0xF7A  }
0x23: {  	s9 =	sor.u32 $0xD0000000, s2;
	s6 =	simm.s32 $0x108;
	_ =	swait.ge @!p0 [sflag:s8], $0x0  }
0x24: {  	s3 =	sadd.s32 $0x88, s3;
	s6 =	simm.s32 @!p1 $0x1082;
	[sflag:s4] =	ssyncset.s32 $0xFFFFF086  }
0x25: {  	[simem:s6], [sflag:s4] =	dma.local [hbm:s3], $0xF7A  }
0x26: {  	[smem:$0x3F9C] =	sst s1;
	(tag) =	ssettag s2;
	_ =	strace s9  }
0x27: {  	s1 =	sld [smem:$0x3FAC]  }
0x28: {  	s2 =	sld [smem:$0x3FAD]  }
0x29: {  	s4 =	sld [smem:$0x3FAF]  }
0x2a: {  	p0 =	seq.s32 s5, $0x0;
	s5 =	sld [smem:$0x3FB0]  }
0x2b: {  	s6 =	sld [smem:$0x3FB1]  }
0x2c: {  	s7 =	sld [smem:$0x3FB2]  }
0x2d: {  	s3 =	simm.s32 $0x108;
	s8 =	sld [smem:$0x3FB3]  }
0x2e: {  	s3 =	simm.s32 @!p0 $0x1082;
	s9 =	sld [smem:$0x3FB4]  }
0x2f: {  	lr =	sadd.s32 s0, s3;
	s0 =	sld [smem:$0x3FAB]  }
0x30: {  	s3 =	sld [smem:$0x3FAE]  }
0x31: {  	[smem:$0x3FB7] =	sst s10  }
0x32: {  	s10 =	sld [smem:$0x3FB5];
	_ =	sdelay $0x3  }
0x33: {  	p0 =	seq.s32 s10, $0x1;
	s10 =	sld [smem:$0x3FB7];
	_ =	sdelay $0x3  }
0x34: {  	[smem:$0x3FB7] =	sst s10  }
0x35: {  	s10 =	sld [smem:$0x3FB6];
	_ =	sdelay $0x3  }
0x36: {  	p1 =	seq.s32 s10, $0x1;
	s10 =	sld [smem:$0x3FB7];
	_ =	sdelay $0x3  }
0x37: {  	[smem:$0x3FB7] =	sst s10  }
0x38: {  	s10 =	sld [smem:$0x3FB8]  }
0x39: {  	_ = 	snop;
	(pc) =	sbr.ind lr, $3  }
0x3a: {  	_ = 	snop  }
0x3b: {  	_ = 	snop  }
0x3c: {  	p2 =	seq.s32 s10, $0x1;
	s10 =	sld [smem:$0x3FB7]  }
0x3d: {  	_ =	shalt  }
0x3e: {  	_ =	shalt  }
0x3f: {  	_ =	shalt  }
0x40: {  	_ =	shalt  }
0x41: {  	_ =	shalt  }
0x42: {  	_ =	shalt  }
0x43: {  	_ =	shalt  }
0x44: {  	_ =	shalt  }
0x45: {  	_ =	shalt  }
0x46: {  	_ =	shalt  }
0x47: {  	_ =	shalt  }
0x48: {  	_ =	shalt  }
0x49: {  	_ =	shalt  }
0x4a: {  	_ =	shalt  }
0x4b: {  	_ =	shalt  }
0x4c: {  	_ =	shalt  }
0x4d: {  	_ =	shalt  }
0x4e: {  	_ =	shalt  }
0x4f: {  	_ =	shalt  }
0x50: {  	_ =	shalt  }
0x51: {  	_ =	shalt  }
0x52: {  	_ =	shalt  }
0x53: {  	_ =	shalt  }
0x54: {  	_ =	shalt  }
0x55: {  	_ =	shalt  }
0x56: {  	_ =	shalt  }
0x57: {  	_ =	shalt  }
0x58: {  	_ =	shalt  }
0x59: {  	_ =	shalt  }
0x5a: {  	_ =	shalt  }
0x5b: {  	_ =	shalt  }
0x5c: {  	_ =	shalt  }
0x5d: {  	_ =	shalt  }
0x5e: {  	_ =	shalt  }
0x5f: {  	_ =	shalt  }
0x60: {  	_ =	shalt  }
0x61: {  	_ =	shalt  }
0x62: {  	_ =	shalt  }
0x63: {  	_ =	shalt  }
0x64: {  	_ =	shalt  }
0x65: {  	_ =	shalt  }
0x66: {  	_ =	shalt  }
0x67: {  	_ =	shalt  }
0x68: {  	_ =	shalt  }
0x69: {  	_ =	shalt  }
0x6a: {  	_ =	shalt  }
0x6b: {  	_ =	shalt  }
0x6c: {  	_ =	shalt  }
0x6d: {  	_ =	shalt  }
0x6e: {  	_ =	shalt  }
0x6f: {  	_ =	shalt  }
0x70: {  	_ =	shalt  }
0x71: {  	_ =	shalt  }
0x72: {  	_ =	shalt  }
0x73: {  	_ =	shalt  }
0x74: {  	_ =	shalt  }
0x75: {  	_ =	shalt  }
0x76: {  	_ =	shalt  }
0x77: {  	_ =	shalt  }
0x78: {  	_ =	shalt  }
0x79: {  	_ =	shalt  }
0x7a: {  	_ =	shalt  }
0x7b: {  	_ =	shalt  }
0x7c: {  	_ =	shalt  }
0x7d: {  	_ =	shalt  }
0x7e: {  	_ =	shalt  }
0x7f: {  	_ =	shalt  }
0x80: {  	_ =	shalt  }
0x81: {  	_ =	shalt  }
0x82: {  	_ =	shalt  }
0x83: {  	_ =	shalt  }
0x84: {  	_ =	shalt  }
0x85: {  	_ =	shalt  }
0x86: {  	_ =	shalt  }
0x87: {  	_ =	shalt  }
.Lfunc_end0:
.L_simem_size_0:
called_computation.3_lowered:
.L_overlay_start_0:
0x88: {  	s2 =	sld [smem:$0x3FD9]  }
0x89: {  	s3 =	sld [smem:$0x3FFE];
	_ =	sdelay $0x1  }
0x8a: {  	s1 =	srdreg.scid  }
0x8b: {  	s0 =	sand.u32 $0x1, s1  }
0x8c: {  	s17 =	sshll.u32 s0, $0xA;
	s2 =	sadd.s32 s3, s2  }
0x8d: {  	s2 =	sadd.s32 s2, s17  }
0x8e: {  	[smem:$0x3FC3] =	sst s2  }
0x8f: {  	_ = 	snop  }
0x90: {  	s18 =	sld [smem:$0x3FC8];
	(tm) =	ssettm $0x1  }
0x91: {  	s19 =	sld [smem:$0x3FFB];
	_ =	sdelay $0x3  }
0x92: {  	_ =	strace s19  }
0x93: {  	s2 =	sld [smem:$0x3FFC];
	_ =	sdelay $0x3  }
0x94: {  	_ =	strace s2  }
0x95: {  	s2 =	sld [smem:$0x3FFD];
	_ =	sdelay $0x3  }
0x96: {  	_ =	strace s2  }
0x97: {  	_ =	strace $0x8FFFFFFF  }
0x98: {  	s20 =	sld [smem:$0x3FDB];
	_ =	sdelay $0x1  }
0x99: {  	s4 =	simm.s32 $_scs_section_size  }
0x9a: {  	s5 =	simm.s32 $_size__tile_overlayer_lowered;
	s6 =	simm.s32 $_tile_overlayer_lowered  }
0x9b: {  	s7 =	simm.s32 $0x1BFF;
	s21 =	sshll.u32 s6, $0x1;
	s4 =	sadd.s32 s4, s20  }
0x9c: {  	s22 =	simm.s32 $0x0;
	s5 =	sshll.u32 s5, $0x1;
	s6 =	sadd.s32 s21, s4  }
0x9d: {  	[timem:s22], [sflag:s7] =	dma.local [hbm:s6], s5  }
0x9e: {  	_ =	swait.ge [sflag:s7], s5  }
0x9f: {  	s5 =	ssub.s32 $0x0, s5;
	[sflag:s7] =	ssyncset.done $0x0  }
0xa0: {  	[sflag:s7] =	ssyncadd.s32 s5;
	_ =	sdelay $0x1  }
0xa1: {  	s23 =	simm.s32 $0x1B8B  }
0xa2: {  	_ =	swait.ge [sflag:s23], $0x1  }
0xa3: {  	[sflag:s23] =	ssyncset.done $0x0  }
0xa4: {  	[sflag:s23] =	ssyncadd.s32 $0xFFFFFFFF  }
0xa5: {  	s5 =	sld [smem:$0x0]  }
0xa6: {  	s6 =	sand.u32 $0xFFFFFFFE, s1  }
0xa7: {  	p0 =	sne.s32 s1, s6  }
0xa8: {  	s6 =	sshll.u32 @p0 s6, $0xE  }
0xa9: {  	s6 =	sadd.s32 @p0 $0x11B8D, s6;
	s7 =	sshll.u32 @p0 s5, $0x11  }
0xaa: {  	s6 =	sor.u32 @p0 s7, s6  }
0xab: {  	[sflag:s6] =	ssyncadd.remote.s32 @p0 $0x1;
	_ =	sdelay $0x1  }
0xac: {  	s6 =	simm.s32 @p0 $0x1B8D  }
0xad: {  	_ =	swait.eq @p0 [sflag:s6], $0x1  }
0xae: {  	[sflag:s6] =	ssyncadd.s32 @p0 $0xFFFFFFFF  }
0xaf: {  	s7 =	sshll.u32 @!p0 s1, $0xE  }
0xb0: {  	s7 =	sor.u32 @!p0 $0x4000, s7;
	s6 =	simm.s32 @!p0 $0x1B8D  }
0xb1: {  	s5 =	sshll.u32 @!p0 s5, $0x11;
	s7 =	sadd.s32 @!p0 $0x11B8D, s7;
	_ =	swait.eq @!p0 [sflag:s6], $0x1  }
0xb2: {  	s5 =	sor.u32 @!p0 s5, s7;
	[sflag:s6] =	ssyncadd.s32 @!p0 $0xFFFFFFFF  }
0xb3: {  	s25 =	simm.s32 $0x1B8E;
	s24 =	sld [smem:$0x3FFE];
	[sflag:s5] =	ssyncadd.remote.s32 @!p0 $0x1  }
0xb4: {  	s26 =	simm.s32 $execute0_lowered;
	[smem:$0x3FD2] =	sst s25  }
0xb5: {  	s6 =	sshll.u32 s26, $0x1;
	_ =	strace $0x8000004F;
	[dreg:$0x1] =	wrdreg $0xFFFFFFFF  }
0xb6: {  	s28 =	simm.s32 $_size_execute0_lowered;
	s4 =	sadd.s32 s4, s6;
	[dreg:$0x0] =	wrdreg $0x0  }
0xb7: {  	s6 =	sshll.u32 s28, $0x1;
	[dreg:$0x2] =	wrdreg s4  }
0xb8: {  	[dreg:$0x3] =	wrdreg s6  }
0xb9: {  	[dreg:$0x4] =	wrdreg $0xC0  }
0xba: {  	_ =	task [dreg:s22], $0x5FFFF  }
0xbb: {  	[dreg:$0x1] =	wrdreg $0xFFFFFFFF  }
0xbc: {  	[dreg:$0x0] =	wrdreg $0x60  }
0xbd: {  	[dreg:$0x2] =	wrdreg s18  }
0xbe: {  	[dreg:$0x3] =	wrdreg s24  }
0xbf: {  	[dreg:$0x4] =	wrdreg $0xC  }
0xc0: {  	_ =	task.clear_ibuf [dreg:s22], $0x5FFFF;
	_ =	strace $0x9000004F  }
0xc1: {  	s29 =	simm.s32 $0xC;
	_ =	strace $0x80000051  }
0xc2: {  	_ =	swait.ge [sflag:s29], $0x1  }
0xc3: {  	[sflag:s29] =	ssyncadd.s32 $0xFFFFFFFF  }
0xc4: {  	_ =	strace $0x90000051  }
0xc5: {  	_ =	sfence  }
0xc6: {  	s30 =	sld [smem:$0x0];
	_ =	sdelay $0x2  }
0xc7: {  	s31 =	sshll.u32 s1, $0xD;
	s1 =	sshrl.u32 s1, $0x2  }
0xc8: {  	s4 =	sand.u32 $0x4000, s31;
	s1 =	sadd.s32 s1, s30  }
0xc9: {  	s0 =	sor.u32 s4, s0;
	s1 =	sshll.u32 s1, $0x11  }
0xca: {  	s0 =	sor.u32 s1, s0  }
0xcb: {  	s0 =	sadd.s32 $0x8F2B, s0  }
0xcc: {  	[sflag:s0] =	ssyncadd.remote.s32 $0x1  }
0xcd: {  	_ =	sfence.sel $0xFFFF  }
0xce: {  	[dreg:$0x0] =	wrdreg $0xFFFFFFFF;
	(pc) =	sbr.abs _section_cstart, $3  }
0xcf: {  	[dreg:$0x1] =	wrdreg $0xFFFFFFFF  }
0xd0: {  	_ =	task.clear_ibuf [dreg:s22], $0x2FFFF;
	_ =	strace $0x9FFFFFFF  }
0xd1: {  	(tm) =	ssettm $0x7FFFFFFF  }
tec
execute0_lowered:
.L_overlay_start_1:
0x0: {  	(tag) =	ssettag $0x1  }
0x1: {  	s0 =	srdreg.scid;
	s2 =	rddreg [dreg:$0x0]  }
0x2: {  	s3 =	stileid.u32;
	s1 =	rddreg [dreg:$0x1]  }
0x3: {  	s10 =	simm.s32 $0x3;
	s13 =	simm.s32 $0xC00;
	s30 =	simm.s32 $0x1400  }
0x4: {  	s15 =	simm.s32 $0x1C00;
	s16 =	simm.s32 $0x2400;
	s17 =	simm.s32 $0x2C00  }
0x5: {  	s18 =	simm.s32 $0x3400;
	s19 =	simm.s32 $0x3C00;
	s20 =	simm.s32 $0x4400  }
0x6: {  	s21 =	simm.s32 $0x4C00;
	s22 =	simm.s32 $0x5400;
	s23 =	simm.s32 $0x5C00  }
0x7: {  	s28 =	simm.s32 $0x7C00;
	s29 =	simm.s32 $0x8400;
	s11 =	simm.s32 $0xA400  }
0x8: {  	s31 =	simm.s32 $0xAC00;
	s14 =	simm.s32 $0xC400;
	s9 =	simm.s32 $0x2  }
0x9: {  	s0 =	sand.u32 $0x1, s0;
	s4 =	sshll.u32 s3, $0xB;
	s3 =	simm.s32 $0x0  }
0xa: {  	s12 =	simm.s32 $0x0;
	s5 =	sshll.u32 s0, $0xA;
	[smem:$0x7FF] =	sst s3  }
0xb: {  	s0 =	ssub.s32 $0x2, s0;
	s4 =	sor.u32 s5, s4;
	_ =	strace $0x80000050  }
0xc: {  	s24 =	sshrl.u32 s0, $0x1;
	s5 =	sadd.s32 $0x100, s2;
	[dreg:$0x8] =	wrdreg s12  }
0xd: {  	s4 =	sshrl.u32 s4, $0x3;
	s0 =	ssub.s32 s0, s24;
	s24 =	simm.s32 $0x6400  }
0xe: {  	s6 =	smul.u32 $0x1800, s4;
	s7 =	sadd.s32 s4, s1;
	s0 =	smax.u32 s0, $0x1  }
0xf: {  	s1 =	sadd.s32 $0x904A00, s1;
	s25 =	sadd.s32 $0x303A00, s7;
	[dreg:$0x7] =	wrdreg s0  }
0x10: {  	s4 =	smul.u32 $0x300, s4;
	s0 =	simm.s32 $0x9400;
	[dreg:$0x4] =	wrdreg s25  }
0x11: {  	s26 =	sshrl.u32 s6, $0x3;
	s6 =	sadd.s32 $0x200, s2;
	s25 =	simm.s32 $0x6C00  }
0x12: {  	s7 =	sadd.s32 s1, s26;
	s1 =	sadd.s32 s4, s1;
	s26 =	simm.s32 $0x7400  }
0x13: {  	v2 =	vlaneseq.u32;
	s4 =	simm.s32 $0x9C00;
	s8 =	sadd.s32 $0x15000, s7;
	[dreg:$0x3] =	wrdreg s1  }
0x14: {  	vm0 =	vmmov $0xffff;
	v1 =	vshrl.u32 v2, $0x3;
	s7 =	sadd.s32 $0x16800, s7;
	s1 =	simm.s32 $0x8C00;
	[dreg:$0x5] =	wrdreg s8  }
0x15: {  	v0 =	vand.u32 $0x7, v2;
	v2 =	vor.u32 $0x8, v2;
	v1 =	vmul.u32 $0x8, v1;
	[dreg:$0x6] =	wrdreg s7;
	s8 =	simm.s32 $0x400;
	s7 =	simm.s32 $0x1  }
.LBB2_1:
0x16: {  	s12 =	rddreg [dreg:$0x4]  }
0x17: {  	[tilespmem:s3], [sflag:$0x3] =	stream.linear.gather [hbm4b:s12+s3], $0x400, $0x38;
	[tilespmem:$0x18400] =	vst v63  }
0x18: {  	_ =	swait.ge [sflag:s10], $0x400  }
0x19: {  	[sflag:s10] =	ssyncset.done $0x0  }
0x1a: {  	[sflag:s10] =	ssyncadd.s32 $0xFFFFFC00  }
0x1b: {  	v3 =	vld [tilespmem:$0x0];
	_ =	sdelay $0x4  }
0x1c: {  	v4 =	vshrl.u32 v3, $0x3  }
0x1d: {  	v4 =	vmul.u32 $0x30, v4  }
0x1e: {  	v3 =	vand.u32 $0x7, v3  }
0x1f: {  	v3 =	vor.u32 v3, v4  }
0x20: {  	v4 =	vperm.xlane v3, v0;
	_ =	sdelay $0x1  }
0x21: {  	v4 =	vadd.s32 v1, v4;
	_ =	sdelay $0x3  }
0x22: {  	v3 =	vperm.xlane v3, v2  }
0x23: {  	[tilespmem:s8], [sflag:$0x1] =	stream.indirect_vreg.gather [hbm4b:s2+s3], $0x80, v4, vm0, $0xb8;
	[tilespmem:$0x18400] =	vst v63  }
0x24: {  	v3 =	vadd.s32 v1, v3  }
0x25: {  	[tilespmem:s13], [sflag:$0x1] =	stream.indirect_vreg.gather [hbm4b:s5+s3], $0x80, v4, vm0, $0xb8;
	[tilespmem:$0x18400] =	vst v63  }
0x26: {  	_ = 	snop  }
0x27: {  	[tilespmem:s30], [sflag:$0x1] =	stream.indirect_vreg.gather [hbm4b:s6+s3], $0x80, v4, vm0, $0xb8;
	[tilespmem:$0x18400] =	vst v63  }
0x28: {  	_ = 	snop  }
0x29: {  	[tilespmem:s15], [sflag:$0x1] =	stream.indirect_vreg.gather [hbm4b:s2+s3], $0x80, v3, vm0, $0xb8;
	[tilespmem:$0x18400] =	vst v63  }
0x2a: {  	_ = 	snop  }
0x2b: {  	[tilespmem:s16], [sflag:$0x1] =	stream.indirect_vreg.gather [hbm4b:s5+s3], $0x80, v3, vm0, $0xb8;
	[tilespmem:$0x18400] =	vst v63  }
0x2c: {  	_ = 	snop  }
0x2d: {  	[tilespmem:s17], [sflag:$0x1] =	stream.indirect_vreg.gather [hbm4b:s6+s3], $0x80, v3, vm0, $0xb8;
	[tilespmem:$0x18400] =	vst v63  }
0x2e: {  	v3 =	vld [tilespmem:$0x10];
	_ =	sdelay $0x4  }
0x2f: {  	v57 =	vshrl.u32 v3, $0x3  }
0x30: {  	v4 =	vmul.u32 $0x30, v57  }
0x31: {  	v3 =	vand.u32 $0x7, v3  }
0x32: {  	v3 =	vor.u32 v3, v4  }
0x33: {  	v4 =	vperm.xlane v3, v0;
	_ =	sdelay $0x1  }
0x34: {  	v4 =	vadd.s32 v1, v4;
	_ =	sdelay $0x3  }
0x35: {  	v3 =	vperm.xlane v3, v2  }
0x36: {  	[tilespmem:s18], [sflag:$0x1] =	stream.indirect_vreg.gather [hbm4b:s2+s3], $0x80, v4, vm0, $0xb8;
	[tilespmem:$0x18400] =	vst v63  }
0x37: {  	v3 =	vadd.s32 v1, v3  }
0x38: {  	[tilespmem:s19], [sflag:$0x1] =	stream.indirect_vreg.gather [hbm4b:s5+s3], $0x80, v4, vm0, $0xb8;
	[tilespmem:$0x18400] =	vst v63  }
0x39: {  	_ = 	snop  }
0x3a: {  	[tilespmem:s20], [sflag:$0x1] =	stream.indirect_vreg.gather [hbm4b:s6+s3], $0x80, v4, vm0, $0xb8;
	[tilespmem:$0x18400] =	vst v63  }
0x3b: {  	_ = 	snop  }
0x3c: {  	[tilespmem:s21], [sflag:$0x1] =	stream.indirect_vreg.gather [hbm4b:s2+s3], $0x80, v3, vm0, $0xb8;
	[tilespmem:$0x18400] =	vst v63  }
0x3d: {  	_ = 	snop  }
0x3e: {  	[tilespmem:s22], [sflag:$0x1] =	stream.indirect_vreg.gather [hbm4b:s5+s3], $0x80, v3, vm0, $0xb8;
	[tilespmem:$0x18400] =	vst v63  }
0x3f: {  	_ = 	snop  }
0x40: {  	[tilespmem:s23], [sflag:$0x1] =	stream.indirect_vreg.gather [hbm4b:s6+s3], $0x80, v3, vm0, $0xb8;
	[tilespmem:$0x18400] =	vst v63  }
0x41: {  	v3 =	vld [tilespmem:$0x20];
	_ =	sdelay $0x4  }
0x42: {  	v58 =	vshrl.u32 v3, $0x3  }
0x43: {  	v4 =	vmul.u32 $0x30, v58  }
0x44: {  	v3 =	vand.u32 $0x7, v3  }
0x45: {  	v3 =	vor.u32 v3, v4  }
0x46: {  	v4 =	vperm.xlane v3, v0;
	_ =	sdelay $0x1  }
0x47: {  	v4 =	vadd.s32 v1, v4;
	_ =	sdelay $0x3  }
0x48: {  	v3 =	vperm.xlane v3, v2  }
0x49: {  	[tilespmem:s24], [sflag:$0x1] =	stream.indirect_vreg.gather [hbm4b:s2+s3], $0x80, v4, vm0, $0xb8;
	[tilespmem:$0x18400] =	vst v63  }
0x4a: {  	v3 =	vadd.s32 v1, v3  }
0x4b: {  	[tilespmem:s25], [sflag:$0x1] =	stream.indirect_vreg.gather [hbm4b:s5+s3], $0x80, v4, vm0, $0xb8;
	[tilespmem:$0x18400] =	vst v63  }
0x4c: {  	_ = 	snop  }
0x4d: {  	[tilespmem:s26], [sflag:$0x1] =	stream.indirect_vreg.gather [hbm4b:s6+s3], $0x80, v4, vm0, $0xb8;
	[tilespmem:$0x18400] =	vst v63  }
0x4e: {  	_ = 	snop  }
0x4f: {  	[tilespmem:s28], [sflag:$0x1] =	stream.indirect_vreg.gather [hbm4b:s2+s3], $0x80, v3, vm0, $0xb8;
	[tilespmem:$0x18400] =	vst v63  }
0x50: {  	_ = 	snop  }
0x51: {  	[tilespmem:s29], [sflag:$0x1] =	stream.indirect_vreg.gather [hbm4b:s5+s3], $0x80, v3, vm0, $0xb8;
	[tilespmem:$0x18400] =	vst v63  }
0x52: {  	_ = 	snop  }
0x53: {  	[tilespmem:s1], [sflag:$0x1] =	stream.indirect_vreg.gather [hbm4b:s6+s3], $0x80, v3, vm0, $0xb8;
	[tilespmem:$0x18400] =	vst v63  }
0x54: {  	v3 =	vld [tilespmem:$0x30];
	_ =	sdelay $0x4  }
0x55: {  	v59 =	vshrl.u32 v3, $0x3  }
0x56: {  	v4 =	vmul.u32 $0x30, v59  }
0x57: {  	v3 =	vand.u32 $0x7, v3  }
0x58: {  	v3 =	vor.u32 v3, v4  }
0x59: {  	v4 =	vperm.xlane v3, v0;
	_ =	sdelay $0x1  }
0x5a: {  	v4 =	vadd.s32 v1, v4;
	_ =	sdelay $0x3  }
0x5b: {  	v3 =	vperm.xlane v3, v2  }
0x5c: {  	[tilespmem:s0], [sflag:$0x1] =	stream.indirect_vreg.gather [hbm4b:s2+s3], $0x80, v4, vm0, $0xb8;
	[tilespmem:$0x18400] =	vst v63  }
0x5d: {  	v3 =	vadd.s32 v1, v3  }
0x5e: {  	[tilespmem:s4], [sflag:$0x1] =	stream.indirect_vreg.gather [hbm4b:s5+s3], $0x80, v4, vm0, $0xb8;
	[tilespmem:$0x18400] =	vst v63  }
0x5f: {  	_ = 	snop  }
0x60: {  	[tilespmem:s11], [sflag:$0x1] =	stream.indirect_vreg.gather [hbm4b:s6+s3], $0x80, v4, vm0, $0xb8;
	[tilespmem:$0x18400] =	vst v63  }
0x61: {  	_ = 	snop  }
0x62: {  	[tilespmem:s31], [sflag:$0x1] =	stream.indirect_vreg.gather [hbm4b:s2+s3], $0x80, v3, vm0, $0xb8;
	[tilespmem:$0x18400] =	vst v63  }
0x63: {  	s25 =	simm.s32 $0xB400  }
0x64: {  	[tilespmem:s25], [sflag:$0x1] =	stream.indirect_vreg.gather [hbm4b:s5+s3], $0x80, v3, vm0, $0xb8;
	[tilespmem:$0x18400] =	vst v63  }
0x65: {  	s26 =	simm.s32 $0xBC00  }
0x66: {  	[tilespmem:s26], [sflag:$0x1] =	stream.indirect_vreg.gather [hbm4b:s6+s3], $0x80, v3, vm0, $0xb8;
	[tilespmem:$0x18400] =	vst v63  }
0x67: {  	v3 =	vld [tilespmem:$0x40];
	_ =	sdelay $0x4  }
0x68: {  	v60 =	vshrl.u32 v3, $0x3  }
0x69: {  	v4 =	vmul.u32 $0x30, v60  }
0x6a: {  	v3 =	vand.u32 $0x7, v3  }
0x6b: {  	v3 =	vor.u32 v3, v4  }
0x6c: {  	v4 =	vperm.xlane v3, v0;
	_ =	sdelay $0x1  }
0x6d: {  	v4 =	vadd.s32 v1, v4;
	_ =	sdelay $0x3  }
0x6e: {  	v3 =	vperm.xlane v3, v2  }
0x6f: {  	[tilespmem:s14], [sflag:$0x2] =	stream.indirect_vreg.gather [hbm4b:s2+s3], $0x80, v4, vm0, $0xb8;
	[tilespmem:$0x18400] =	vst v63  }
0x70: {  	s1 =	simm.s32 $0xCC00;
	v3 =	vadd.s32 v1, v3  }
0x71: {  	[tilespmem:s1], [sflag:$0x2] =	stream.indirect_vreg.gather [hbm4b:s5+s3], $0x80, v4, vm0, $0xb8;
	[tilespmem:$0x18400] =	vst v63  }
0x72: {  	s4 =	simm.s32 $0xD400  }
0x73: {  	[tilespmem:s4], [sflag:$0x2] =	stream.indirect_vreg.gather [hbm4b:s6+s3], $0x80, v4, vm0, $0xb8;
	[tilespmem:$0x18400] =	vst v63  }
0x74: {  	s8 =	simm.s32 $0xDC00  }
0x75: {  	[tilespmem:s8], [sflag:$0x2] =	stream.indirect_vreg.gather [hbm4b:s2+s3], $0x80, v3, vm0, $0xb8;
	[tilespmem:$0x18400] =	vst v63  }
0x76: {  	s11 =	simm.s32 $0xE400  }
0x77: {  	[tilespmem:s11], [sflag:$0x2] =	stream.indirect_vreg.gather [hbm4b:s5+s3], $0x80, v3, vm0, $0xb8;
	[tilespmem:$0x18400] =	vst v63  }
0x78: {  	s12 =	simm.s32 $0xEC00  }
0x79: {  	[tilespmem:s12], [sflag:$0x2] =	stream.indirect_vreg.gather [hbm4b:s6+s3], $0x80, v3, vm0, $0xb8;
	[tilespmem:$0x18400] =	vst v63  }
0x7a: {  	v3 =	vld [tilespmem:$0x50];
	_ =	sdelay $0x4  }
0x7b: {  	v61 =	vshrl.u32 v3, $0x3  }
0x7c: {  	v4 =	vmul.u32 $0x30, v61  }
0x7d: {  	v3 =	vand.u32 $0x7, v3  }
0x7e: {  	v3 =	vor.u32 v3, v4  }
0x7f: {  	v4 =	vperm.xlane v3, v0;
	_ =	sdelay $0x1  }
0x80: {  	v4 =	vadd.s32 v1, v4;
	_ =	sdelay $0x3  }
0x81: {  	s13 =	simm.s32 $0xF400;
	v3 =	vperm.xlane v3, v2  }
0x82: {  	[tilespmem:s13], [sflag:$0x2] =	stream.indirect_vreg.gather [hbm4b:s2+s3], $0x80, v4, vm0, $0xb8;
	[tilespmem:$0x18400] =	vst v63  }
0x83: {  	s14 =	simm.s32 $0xFC00;
	v3 =	vadd.s32 v1, v3  }
0x84: {  	[tilespmem:s14], [sflag:$0x2] =	stream.indirect_vreg.gather [hbm4b:s5+s3], $0x80, v4, vm0, $0xb8;
	[tilespmem:$0x18400] =	vst v63  }
0x85: {  	s15 =	simm.s32 $0x10400  }
0x86: {  	[tilespmem:s15], [sflag:$0x2] =	stream.indirect_vreg.gather [hbm4b:s6+s3], $0x80, v4, vm0, $0xb8;
	[tilespmem:$0x18400] =	vst v63  }
0x87: {  	s16 =	simm.s32 $0x10C00  }
0x88: {  	[tilespmem:s16], [sflag:$0x2] =	stream.indirect_vreg.gather [hbm4b:s2+s3], $0x80, v3, vm0, $0xb8;
	[tilespmem:$0x18400] =	vst v63  }
0x89: {  	s17 =	simm.s32 $0x11400  }
0x8a: {  	[tilespmem:s17], [sflag:$0x2] =	stream.indirect_vreg.gather [hbm4b:s5+s3], $0x80, v3, vm0, $0xb8;
	[tilespmem:$0x18400] =	vst v63  }
0x8b: {  	s18 =	simm.s32 $0x11C00  }
0x8c: {  	[tilespmem:s18], [sflag:$0x2] =	stream.indirect_vreg.gather [hbm4b:s6+s3], $0x80, v3, vm0, $0xb8;
	[tilespmem:$0x18400] =	vst v63  }
0x8d: {  	v3 =	vld [tilespmem:$0x60];
	_ =	sdelay $0x4  }
0x8e: {  	v62 =	vshrl.u32 v3, $0x3  }
0x8f: {  	v4 =	vmul.u32 $0x30, v62  }
0x90: {  	v3 =	vand.u32 $0x7, v3  }
0x91: {  	v3 =	vor.u32 v3, v4  }
0x92: {  	v4 =	vperm.xlane v3, v0;
	_ =	sdelay $0x1  }
0x93: {  	v4 =	vadd.s32 v1, v4;
	_ =	sdelay $0x3  }
0x94: {  	s19 =	simm.s32 $0x12400;
	v3 =	vperm.xlane v3, v2  }
0x95: {  	[tilespmem:s19], [sflag:$0x2] =	stream.indirect_vreg.gather [hbm4b:s2+s3], $0x80, v4, vm0, $0xb8;
	[tilespmem:$0x18400] =	vst v63  }
0x96: {  	s20 =	simm.s32 $0x12C00;
	v3 =	vadd.s32 v1, v3  }
0x97: {  	[tilespmem:s20], [sflag:$0x2] =	stream.indirect_vreg.gather [hbm4b:s5+s3], $0x80, v4, vm0, $0xb8;
	[tilespmem:$0x18400] =	vst v63  }
0x98: {  	s21 =	simm.s32 $0x13400  }
0x99: {  	[tilespmem:s21], [sflag:$0x2] =	stream.indirect_vreg.gather [hbm4b:s6+s3], $0x80, v4, vm0, $0xb8;
	[tilespmem:$0x18400] =	vst v63  }
0x9a: {  	s22 =	simm.s32 $0x13C00  }
0x9b: {  	[tilespmem:s22], [sflag:$0x2] =	stream.indirect_vreg.gather [hbm4b:s2+s3], $0x80, v3, vm0, $0xb8;
	[tilespmem:$0x18400] =	vst v63  }
0x9c: {  	s23 =	simm.s32 $0x14400  }
0x9d: {  	[tilespmem:s23], [sflag:$0x2] =	stream.indirect_vreg.gather [hbm4b:s5+s3], $0x80, v3, vm0, $0xb8;
	[tilespmem:$0x18400] =	vst v63  }
0x9e: {  	s24 =	simm.s32 $0x14C00  }
0x9f: {  	[tilespmem:s24], [sflag:$0x2] =	stream.indirect_vreg.gather [hbm4b:s6+s3], $0x80, v3, vm0, $0xb8;
	[tilespmem:$0x18400] =	vst v63  }
0xa0: {  	v3 =	vld [tilespmem:$0x70];
	_ =	sdelay $0x4  }
0xa1: {  	v63 =	vshrl.u32 v3, $0x3  }
0xa2: {  	v4 =	vmul.u32 $0x30, v63  }
0xa3: {  	v3 =	vand.u32 $0x7, v3  }
0xa4: {  	v3 =	vor.u32 v3, v4  }
0xa5: {  	v4 =	vperm.xlane v3, v0;
	_ =	sdelay $0x1  }
0xa6: {  	v4 =	vadd.s32 v1, v4;
	_ =	sdelay $0x1  }
0xa7: {  	s30 =	simm.s32 $0x16C00;
	s28 =	simm.s32 $0x6C00  }
0xa8: {  	s29 =	simm.s32 $0x7400;
	s0 =	simm.s32 $0x9400;
	s31 =	simm.s32 $0x8400  }
0xa9: {  	s25 =	simm.s32 $0x15400;
	s26 =	simm.s32 $0x15C00;
	s1 =	simm.s32 $0x17400;
	v3 =	vperm.xlane v3, v2  }
0xaa: {  	[tilespmem:s25], [sflag:$0x2] =	stream.indirect_vreg.gather [hbm4b:s2+s3], $0x80, v4, vm0, $0xb8;
	[tilespmem:$0x18400] =	vst v63  }
0xab: {  	s4 =	simm.s32 $0x9C00;
	s11 =	simm.s32 $0xA400;
	s12 =	simm.s32 $0xF0;
	v3 =	vadd.s32 v1, v3  }
0xac: {  	[tilespmem:s26], [sflag:$0x2] =	stream.indirect_vreg.gather [hbm4b:s5+s3], $0x80, v4, vm0, $0xb8;
	[tilespmem:$0x18400] =	vst v63  }
0xad: {  	s13 =	simm.s32 $0x0;
	s15 =	simm.s32 $0x17C00;
	s25 =	simm.s32 $0x16400  }
0xae: {  	[tilespmem:s25], [sflag:$0x2] =	stream.indirect_vreg.gather [hbm4b:s6+s3], $0x80, v4, vm0, $0xb8;
	[tilespmem:$0x18400] =	vst v63  }
0xaf: {  	s16 =	simm.s32 $0x1400;
	s18 =	simm.s32 $0x2400;
	s19 =	simm.s32 $0x2C00  }
0xb0: {  	[tilespmem:s30], [sflag:$0x2] =	stream.indirect_vreg.gather [hbm4b:s2+s3], $0x80, v3, vm0, $0xb8;
	[tilespmem:$0x18400] =	vst v63  }
0xb1: {  	s20 =	simm.s32 $0x3400;
	s21 =	simm.s32 $0xAC00;
	s22 =	simm.s32 $0x4400  }
0xb2: {  	[tilespmem:s1], [sflag:$0x2] =	stream.indirect_vreg.gather [hbm4b:s5+s3], $0x80, v3, vm0, $0xb8;
	[tilespmem:$0x18400] =	vst v63  }
0xb3: {  	s23 =	simm.s32 $0x4C00;
	s24 =	simm.s32 $0x5400;
	s26 =	simm.s32 $0x6400  }
0xb4: {  	[tilespmem:s15], [sflag:$0x2] =	stream.indirect_vreg.gather [hbm4b:s6+s3], $0x80, v3, vm0, $0xb8;
	[tilespmem:$0x18400] =	vst v63  }
.LBB2_2:
0xb5: {  	_ =	swait.ge [sflag:s7], $0xC000  }
0xb6: {  	s14 =	rddreg [dreg:$0x3];
	[sflag:s7] =	ssyncset.done $0x0  }
0xb7: {  	s17 =	simm.s32 $0x400;
	[sflag:s7] =	ssyncadd.s32 $0xFFFF4000;
	s14 =	sadd.s32 s13, s14  }
0xb8: {  	[hbm4b:s14+s3] =	stream.linear.scatter [tilespmem:s17], [sflag:$0x3], $0xC000, $0x38;
	[tilespmem:$0x18400] =	vst v63  }
0xb9: {  	_ =	swait.ge [sflag:s10], $0xC000  }
0xba: {  	[sflag:s10] =	ssyncset.done $0x0  }
0xbb: {  	[sflag:s10] =	ssyncadd.s32 $0xFFFF4000  }
0xbc: {  	v3 =	vld [tilespmem:s12+$0xFFFFFF90];
	_ =	sdelay $0x4  }
0xbd: {  	v4 =	vshrl.u32 v3, $0x3  }
0xbe: {  	v4 =	vmul.u32 $0x30, v4  }
0xbf: {  	v3 =	vand.u32 $0x7, v3  }
0xc0: {  	v3 =	vor.u32 v3, v4  }
0xc1: {  	v4 =	vperm.xlane v3, v0;
	_ =	sdelay $0x1  }
0xc2: {  	v4 =	vadd.s32 v1, v4;
	_ =	sdelay $0x3  }
0xc3: {  	v3 =	vperm.xlane v3, v2  }
0xc4: {  	[tilespmem:s17], [sflag:$0x1] =	stream.indirect_vreg.gather [hbm4b:s2+s3], $0x80, v4, vm0, $0xb8;
	[tilespmem:$0x18400] =	vst v63  }
0xc5: {  	v3 =	vadd.s32 v1, v3;
	s17 =	simm.s32 $0xC00  }
0xc6: {  	[tilespmem:s17], [sflag:$0x1] =	stream.indirect_vreg.gather [hbm4b:s5+s3], $0x80, v4, vm0, $0xb8;
	[tilespmem:$0x18400] =	vst v63  }
0xc7: {  	_ = 	snop  }
0xc8: {  	[tilespmem:s16], [sflag:$0x1] =	stream.indirect_vreg.gather [hbm4b:s6+s3], $0x80, v4, vm0, $0xb8;
	[tilespmem:$0x18400] =	vst v63  }
0xc9: {  	s17 =	simm.s32 $0x1C00  }
0xca: {  	[tilespmem:s17], [sflag:$0x1] =	stream.indirect_vreg.gather [hbm4b:s2+s3], $0x80, v3, vm0, $0xb8;
	[tilespmem:$0x18400] =	vst v63  }
0xcb: {  	_ = 	snop  }
0xcc: {  	[tilespmem:s18], [sflag:$0x1] =	stream.indirect_vreg.gather [hbm4b:s5+s3], $0x80, v3, vm0, $0xb8;
	[tilespmem:$0x18400] =	vst v63  }
0xcd: {  	_ = 	snop  }
0xce: {  	[tilespmem:s19], [sflag:$0x1] =	stream.indirect_vreg.gather [hbm4b:s6+s3], $0x80, v3, vm0, $0xb8;
	[tilespmem:$0x18400] =	vst v63  }
0xcf: {  	v3 =	vld [tilespmem:s12+$0xFFFFFFA0];
	_ =	sdelay $0x4  }
0xd0: {  	v57 =	vshrl.u32 v3, $0x3  }
0xd1: {  	v4 =	vmul.u32 $0x30, v57  }
0xd2: {  	v3 =	vand.u32 $0x7, v3  }
0xd3: {  	v3 =	vor.u32 v3, v4  }
0xd4: {  	v4 =	vperm.xlane v3, v0;
	_ =	sdelay $0x1  }
0xd5: {  	v4 =	vadd.s32 v1, v4;
	_ =	sdelay $0x3  }
0xd6: {  	v3 =	vperm.xlane v3, v2  }
0xd7: {  	[tilespmem:s20], [sflag:$0x1] =	stream.indirect_vreg.gather [hbm4b:s2+s3], $0x80, v4, vm0, $0xb8;
	[tilespmem:$0x18400] =	vst v63  }
0xd8: {  	s17 =	simm.s32 $0x3C00;
	v3 =	vadd.s32 v1, v3  }
0xd9: {  	[tilespmem:s17], [sflag:$0x1] =	stream.indirect_vreg.gather [hbm4b:s5+s3], $0x80, v4, vm0, $0xb8;
	[tilespmem:$0x18400] =	vst v63  }
0xda: {  	_ = 	snop  }
0xdb: {  	[tilespmem:s22], [sflag:$0x1] =	stream.indirect_vreg.gather [hbm4b:s6+s3], $0x80, v4, vm0, $0xb8;
	[tilespmem:$0x18400] =	vst v63  }
0xdc: {  	_ = 	snop  }
0xdd: {  	[tilespmem:s23], [sflag:$0x1] =	stream.indirect_vreg.gather [hbm4b:s2+s3], $0x80, v3, vm0, $0xb8;
	[tilespmem:$0x18400] =	vst v63  }
0xde: {  	_ = 	snop  }
0xdf: {  	[tilespmem:s24], [sflag:$0x1] =	stream.indirect_vreg.gather [hbm4b:s5+s3], $0x80, v3, vm0, $0xb8;
	[tilespmem:$0x18400] =	vst v63  }
0xe0: {  	s17 =	simm.s32 $0x5C00  }
0xe1: {  	[tilespmem:s17], [sflag:$0x1] =	stream.indirect_vreg.gather [hbm4b:s6+s3], $0x80, v3, vm0, $0xb8;
	[tilespmem:$0x18400] =	vst v63  }
0xe2: {  	v3 =	vld [tilespmem:s12+$0xFFFFFFB0];
	_ =	sdelay $0x4  }
0xe3: {  	v58 =	vshrl.u32 v3, $0x3  }
0xe4: {  	v4 =	vmul.u32 $0x30, v58  }
0xe5: {  	v3 =	vand.u32 $0x7, v3  }
0xe6: {  	v3 =	vor.u32 v3, v4  }
0xe7: {  	v4 =	vperm.xlane v3, v0;
	_ =	sdelay $0x1  }
0xe8: {  	v4 =	vadd.s32 v1, v4;
	_ =	sdelay $0x3  }
0xe9: {  	v3 =	vperm.xlane v3, v2  }
0xea: {  	[tilespmem:s26], [sflag:$0x1] =	stream.indirect_vreg.gather [hbm4b:s2+s3], $0x80, v4, vm0, $0xb8;
	[tilespmem:$0x18400] =	vst v63  }
0xeb: {  	v3 =	vadd.s32 v1, v3  }
0xec: {  	[tilespmem:s28], [sflag:$0x1] =	stream.indirect_vreg.gather [hbm4b:s5+s3], $0x80, v4, vm0, $0xb8;
	[tilespmem:$0x18400] =	vst v63  }
0xed: {  	_ = 	snop  }
0xee: {  	[tilespmem:s29], [sflag:$0x1] =	stream.indirect_vreg.gather [hbm4b:s6+s3], $0x80, v4, vm0, $0xb8;
	[tilespmem:$0x18400] =	vst v63  }
0xef: {  	s17 =	simm.s32 $0x7C00  }
0xf0: {  	[tilespmem:s17], [sflag:$0x1] =	stream.indirect_vreg.gather [hbm4b:s2+s3], $0x80, v3, vm0, $0xb8;
	[tilespmem:$0x18400] =	vst v63  }
0xf1: {  	_ = 	snop  }
0xf2: {  	[tilespmem:s31], [sflag:$0x1] =	stream.indirect_vreg.gather [hbm4b:s5+s3], $0x80, v3, vm0, $0xb8;
	[tilespmem:$0x18400] =	vst v63  }
0xf3: {  	s17 =	simm.s32 $0x8C00  }
0xf4: {  	[tilespmem:s17], [sflag:$0x1] =	stream.indirect_vreg.gather [hbm4b:s6+s3], $0x80, v3, vm0, $0xb8;
	[tilespmem:$0x18400] =	vst v63  }
0xf5: {  	v3 =	vld [tilespmem:s12+$0xFFFFFFC0];
	_ =	sdelay $0x4  }
0xf6: {  	v59 =	vshrl.u32 v3, $0x3  }
0xf7: {  	v4 =	vmul.u32 $0x30, v59  }
0xf8: {  	v3 =	vand.u32 $0x7, v3  }
0xf9: {  	v3 =	vor.u32 v3, v4  }
0xfa: {  	v4 =	vperm.xlane v3, v0;
	_ =	sdelay $0x1  }
0xfb: {  	v4 =	vadd.s32 v1, v4;
	_ =	sdelay $0x3  }
0xfc: {  	v3 =	vperm.xlane v3, v2  }
0xfd: {  	[tilespmem:s0], [sflag:$0x1] =	stream.indirect_vreg.gather [hbm4b:s2+s3], $0x80, v4, vm0, $0xb8;
	[tilespmem:$0x18400] =	vst v63  }
0xfe: {  	v3 =	vadd.s32 v1, v3  }
0xff: {  	[tilespmem:s4], [sflag:$0x1] =	stream.indirect_vreg.gather [hbm4b:s5+s3], $0x80, v4, vm0, $0xb8;
	[tilespmem:$0x18400] =	vst v63  }
0x100: {  	_ = 	snop  }
0x101: {  	[tilespmem:s11], [sflag:$0x1] =	stream.indirect_vreg.gather [hbm4b:s6+s3], $0x80, v4, vm0, $0xb8;
	[tilespmem:$0x18400] =	vst v63  }
0x102: {  	_ = 	snop  }
0x103: {  	[tilespmem:s21], [sflag:$0x1] =	stream.indirect_vreg.gather [hbm4b:s2+s3], $0x80, v3, vm0, $0xb8;
	[tilespmem:$0x18400] =	vst v63  }
0x104: {  	s17 =	simm.s32 $0xB400  }
0x105: {  	[tilespmem:s17], [sflag:$0x1] =	stream.indirect_vreg.gather [hbm4b:s5+s3], $0x80, v3, vm0, $0xb8;
	[tilespmem:$0x18400] =	vst v63  }
0x106: {  	s17 =	simm.s32 $0xBC00  }
0x107: {  	[tilespmem:s17], [sflag:$0x1] =	stream.indirect_vreg.gather [hbm4b:s6+s3], $0x80, v3, vm0, $0xb8;
	[tilespmem:$0x18400] =	vst v63  }
0x108: {  	_ =	swait.ge [sflag:s9], $0xC000  }
0x109: {  	[sflag:s9] =	ssyncset.done $0x0  }
0x10a: {  	s14 =	sadd.s32 $0x1800, s14;
	s17 =	simm.s32 $0xC400;
	[sflag:s9] =	ssyncadd.s32 $0xFFFF4000  }
0x10b: {  	[hbm4b:s14+s3] =	stream.linear.scatter [tilespmem:s17], [sflag:$0x3], $0xC000, $0x38;
	[tilespmem:$0x18400] =	vst v63  }
0x10c: {  	_ =	swait.ge [sflag:s10], $0xC000  }
0x10d: {  	[sflag:s10] =	ssyncset.done $0x0  }
0x10e: {  	[sflag:s10] =	ssyncadd.s32 $0xFFFF4000  }
0x10f: {  	v3 =	vld [tilespmem:s12+$0xFFFFFFD0];
	_ =	sdelay $0x4  }
0x110: {  	v60 =	vshrl.u32 v3, $0x3  }
0x111: {  	v4 =	vmul.u32 $0x30, v60  }
0x112: {  	v3 =	vand.u32 $0x7, v3  }
0x113: {  	v3 =	vor.u32 v3, v4  }
0x114: {  	v4 =	vperm.xlane v3, v0;
	_ =	sdelay $0x1  }
0x115: {  	v4 =	vadd.s32 v1, v4;
	_ =	sdelay $0x3  }
0x116: {  	v3 =	vperm.xlane v3, v2  }
0x117: {  	[tilespmem:s17], [sflag:$0x2] =	stream.indirect_vreg.gather [hbm4b:s2+s3], $0x80, v4, vm0, $0xb8;
	[tilespmem:$0x18400] =	vst v63  }
0x118: {  	v3 =	vadd.s32 v1, v3;
	s17 =	simm.s32 $0xCC00  }
0x119: {  	[tilespmem:s17], [sflag:$0x2] =	stream.indirect_vreg.gather [hbm4b:s5+s3], $0x80, v4, vm0, $0xb8;
	[tilespmem:$0x18400] =	vst v63  }
0x11a: {  	s17 =	simm.s32 $0xD400  }
0x11b: {  	[tilespmem:s17], [sflag:$0x2] =	stream.indirect_vreg.gather [hbm4b:s6+s3], $0x80, v4, vm0, $0xb8;
	[tilespmem:$0x18400] =	vst v63  }
0x11c: {  	s17 =	simm.s32 $0xDC00  }
0x11d: {  	[tilespmem:s17], [sflag:$0x2] =	stream.indirect_vreg.gather [hbm4b:s2+s3], $0x80, v3, vm0, $0xb8;
	[tilespmem:$0x18400] =	vst v63  }
0x11e: {  	s17 =	simm.s32 $0xE400  }
0x11f: {  	[tilespmem:s17], [sflag:$0x2] =	stream.indirect_vreg.gather [hbm4b:s5+s3], $0x80, v3, vm0, $0xb8;
	[tilespmem:$0x18400] =	vst v63  }
0x120: {  	s17 =	simm.s32 $0xEC00  }
0x121: {  	[tilespmem:s17], [sflag:$0x2] =	stream.indirect_vreg.gather [hbm4b:s6+s3], $0x80, v3, vm0, $0xb8;
	[tilespmem:$0x18400] =	vst v63  }
0x122: {  	v3 =	vld [tilespmem:s12+$0xFFFFFFE0];
	_ =	sdelay $0x4  }
0x123: {  	v61 =	vshrl.u32 v3, $0x3  }
0x124: {  	v4 =	vmul.u32 $0x30, v61  }
0x125: {  	v3 =	vand.u32 $0x7, v3  }
0x126: {  	v3 =	vor.u32 v3, v4  }
0x127: {  	v4 =	vperm.xlane v3, v0;
	_ =	sdelay $0x1  }
0x128: {  	v4 =	vadd.s32 v1, v4;
	_ =	sdelay $0x3  }
0x129: {  	s17 =	simm.s32 $0xF400;
	v3 =	vperm.xlane v3, v2  }
0x12a: {  	[tilespmem:s17], [sflag:$0x2] =	stream.indirect_vreg.gather [hbm4b:s2+s3], $0x80, v4, vm0, $0xb8;
	[tilespmem:$0x18400] =	vst v63  }
0x12b: {  	v3 =	vadd.s32 v1, v3;
	s17 =	simm.s32 $0xFC00  }
0x12c: {  	[tilespmem:s17], [sflag:$0x2] =	stream.indirect_vreg.gather [hbm4b:s5+s3], $0x80, v4, vm0, $0xb8;
	[tilespmem:$0x18400] =	vst v63  }
0x12d: {  	s17 =	simm.s32 $0x10400  }
0x12e: {  	[tilespmem:s17], [sflag:$0x2] =	stream.indirect_vreg.gather [hbm4b:s6+s3], $0x80, v4, vm0, $0xb8;
	[tilespmem:$0x18400] =	vst v63  }
0x12f: {  	s17 =	simm.s32 $0x10C00  }
0x130: {  	[tilespmem:s17], [sflag:$0x2] =	stream.indirect_vreg.gather [hbm4b:s2+s3], $0x80, v3, vm0, $0xb8;
	[tilespmem:$0x18400] =	vst v63  }
0x131: {  	s17 =	simm.s32 $0x11400  }
0x132: {  	[tilespmem:s17], [sflag:$0x2] =	stream.indirect_vreg.gather [hbm4b:s5+s3], $0x80, v3, vm0, $0xb8;
	[tilespmem:$0x18400] =	vst v63  }
0x133: {  	s17 =	simm.s32 $0x11C00  }
0x134: {  	[tilespmem:s17], [sflag:$0x2] =	stream.indirect_vreg.gather [hbm4b:s6+s3], $0x80, v3, vm0, $0xb8;
	[tilespmem:$0x18400] =	vst v63  }
0x135: {  	v3 =	vld [tilespmem:s12+$0xFFFFFFF0];
	_ =	sdelay $0x4  }
0x136: {  	v62 =	vshrl.u32 v3, $0x3  }
0x137: {  	v4 =	vmul.u32 $0x30, v62  }
0x138: {  	v3 =	vand.u32 $0x7, v3  }
0x139: {  	v3 =	vor.u32 v3, v4  }
0x13a: {  	v4 =	vperm.xlane v3, v0;
	_ =	sdelay $0x1  }
0x13b: {  	v4 =	vadd.s32 v1, v4;
	_ =	sdelay $0x3  }
0x13c: {  	s17 =	simm.s32 $0x12400;
	v3 =	vperm.xlane v3, v2  }
0x13d: {  	[tilespmem:s17], [sflag:$0x2] =	stream.indirect_vreg.gather [hbm4b:s2+s3], $0x80, v4, vm0, $0xb8;
	[tilespmem:$0x18400] =	vst v63  }
0x13e: {  	v3 =	vadd.s32 v1, v3;
	s17 =	simm.s32 $0x12C00  }
0x13f: {  	[tilespmem:s17], [sflag:$0x2] =	stream.indirect_vreg.gather [hbm4b:s5+s3], $0x80, v4, vm0, $0xb8;
	[tilespmem:$0x18400] =	vst v63  }
0x140: {  	s17 =	simm.s32 $0x13400  }
0x141: {  	[tilespmem:s17], [sflag:$0x2] =	stream.indirect_vreg.gather [hbm4b:s6+s3], $0x80, v4, vm0, $0xb8;
	[tilespmem:$0x18400] =	vst v63  }
0x142: {  	s17 =	simm.s32 $0x13C00  }
0x143: {  	[tilespmem:s17], [sflag:$0x2] =	stream.indirect_vreg.gather [hbm4b:s2+s3], $0x80, v3, vm0, $0xb8;
	[tilespmem:$0x18400] =	vst v63  }
0x144: {  	s17 =	simm.s32 $0x14400  }
0x145: {  	[tilespmem:s17], [sflag:$0x2] =	stream.indirect_vreg.gather [hbm4b:s5+s3], $0x80, v3, vm0, $0xb8;
	[tilespmem:$0x18400] =	vst v63  }
0x146: {  	s17 =	simm.s32 $0x14C00  }
0x147: {  	[tilespmem:s17], [sflag:$0x2] =	stream.indirect_vreg.gather [hbm4b:s6+s3], $0x80, v3, vm0, $0xb8;
	[tilespmem:$0x18400] =	vst v63  }
0x148: {  	v3 =	vld [tilespmem:s12+$0x0];
	_ =	sdelay $0x4  }
0x149: {  	v63 =	vshrl.u32 v3, $0x3  }
0x14a: {  	v4 =	vmul.u32 $0x30, v63  }
0x14b: {  	v3 =	vand.u32 $0x7, v3  }
0x14c: {  	v3 =	vor.u32 v3, v4  }
0x14d: {  	v4 =	vperm.xlane v3, v0;
	_ =	sdelay $0x1  }
0x14e: {  	v4 =	vadd.s32 v1, v4;
	_ =	sdelay $0x3  }
0x14f: {  	s17 =	simm.s32 $0x15400;
	v3 =	vperm.xlane v3, v2  }
0x150: {  	[tilespmem:s17], [sflag:$0x2] =	stream.indirect_vreg.gather [hbm4b:s2+s3], $0x80, v4, vm0, $0xb8;
	[tilespmem:$0x18400] =	vst v63  }
0x151: {  	v3 =	vadd.s32 v1, v3;
	s17 =	simm.s32 $0x15C00  }
0x152: {  	[tilespmem:s17], [sflag:$0x2] =	stream.indirect_vreg.gather [hbm4b:s5+s3], $0x80, v4, vm0, $0xb8;
	[tilespmem:$0x18400] =	vst v63  }
0x153: {  	_ = 	snop  }
0x154: {  	[tilespmem:s25], [sflag:$0x2] =	stream.indirect_vreg.gather [hbm4b:s6+s3], $0x80, v4, vm0, $0xb8;
	[tilespmem:$0x18400] =	vst v63  }
0x155: {  	p0 =	sne.s32 s13, $0x12000  }
0x156: {  	[tilespmem:s30], [sflag:$0x2] =	stream.indirect_vreg.gather [hbm4b:s2+s3], $0x80, v3, vm0, $0xb8;
	[tilespmem:$0x18400] =	vst v63  }
.Ltmp0:
0x157: {  	_ = 	snop;
	(pc) =	sbr.rel @p0 .LBB2_2-.Ltmp0, $4  }
0x158: {  	s8 =	simm.s32 $0x400  }
0x159: {  	[tilespmem:s1], [sflag:$0x2] =	stream.indirect_vreg.gather [hbm4b:s5+s3], $0x80, v3, vm0, $0xb8;
	[tilespmem:$0x18400] =	vst v63  }
0x15a: {  	s13 =	sadd.s32 $0x3000, s13;
	s14 =	simm.s32 $0xC400;
	s12 =	sadd.s32 $0x80, s12  }
0x15b: {  	[tilespmem:s15], [sflag:$0x2] =	stream.indirect_vreg.gather [hbm4b:s6+s3], $0x80, v3, vm0, $0xb8;
	[tilespmem:$0x18400] =	vst v63  }
0x15c: {  	_ =	swait.ge [sflag:s7], $0xC000  }
0x15d: {  	[sflag:s7] =	ssyncset.done $0x0  }
0x15e: {  	s12 =	rddreg [dreg:$0x5];
	[sflag:s7] =	ssyncadd.s32 $0xFFFF4000  }
0x15f: {  	[hbm4b:s12+s3] =	stream.linear.scatter [tilespmem:s8], [sflag:$0x3], $0xC000, $0x38;
	[tilespmem:$0x18400] =	vst v63  }
0x160: {  	_ =	swait.ge [sflag:s10], $0xC000  }
0x161: {  	[sflag:s10] =	ssyncset.done $0x0  }
0x162: {  	[sflag:s10] =	ssyncadd.s32 $0xFFFF4000  }
0x163: {  	_ =	swait.ge [sflag:s9], $0xC000  }
0x164: {  	s13 =	simm.s32 $0xC00;
	s30 =	simm.s32 $0x1400;
	[sflag:s9] =	ssyncset.done $0x0  }
0x165: {  	s15 =	simm.s32 $0x1C00;
	s25 =	rddreg [dreg:$0x6];
	[sflag:s9] =	ssyncadd.s32 $0xFFFF4000  }
0x166: {  	[hbm4b:s25+s3] =	stream.linear.scatter [tilespmem:s14], [sflag:$0x3], $0xC000, $0x38;
	[tilespmem:$0x18400] =	vst v63  }
0x167: {  	s16 =	simm.s32 $0x2400;
	s17 =	simm.s32 $0x2C00;
	_ =	swait.ge [sflag:s10], $0xC000  }
0x168: {  	s18 =	simm.s32 $0x3400;
	s19 =	simm.s32 $0x3C00;
	s0 =	rddreg [dreg:$0x8]  }
0x169: {  	s20 =	simm.s32 $0x4400;
	s26 =	rddreg [dreg:$0x7];
	s0 =	sadd.s32 $0x1, s0  }
0x16a: {  	s21 =	simm.s32 $0x4C00;
	s22 =	simm.s32 $0x5400;
	p0 =	sne.s32 s0, s26  }
.Ltmp1:
0x16b: {  	s23 =	simm.s32 $0x5C00;
	s24 =	simm.s32 $0x6400;
	(pc) =	sbr.rel @p0 .LBB2_1-.Ltmp1, $4  }
0x16c: {  	s28 =	simm.s32 $0x7C00;
	s29 =	simm.s32 $0x8400;
	s1 =	simm.s32 $0x8C00  }
0x16d: {  	s4 =	simm.s32 $0x9C00;
	s11 =	simm.s32 $0xA400;
	[sflag:s10] =	ssyncset.done $0x0  }
0x16e: {  	s31 =	simm.s32 $0xAC00;
	s25 =	simm.s32 $0x6C00;
	[sflag:s10] =	ssyncadd.s32 $0xFFFF4000  }
0x16f: {  	[dreg:$0x8] =	wrdreg s0;
	s26 =	simm.s32 $0x7400;
	s0 =	simm.s32 $0x9400  }
0x170: {  	_ =	sfence.sel $0x180000  }
0x171: {  	[bflag:$0x0] =	sbarrier.arrive $0xFFFF  }
0x172: {  	_ =	strace $0x90000050  }
0x173: {  	s0 =	stileid.u32;
	[bflag:$0x2] =	sbarrier.arrive $0xFFFF  }
0x174: {  	p0 =	sne.s32 s0, $0x0;
	s0 =	rddreg [dreg:$0x2]  }
0x175: {  	s0 =	sadd.s32 @!p0 $0x100000, s0  }
0x176: {  	[sflag:s0] =	ssyncadd.tile.s32 @!p0 $0x1;
	_ =	shalt  }
.Lfunc_end2:
_tile_overlayer_lowered:
.L_overlay_start_2:
0x177: {  	(tag) =	ssettag $0x2  }
0x178: {  	s0 =	rddreg [dreg:$0x0];
	s2 =	stileid.u32  }
0x179: {  	s1 =	rddreg [dreg:$0x1];
	p0 =	sne.s32 s2, $0x0  }
0x17a: {  	s3 =	rddreg [dreg:$0x2];
	[bflag:$0x3] =	sbarrier.arrive $0xFFFF;
	s2 =	simm.s32 @!p0 $0x1C03  }
0x17b: {  	[timem:s3], [sflag:s2] =	dma.local @!p0 [hbm:s0], s1  }
0x17c: {  	s0 =	simm.s32 @!p0 $0x3  }
0x17d: {  	_ =	swait.ge @!p0 [sflag:s0], s1  }
0x17e: {  	s1 =	ssub.s32 @!p0 $0x0, s1;
	[sflag:s0] =	ssyncset.done @!p0 $0x0  }
0x17f: {  	[sflag:s0] =	ssyncadd.s32 @!p0 s1  }
0x180: {  	[bflag:$0x3] =	sbarrier.arrive $0xFFFF  }
0x181: {  	_ =	shalt  }

</sc_bundles>
